<compile_context>
chip_gen: v7x
topology: tpu7x:2x2x1
jax: 0.10.2.dev20260603
libtpu: 0.0.44.dev20260713+nightly
codegen_flags: <defaults>
</compile_context>

<pallas_src>
import functools

import jax
import jax.numpy as jnp
from jax import lax
from jax.experimental import pallas as pl
from jax.experimental.pallas import tpu as pltpu
from jax.experimental.pallas import tpu_sc as plsc

N = 10000
D = 128
H = 128
K = 32
R2 = 0.15 * 0.15
NPAD = 10240
BQ = 80
BD = 400
NW = 32
CH = 80
INF = 1e30


def _proj_body(x_ref, posp_ref, w1a_ref, w1b_ref, b1_ref, g_ref, q_ref):
    q = jnp.dot(posp_ref[...], w1b_ref[...], preferred_element_type=jnp.float32)
    q_ref[...] = q
    g_ref[...] = (
        jnp.dot(x_ref[...], w1a_ref[...], preferred_element_type=jnp.float32)
        + q + b1_ref[...]
    )


def _project(x, posp, w1a, w1b, b1r):
    blk = 1000
    return pl.pallas_call(
        _proj_body,
        grid=(N // blk,),
        in_specs=[
            pl.BlockSpec((blk, D), lambda i: (i, 0)),
            pl.BlockSpec((blk, 8), lambda i: (i, 0)),
            pl.BlockSpec((D, H), lambda i: (0, 0)),
            pl.BlockSpec((8, H), lambda i: (0, 0)),
            pl.BlockSpec((1, H), lambda i: (0, 0)),
        ],
        out_specs=[
            pl.BlockSpec((blk, H), lambda i: (i, 0)),
            pl.BlockSpec((blk, H), lambda i: (i, 0)),
        ],
        out_shape=[
            jax.ShapeDtypeStruct((N, H), jnp.float32),
            jax.ShapeDtypeStruct((N, H), jnp.float32),
        ],
    )(x, posp, w1a, w1b, b1r)


def _select_body(row0, q_ref, p_ref, nbr_ref):
    dx = q_ref[:, 0:1] - p_ref[0:1, :]
    dy = q_ref[:, 1:2] - p_ref[1:2, :]
    dz = q_ref[:, 2:3] - p_ref[2:3, :]
    d2 = dx * dx + dy * dy + dz * dz
    valid = (d2 <= R2) & (q_ref[:, 3:4] == p_ref[3:4, :])
    colid = lax.broadcasted_iota(jnp.int32, (BQ, NPAD), 1)
    qd2 = (d2 * (65535.0 / R2)).astype(jnp.int32)
    kbits = qd2 * 16384 + colid + jnp.int32(1 << 23)
    packed = jnp.where(valid, lax.bitcast_convert_type(kbits, jnp.float32), INF)

    selfid = (row0 + pl.program_id(0) * BQ
              + lax.broadcasted_iota(jnp.int32, (BQ, 1), 0))
    m = jnp.min(packed, axis=1, keepdims=True)
    cols = []
    for k in range(K):
        mi = lax.bitcast_convert_type(m, jnp.int32)
        cols.append(jnp.where(m < INF, jnp.bitwise_and(mi, 16383), selfid))
        if k < K - 1:
            packed = jnp.where(packed == m, INF, packed)
            m = jnp.min(packed, axis=1, keepdims=True)
    nbr_ref[...] = jnp.concatenate(cols, axis=1)


def _select(qall_h, prow, row0, nh):
    return pl.pallas_call(
        functools.partial(_select_body, row0),
        grid=(nh // BQ,),
        in_specs=[
            pl.BlockSpec((BQ, 8), lambda i: (i, 0)),
            pl.BlockSpec((8, NPAD), lambda i: (0, 0)),
        ],
        out_specs=pl.BlockSpec((BQ, K), lambda i: (i, 0)),
        out_shape=jax.ShapeDtypeStruct((nh, K), jnp.int32),
    )(qall_h, prow)


def _gather_body(rows_per_w, g_hbm, idx_hbm, out_hbm, idx_v, rows_v, sem):
    wid = lax.axis_index("s") * 2 + lax.axis_index("c")
    base = wid * rows_per_w

    def step(i, carry):
        off = base + i * CH
        pltpu.sync_copy(idx_hbm.at[pl.ds(off, CH)], idx_v)
        pltpu.async_copy(g_hbm.at[idx_v], rows_v, sem).wait()
        pltpu.sync_copy(rows_v, out_hbm.at[pl.ds(off, CH)])
        return carry

    lax.fori_loop(0, rows_per_w // CH, step, 0)


@functools.cache
def _make_gather(nh):
    return pl.kernel(
        functools.partial(_gather_body, K * nh // NW),
        out_type=jax.ShapeDtypeStruct((K * nh, H), jnp.float32),
        mesh=plsc.VectorSubcoreMesh(core_axis_name="c", subcore_axis_name="s"),
        scratch_types=[
            pltpu.VMEM((CH,), jnp.int32),
            pltpu.VMEM((CH, H), jnp.float32),
            pltpu.SemaphoreType.DMA,
        ],
    )


def _reduce_body(gg_ref, q_ref, w2_ref, b2_ref, out_ref):
    q = q_ref[...]
    acc = jnp.full((BD, H), -INF, dtype=jnp.float32)
    for k in range(K):
        p = jnp.maximum(gg_ref[k] - q, 0.0)
        h = jnp.dot(p, w2_ref[...], preferred_element_type=jnp.float32)
        acc = jnp.maximum(acc, h)
    out_ref[...] = acc + b2_ref[...]


def _reduce(gg3, q, w2, b2r):
    nh = q.shape[0]
    return pl.pallas_call(
        _reduce_body,
        grid=(nh // BD,),
        in_specs=[
            pl.BlockSpec((K, BD, H), lambda i: (0, i, 0)),
            pl.BlockSpec((BD, H), lambda i: (i, 0)),
            pl.BlockSpec((H, H), lambda i: (0, 0)),
            pl.BlockSpec((1, H), lambda i: (0, 0)),
        ],
        out_specs=pl.BlockSpec((BD, H), lambda i: (i, 0)),
        out_shape=jax.ShapeDtypeStruct((nh, H), jnp.float32),
    )(gg3, q, w2, b2r)


def kernel(x, pos, batch, W1, b1, W2, b2):
    w1a = W1[:D]
    w1b = jnp.zeros((8, H), jnp.float32).at[:3].set(W1[D:])
    b1r = b1.reshape(1, H)
    b2r = b2.reshape(1, H)

    batf = batch.astype(jnp.float32)
    qall = jnp.concatenate(
        [pos, batf[:, None], jnp.zeros((N, 4), jnp.float32)], axis=1)
    pad4 = jnp.broadcast_to(
        jnp.array([[1e3], [1e3], [1e3], [-1.0]], jnp.float32), (4, NPAD - N))
    prow = jnp.concatenate([
        jnp.concatenate([pos.T, batf[None, :]], axis=0),
        pad4,
    ], axis=1)
    prow = jnp.concatenate([prow, jnp.zeros((4, NPAD), jnp.float32)], axis=0)

    g, q = _project(x, qall, w1a, w1b, b1r)

    outs = []
    for row0, nh in ((0, 4800), (4800, 5200)):
        nbr = _select(qall[row0:row0 + nh], prow, row0, nh)
        idx_flat = jnp.transpose(nbr).reshape(-1)
        gg = _make_gather(nh)(g, idx_flat)
        outs.append(_reduce(gg.reshape(K, nh, H), q[row0:row0 + nh], W2, b2r))
    out_x = jnp.concatenate(outs, axis=0)
    return out_x, pos, batch

# --- scband reference (transcript-rebuilt; emitter-appended) ---
"""Pipeline reference for scband-set-abstraction-89438398972560 (READ-ONLY COPY).

The authoritative reference and input builder live on the scoring server;
editing this copy changes nothing except your own understanding.
"""

import jax, jax.numpy as jnp
import numpy as np

N = 10000
D = 128
H = 128
R = 0.15
K = 32
B = 4
CHUNK = 1000

def setup_inputs(seed: int = 0):
    key = jax.random.key(seed)
    k1, k2, k3, k4, k5 = jax.random.split(key, 5)
    x = jax.random.normal(k1, (N, D), dtype=jnp.float32)
    pos = jax.random.uniform(k2, (N, 3), dtype=jnp.float32)
    batch = jnp.sort(jax.random.randint(k3, (N,), 0, B))
    W1 = jax.random.normal(k4, (D + 3, H), dtype=jnp.float32) * (1.0 / np.sqrt(D + 3))
    b1 = jnp.zeros((H,), dtype=jnp.float32)
    W2 = jax.random.normal(k5, (H, H), dtype=jnp.float32) * (1.0 / np.sqrt(H))
    b2 = jnp.zeros((H,), dtype=jnp.float32)
    return {"x": x, "pos": pos, "batch": batch, "W1": W1, "b1": b1, "W2": W2, "b2": b2}


def reference(x, pos, batch, W1, b1, W2, b2):
    # ratio == 1.0 -> idx = range(N), so pos[idx] == pos, batch[idx] == batch, x_dst == x (no FPS).
    r2 = R * R
    outs = []
    for s in range(0, N, CHUNK):
        q = jnp.arange(s, s + CHUNK)
        qpos = pos[q]
        qb = batch[q]
        # radius(pos, pos[idx], r, batch, batch[idx], max_num_neighbors=K)
        d2 = jnp.sum((qpos[:, None, :] - pos[None, :, :]) ** 2, axis=-1)
        valid = (d2 <= r2) & (qb[:, None] == batch[None, :])
        score = jnp.where(valid, -d2, -jnp.inf)
        vals, nbr = jax.lax.top_k(score, K)  # up to K neighbors within radius; self (d=0) always included -> self loop
        vmask = vals > -jnp.inf
        xj = x[nbr]                               # gather source features [CHUNK, K, D]
        rel = pos[nbr] - qpos[:, None, :]         # pos_j - pos_i
        h = jnp.concatenate([xj, rel], axis=-1)   # PointNetConv message: cat([x_j, pos_j - pos_i])
        h = jax.nn.relu(h @ W1 + b1)              # local_nn = MLP(131 -> 128 -> 128)
        h = h @ W2 + b2
        h = jnp.where(vmask[:, :, None], h, -jnp.inf)
        agg = jnp.max(h, axis=1)                  # PointNetConv default aggr='max'
        agg = jnp.where(jnp.isfinite(agg), agg, 0.0)
        outs.append(agg)
    out_x = jnp.concatenate(outs, axis=0)
    return out_x, pos, batch

if __name__ == "__main__":
    import jax
    _d = setup_inputs()
    print(jax.jit(kernel)(*tuple(_d.values())))

</pallas_src>

<mosaic_0001>
#map = affine_map<(d0, d1) -> (0, 0)>
#map1 = affine_map<(d0, d1) -> (0)>
module attributes {stable_mosaic.version = 14 : i64} {
  func.func @_gather_body(%arg0: i32, %arg1: i32, %arg2: memref<10000x128xf32, #tpu.memory_space<hbm>>, %arg3: memref<153600xi32, #tpu.memory_space<hbm>>, %arg4: memref<153600x128xf32, #tpu.memory_space<hbm>>, %arg5: memref<80xi32, #tpu.memory_space<vmem>>, %arg6: memref<80x128xf32, #tpu.memory_space<vmem>>, %arg7: memref<!tpu.dma_semaphore, #tpu.memory_space<semaphore_mem>>) attributes {dimension_semantics = [#tpu.dimension_semantics<core_parallel>, #tpu.dimension_semantics<subcore_parallel>], iteration_bounds = array<i64: 2, 16>, scalar_prefetch = 0 : i64, scratch_operands = 3 : i64, tpu.core_type = #tpu.core_type<sc_vector_subcore>, window_params = [{transform_indices = #map}, {transform_indices = #map1}, {transform_indices = #map}]} {
    %mul3A = arith.constant 2 : i32
    %mul3A_0 = arith.muli %arg1, %mul3A : i32
    %add3A = arith.addi %mul3A_0, %arg0 : i32
    %mul3A_1 = arith.constant 4800 : i32
    %mul3A_2 = arith.muli %add3A, %mul3A_1 : i32
    %scan3A = arith.constant 0 : i32
    %scan3A_3 = arith.constant 0 : i32
    %scan3A_4 = arith.constant 60 : i32
    %scan3A_5 = arith.addi %scan3A_3, %scan3A_4 : i32
    %scan3A_6 = arith.constant 1 : i32
    scf.for %scan3A_8 = %scan3A_3 to %scan3A_5 step %scan3A_6  : i32 {
      %mul3A_9 = arith.constant 80 : i32
      %mul3A_10 = arith.muli %scan3A_8, %mul3A_9 : i32
      %add3A_11 = arith.addi %mul3A_2, %mul3A_10 : i32
      "tpu.region"() ({
        %run_scoped3A = tpu.sem_alloc : memref<!tpu.dma_semaphore, #tpu.memory_space<semaphore_mem>>
        %dma_start3A_16 = tpu.memref_slice %arg3[%add3A_11] : memref<153600xi32, #tpu.memory_space<hbm>> -> memref<80xi32, #tpu.memory_space<hbm>>
        %dma_start3A_17 = tpu.memref_slice %arg3[%add3A_11] : memref<153600xi32, #tpu.memory_space<hbm>> -> memref<80xi32, #tpu.memory_space<hbm>>
        tpu.enqueue_dma source(%dma_start3A_17 : memref<80xi32, #tpu.memory_space<hbm>>) target(%arg5 : memref<80xi32, #tpu.memory_space<vmem>>) target_semaphore(%run_scoped3A : memref<!tpu.dma_semaphore, #tpu.memory_space<semaphore_mem>>)
        %dma_wait3A_18 = tpu.memref_slice %arg3[%add3A_11] : memref<153600xi32, #tpu.memory_space<hbm>> -> memref<80xi32, #tpu.memory_space<hbm>>
        %dma_wait3A_19 = tpu.memref_slice %arg3[%add3A_11] : memref<153600xi32, #tpu.memory_space<hbm>> -> memref<80xi32, #tpu.memory_space<hbm>>
        tpu.wait_dma2 semaphore(%run_scoped3A : memref<!tpu.dma_semaphore, #tpu.memory_space<semaphore_mem>>) src(%dma_wait3A_19 : memref<80xi32, #tpu.memory_space<hbm>>) dst(%arg5 : memref<80xi32, #tpu.memory_space<vmem>>)
        tpu.yield
      }) : () -> ()
      %dma_start3A = arith.constant 0 : i32
      %dma_start3A_12 = arith.constant 0 : i32
      %dma_start3A_13 = tpu.memref_slice %arg2[%dma_start3A, %dma_start3A_12] : memref<10000x128xf32, #tpu.memory_space<hbm>> -> memref<10000x128xf32, #tpu.memory_space<hbm>>
      tpu.enqueue_indirect_dma source(%dma_start3A_13 : memref<10000x128xf32, #tpu.memory_space<hbm>>) target(%arg6 : memref<80x128xf32, #tpu.memory_space<vmem>>) offsets(%arg5 : memref<80xi32, #tpu.memory_space<vmem>>) semaphore(%arg7 : memref<!tpu.dma_semaphore, #tpu.memory_space<semaphore_mem>>)
      %dma_wait3A = arith.constant 0 : i32
      %dma_wait3A_14 = arith.constant 0 : i32
      %dma_wait3A_15 = tpu.memref_slice %arg2[%dma_wait3A, %dma_wait3A_14] : memref<10000x128xf32, #tpu.memory_space<hbm>> -> memref<10000x128xf32, #tpu.memory_space<hbm>>
      tpu.wait_indirect_dma semaphore(%arg7 : memref<!tpu.dma_semaphore, #tpu.memory_space<semaphore_mem>>) src(%dma_wait3A_15 : memref<10000x128xf32, #tpu.memory_space<hbm>>) dst(%arg6 : memref<80x128xf32, #tpu.memory_space<vmem>>)
      "tpu.region"() ({
        %run_scoped3A = tpu.sem_alloc : memref<!tpu.dma_semaphore, #tpu.memory_space<semaphore_mem>>
        %dma_start3A_16 = arith.constant 0 : i32
        %dma_start3A_17 = tpu.memref_slice %arg4[%add3A_11, %dma_start3A_16] : memref<153600x128xf32, #tpu.memory_space<hbm>> -> memref<80x128xf32, #tpu.memory_space<hbm>>
        %dma_start3A_18 = arith.constant 0 : i32
        %dma_start3A_19 = tpu.memref_slice %arg4[%add3A_11, %dma_start3A_18] : memref<153600x128xf32, #tpu.memory_space<hbm>> -> memref<80x128xf32, #tpu.memory_space<hbm>>
        tpu.enqueue_dma source(%arg6 : memref<80x128xf32, #tpu.memory_space<vmem>>) target(%dma_start3A_19 : memref<80x128xf32, #tpu.memory_space<hbm>>) target_semaphore(%run_scoped3A : memref<!tpu.dma_semaphore, #tpu.memory_space<semaphore_mem>>)
        %dma_wait3A_20 = arith.constant 0 : i32
        %dma_wait3A_21 = tpu.memref_slice %arg4[%add3A_11, %dma_wait3A_20] : memref<153600x128xf32, #tpu.memory_space<hbm>> -> memref<80x128xf32, #tpu.memory_space<hbm>>
        %dma_wait3A_22 = arith.constant 0 : i32
        %dma_wait3A_23 = tpu.memref_slice %arg4[%add3A_11, %dma_wait3A_22] : memref<153600x128xf32, #tpu.memory_space<hbm>> -> memref<80x128xf32, #tpu.memory_space<hbm>>
        tpu.wait_dma2 semaphore(%run_scoped3A : memref<!tpu.dma_semaphore, #tpu.memory_space<semaphore_mem>>) src(%arg6 : memref<80x128xf32, #tpu.memory_space<vmem>>) dst(%dma_wait3A_23 : memref<80x128xf32, #tpu.memory_space<hbm>>)
        tpu.yield
      }) : () -> ()
    }
    %scan3A_7 = arith.constant 60 : i32
    return
  }
}

#map = affine_map<(d0, d1) -> (0, 0)>
#map1 = affine_map<(d0, d1) -> (0)>
module attributes {stable_mosaic.version = 14 : i64} {
  func.func @_gather_body(%arg0: i32, %arg1: i32, %arg2: memref<10000x128xf32, #tpu.memory_space<hbm>>, %arg3: memref<166400xi32, #tpu.memory_space<hbm>>, %arg4: memref<166400x128xf32, #tpu.memory_space<hbm>>, %arg5: memref<80xi32, #tpu.memory_space<vmem>>, %arg6: memref<80x128xf32, #tpu.memory_space<vmem>>, %arg7: memref<!tpu.dma_semaphore, #tpu.memory_space<semaphore_mem>>) attributes {dimension_semantics = [#tpu.dimension_semantics<core_parallel>, #tpu.dimension_semantics<subcore_parallel>], iteration_bounds = array<i64: 2, 16>, scalar_prefetch = 0 : i64, scratch_operands = 3 : i64, tpu.core_type = #tpu.core_type<sc_vector_subcore>, window_params = [{transform_indices = #map}, {transform_indices = #map1}, {transform_indices = #map}]} {
    %mul3A = arith.constant 2 : i32
    %mul3A_0 = arith.muli %arg1, %mul3A : i32
    %add3A = arith.addi %mul3A_0, %arg0 : i32
    %mul3A_1 = arith.constant 5200 : i32
    %mul3A_2 = arith.muli %add3A, %mul3A_1 : i32
    %scan3A = arith.constant 0 : i32
    %scan3A_3 = arith.constant 0 : i32
    %scan3A_4 = arith.constant 65 : i32
    %scan3A_5 = arith.addi %scan3A_3, %scan3A_4 : i32
    %scan3A_6 = arith.constant 1 : i32
    scf.for %scan3A_8 = %scan3A_3 to %scan3A_5 step %scan3A_6  : i32 {
      %mul3A_9 = arith.constant 80 : i32
      %mul3A_10 = arith.muli %scan3A_8, %mul3A_9 : i32
      %add3A_11 = arith.addi %mul3A_2, %mul3A_10 : i32
      "tpu.region"() ({
        %run_scoped3A = tpu.sem_alloc : memref<!tpu.dma_semaphore, #tpu.memory_space<semaphore_mem>>
        %dma_start3A_16 = tpu.memref_slice %arg3[%add3A_11] : memref<166400xi32, #tpu.memory_space<hbm>> -> memref<80xi32, #tpu.memory_space<hbm>>
        %dma_start3A_17 = tpu.memref_slice %arg3[%add3A_11] : memref<166400xi32, #tpu.memory_space<hbm>> -> memref<80xi32, #tpu.memory_space<hbm>>
        tpu.enqueue_dma source(%dma_start3A_17 : memref<80xi32, #tpu.memory_space<hbm>>) target(%arg5 : memref<80xi32, #tpu.memory_space<vmem>>) target_semaphore(%run_scoped3A : memref<!tpu.dma_semaphore, #tpu.memory_space<semaphore_mem>>)
        %dma_wait3A_18 = tpu.memref_slice %arg3[%add3A_11] : memref<166400xi32, #tpu.memory_space<hbm>> -> memref<80xi32, #tpu.memory_space<hbm>>
        %dma_wait3A_19 = tpu.memref_slice %arg3[%add3A_11] : memref<166400xi32, #tpu.memory_space<hbm>> -> memref<80xi32, #tpu.memory_space<hbm>>
        tpu.wait_dma2 semaphore(%run_scoped3A : memref<!tpu.dma_semaphore, #tpu.memory_space<semaphore_mem>>) src(%dma_wait3A_19 : memref<80xi32, #tpu.memory_space<hbm>>) dst(%arg5 : memref<80xi32, #tpu.memory_space<vmem>>)
        tpu.yield
      }) : () -> ()
      %dma_start3A = arith.constant 0 : i32
      %dma_start3A_12 = arith.constant 0 : i32
      %dma_start3A_13 = tpu.memref_slice %arg2[%dma_start3A, %dma_start3A_12] : memref<10000x128xf32, #tpu.memory_space<hbm>> -> memref<10000x128xf32, #tpu.memory_space<hbm>>
      tpu.enqueue_indirect_dma source(%dma_start3A_13 : memref<10000x128xf32, #tpu.memory_space<hbm>>) target(%arg6 : memref<80x128xf32, #tpu.memory_space<vmem>>) offsets(%arg5 : memref<80xi32, #tpu.memory_space<vmem>>) semaphore(%arg7 : memref<!tpu.dma_semaphore, #tpu.memory_space<semaphore_mem>>)
      %dma_wait3A = arith.constant 0 : i32
      %dma_wait3A_14 = arith.constant 0 : i32
      %dma_wait3A_15 = tpu.memref_slice %arg2[%dma_wait3A, %dma_wait3A_14] : memref<10000x128xf32, #tpu.memory_space<hbm>> -> memref<10000x128xf32, #tpu.memory_space<hbm>>
      tpu.wait_indirect_dma semaphore(%arg7 : memref<!tpu.dma_semaphore, #tpu.memory_space<semaphore_mem>>) src(%dma_wait3A_15 : memref<10000x128xf32, #tpu.memory_space<hbm>>) dst(%arg6 : memref<80x128xf32, #tpu.memory_space<vmem>>)
      "tpu.region"() ({
        %run_scoped3A = tpu.sem_alloc : memref<!tpu.dma_semaphore, #tpu.memory_space<semaphore_mem>>
        %dma_start3A_16 = arith.constant 0 : i32
        %dma_start3A_17 = tpu.memref_slice %arg4[%add3A_11, %dma_start3A_16] : memref<166400x128xf32, #tpu.memory_space<hbm>> -> memref<80x128xf32, #tpu.memory_space<hbm>>
        %dma_start3A_18 = arith.constant 0 : i32
        %dma_start3A_19 = tpu.memref_slice %arg4[%add3A_11, %dma_start3A_18] : memref<166400x128xf32, #tpu.memory_space<hbm>> -> memref<80x128xf32, #tpu.memory_space<hbm>>
        tpu.enqueue_dma source(%arg6 : memref<80x128xf32, #tpu.memory_space<vmem>>) target(%dma_start3A_19 : memref<80x128xf32, #tpu.memory_space<hbm>>) target_semaphore(%run_scoped3A : memref<!tpu.dma_semaphore, #tpu.memory_space<semaphore_mem>>)
        %dma_wait3A_20 = arith.constant 0 : i32
        %dma_wait3A_21 = tpu.memref_slice %arg4[%add3A_11, %dma_wait3A_20] : memref<166400x128xf32, #tpu.memory_space<hbm>> -> memref<80x128xf32, #tpu.memory_space<hbm>>
        %dma_wait3A_22 = arith.constant 0 : i32
        %dma_wait3A_23 = tpu.memref_slice %arg4[%add3A_11, %dma_wait3A_22] : memref<166400x128xf32, #tpu.memory_space<hbm>> -> memref<80x128xf32, #tpu.memory_space<hbm>>
        tpu.wait_dma2 semaphore(%run_scoped3A : memref<!tpu.dma_semaphore, #tpu.memory_space<semaphore_mem>>) src(%arg6 : memref<80x128xf32, #tpu.memory_space<vmem>>) dst(%dma_wait3A_23 : memref<80x128xf32, #tpu.memory_space<hbm>>)
        tpu.yield
      }) : () -> ()
    }
    %scan3A_7 = arith.constant 65 : i32
    return
  }
}

module attributes {stable_mosaic.version = 14 : i64} {
  func.func @_select_body(%arg0: i32, %arg1: memref<80x8xf32, #tpu.memory_space<vmem>>, %arg2: memref<8x10240xf32, #tpu.memory_space<vmem>>, %arg3: memref<80x32xi32, #tpu.memory_space<vmem>>) attributes {dimension_semantics = [#tpu.dimension_semantics<arbitrary>], iteration_bounds = array<i64: 60>, scalar_prefetch = 0 : i64, scratch_operands = 0 : i64, tpu.core_type = #tpu.core_type<tc>, window_params = [{transform_indices = @transform_0, window_bounds = array<i64: 80, 8>}, {pipeline_mode = #tpu.pipeline_mode<synchronous>, transform_indices = @transform_1, window_bounds = array<i64: 8, 10240>}, {transform_indices = @transform_2, window_bounds = array<i64: 80, 32>}]} {
    %get3A = arith.constant 0 : index
    %get3A_0 = arith.constant 0 : index
    %get3A_1 = vector.load %arg1[%get3A, %get3A_0] : memref<80x8xf32, #tpu.memory_space<vmem>>, vector<80x1xf32>
    %get3A_2 = arith.constant 0 : index
    %get3A_3 = arith.constant 0 : index
    %get3A_4 = vector.load %arg2[%get3A_2, %get3A_3] : memref<8x10240xf32, #tpu.memory_space<vmem>>, vector<1x10240xf32>
    %sub3A = vector.broadcast %get3A_1 : vector<80x1xf32> to vector<80x10240xf32>
    %sub3A_5 = vector.broadcast %get3A_4 : vector<1x10240xf32> to vector<80x10240xf32>
    %sub3A_6 = arith.subf %sub3A, %sub3A_5 : vector<80x10240xf32>
    %get3A_7 = arith.constant 0 : index
    %get3A_8 = arith.constant 1 : index
    %get3A_9 = vector.load %arg1[%get3A_7, %get3A_8] : memref<80x8xf32, #tpu.memory_space<vmem>>, vector<80x1xf32>
    %get3A_10 = arith.constant 1 : index
    %get3A_11 = arith.constant 0 : index
    %get3A_12 = vector.load %arg2[%get3A_10, %get3A_11] : memref<8x10240xf32, #tpu.memory_space<vmem>>, vector<1x10240xf32>
    %sub3A_13 = vector.broadcast %get3A_9 : vector<80x1xf32> to vector<80x10240xf32>
    %sub3A_14 = vector.broadcast %get3A_12 : vector<1x10240xf32> to vector<80x10240xf32>
    %sub3A_15 = arith.subf %sub3A_13, %sub3A_14 : vector<80x10240xf32>
    %get3A_16 = arith.constant 0 : index
    %get3A_17 = arith.constant 2 : index
    %get3A_18 = vector.load %arg1[%get3A_16, %get3A_17] : memref<80x8xf32, #tpu.memory_space<vmem>>, vector<80x1xf32>
    %get3A_19 = arith.constant 2 : index
    %get3A_20 = arith.constant 0 : index
    %get3A_21 = vector.load %arg2[%get3A_19, %get3A_20] : memref<8x10240xf32, #tpu.memory_space<vmem>>, vector<1x10240xf32>
    %sub3A_22 = vector.broadcast %get3A_18 : vector<80x1xf32> to vector<80x10240xf32>
    %sub3A_23 = vector.broadcast %get3A_21 : vector<1x10240xf32> to vector<80x10240xf32>
    %sub3A_24 = arith.subf %sub3A_22, %sub3A_23 : vector<80x10240xf32>
    %mul3A = arith.mulf %sub3A_6, %sub3A_6 : vector<80x10240xf32>
    %mul3A_25 = arith.mulf %sub3A_15, %sub3A_15 : vector<80x10240xf32>
    %add3A = arith.addf %mul3A, %mul3A_25 : vector<80x10240xf32>
    %mul3A_26 = arith.mulf %sub3A_24, %sub3A_24 : vector<80x10240xf32>
    %add3A_27 = arith.addf %add3A, %mul3A_26 : vector<80x10240xf32>
    %le3A = arith.constant 2.250000e-02 : f32
    %le3A_28 = vector.broadcast %le3A : f32 to vector<80x10240xf32>
    %le3A_29 = arith.cmpf ole, %add3A_27, %le3A_28 : vector<80x10240xf32>
    %get3A_30 = arith.constant 0 : index
    %get3A_31 = arith.constant 3 : index
    %get3A_32 = vector.load %arg1[%get3A_30, %get3A_31] : memref<80x8xf32, #tpu.memory_space<vmem>>, vector<80x1xf32>
    %get3A_33 = arith.constant 3 : index
    %get3A_34 = arith.constant 0 : index
    %get3A_35 = vector.load %arg2[%get3A_33, %get3A_34] : memref<8x10240xf32, #tpu.memory_space<vmem>>, vector<1x10240xf32>
    %eq3A = vector.broadcast %get3A_32 : vector<80x1xf32> to vector<80x10240xf32>
    %eq3A_36 = vector.broadcast %get3A_35 : vector<1x10240xf32> to vector<80x10240xf32>
    %eq3A_37 = arith.cmpf oeq, %eq3A, %eq3A_36 : vector<80x10240xf32>
    %and3A = arith.andi %le3A_29, %eq3A_37 : vector<80x10240xi1>
    %iota3A = tpu.iota {dimensions = array<i32: 1>} : vector<80x10240xi32>
    %mul3A_38 = arith.constant 2912666.75 : f32
    %mul3A_39 = vector.broadcast %mul3A_38 : f32 to vector<80x10240xf32>
    %mul3A_40 = arith.mulf %add3A_27, %mul3A_39 : vector<80x10240xf32>
    %convert_element_type3A = arith.fptosi %mul3A_40 : vector<80x10240xf32> to vector<80x10240xi32>
    %mul3A_41 = arith.constant 16384 : i32
    %mul3A_42 = vector.broadcast %mul3A_41 : i32 to vector<80x10240xi32>
    %mul3A_43 = arith.muli %convert_element_type3A, %mul3A_42 : vector<80x10240xi32>
    %add3A_44 = arith.addi %mul3A_43, %iota3A : vector<80x10240xi32>
    %add3A_45 = arith.constant 8388608 : i32
    %add3A_46 = vector.broadcast %add3A_45 : i32 to vector<80x10240xi32>
    %add3A_47 = arith.addi %add3A_44, %add3A_46 : vector<80x10240xi32>
    %bitcast_convert_type3A = tpu.bitcast %add3A_47 : vector<80x10240xi32> -> vector<80x10240xf32>
    %jit3A = arith.constant 1.000000e+30 : f32
    %broadcast_in_dim3A = vector.broadcast %jit3A : f32 to vector<80x10240xf32>
    %select_n3A = arith.select %and3A, %bitcast_convert_type3A, %broadcast_in_dim3A : vector<80x10240xi1>, vector<80x10240xf32>
    %mul3A_48 = arith.constant 80 : i32
    %mul3A_49 = arith.muli %arg0, %mul3A_48 : i32
    %add3A_50 = arith.constant 0 : i32
    %add3A_51 = arith.addi %add3A_50, %mul3A_49 : i32
    %iota3A_52 = tpu.iota {dimensions = array<i32: 0>} : vector<80x1xi32>
    %add3A_53 = vector.broadcast %add3A_51 : i32 to vector<80x1xi32>
    %add3A_54 = arith.addi %add3A_53, %iota3A_52 : vector<80x1xi32>
    %reduce_min3A = arith.constant dense<0x7F800000> : vector<80xf32>
    %reduce_min3A_55 = vector.multi_reduction <minimumf>, %select_n3A, %reduce_min3A [1] : vector<80x10240xf32> to vector<80xf32>
    %broadcast_in_dim3A_56 = vector.shape_cast %reduce_min3A_55 : vector<80xf32> to vector<80x1xf32>
    %bitcast_convert_type3A_57 = tpu.bitcast %broadcast_in_dim3A_56 : vector<80x1xf32> -> vector<80x1xi32>
    %lt3A = arith.constant 1.000000e+30 : f32
    %lt3A_58 = vector.broadcast %lt3A : f32 to vector<80x1xf32>
    %lt3A_59 = arith.cmpf olt, %broadcast_in_dim3A_56, %lt3A_58 : vector<80x1xf32>
    %and3A_60 = arith.constant 16383 : i32
    %and3A_61 = vector.broadcast %and3A_60 : i32 to vector<80x1xi32>
    %and3A_62 = arith.andi %bitcast_convert_type3A_57, %and3A_61 : vector<80x1xi32>
    %select_n3A_63 = arith.select %lt3A_59, %and3A_62, %add3A_54 : vector<80x1xi1>, vector<80x1xi32>
    %eq3A_64 = vector.broadcast %broadcast_in_dim3A_56 : vector<80x1xf32> to vector<80x10240xf32>
    %eq3A_65 = arith.cmpf oeq, %select_n3A, %eq3A_64 : vector<80x10240xf32>
    %jit3A_66 = arith.constant 1.000000e+30 : f32
    %broadcast_in_dim3A_67 = vector.broadcast %jit3A_66 : f32 to vector<80x10240xf32>
    %select_n3A_68 = arith.select %eq3A_65, %broadcast_in_dim3A_67, %select_n3A : vector<80x10240xi1>, vector<80x10240xf32>
    %reduce_min3A_69 = arith.constant dense<0x7F800000> : vector<80xf32>
    %reduce_min3A_70 = vector.multi_reduction <minimumf>, %select_n3A_68, %reduce_min3A_69 [1] : vector<80x10240xf32> to vector<80xf32>
    %broadcast_in_dim3A_71 = vector.shape_cast %reduce_min3A_70 : vector<80xf32> to vector<80x1xf32>
    %bitcast_convert_type3A_72 = tpu.bitcast %broadcast_in_dim3A_71 : vector<80x1xf32> -> vector<80x1xi32>
    %lt3A_73 = arith.constant 1.000000e+30 : f32
    %lt3A_74 = vector.broadcast %lt3A_73 : f32 to vector<80x1xf32>
    %lt3A_75 = arith.cmpf olt, %broadcast_in_dim3A_71, %lt3A_74 : vector<80x1xf32>
    %and3A_76 = arith.constant 16383 : i32
    %and3A_77 = vector.broadcast %and3A_76 : i32 to vector<80x1xi32>
    %and3A_78 = arith.andi %bitcast_convert_type3A_72, %and3A_77 : vector<80x1xi32>
    %select_n3A_79 = arith.select %lt3A_75, %and3A_78, %add3A_54 : vector<80x1xi1>, vector<80x1xi32>
    %eq3A_80 = vector.broadcast %broadcast_in_dim3A_71 : vector<80x1xf32> to vector<80x10240xf32>
    %eq3A_81 = arith.cmpf oeq, %select_n3A_68, %eq3A_80 : vector<80x10240xf32>
    %jit3A_82 = arith.constant 1.000000e+30 : f32
    %broadcast_in_dim3A_83 = vector.broadcast %jit3A_82 : f32 to vector<80x10240xf32>
    %select_n3A_84 = arith.select %eq3A_81, %broadcast_in_dim3A_83, %select_n3A_68 : vector<80x10240xi1>, vector<80x10240xf32>
    %reduce_min3A_85 = arith.constant dense<0x7F800000> : vector<80xf32>
    %reduce_min3A_86 = vector.multi_reduction <minimumf>, %select_n3A_84, %reduce_min3A_85 [1] : vector<80x10240xf32> to vector<80xf32>
    %broadcast_in_dim3A_87 = vector.shape_cast %reduce_min3A_86 : vector<80xf32> to vector<80x1xf32>
    %bitcast_convert_type3A_88 = tpu.bitcast %broadcast_in_dim3A_87 : vector<80x1xf32> -> vector<80x1xi32>
    %lt3A_89 = arith.constant 1.000000e+30 : f32
    %lt3A_90 = vector.broadcast %lt3A_89 : f32 to vector<80x1xf32>
    %lt3A_91 = arith.cmpf olt, %broadcast_in_dim3A_87, %lt3A_90 : vector<80x1xf32>
    %and3A_92 = arith.constant 16383 : i32
    %and3A_93 = vector.broadcast %and3A_92 : i32 to vector<80x1xi32>
    %and3A_94 = arith.andi %bitcast_convert_type3A_88, %and3A_93 : vector<80x1xi32>
    %select_n3A_95 = arith.select %lt3A_91, %and3A_94, %add3A_54 : vector<80x1xi1>, vector<80x1xi32>
    %eq3A_96 = vector.broadcast %broadcast_in_dim3A_87 : vector<80x1xf32> to vector<80x10240xf32>
    %eq3A_97 = arith.cmpf oeq, %select_n3A_84, %eq3A_96 : vector<80x10240xf32>
    %jit3A_98 = arith.constant 1.000000e+30 : f32
    %broadcast_in_dim3A_99 = vector.broadcast %jit3A_98 : f32 to vector<80x10240xf32>
    %select_n3A_100 = arith.select %eq3A_97, %broadcast_in_dim3A_99, %select_n3A_84 : vector<80x10240xi1>, vector<80x10240xf32>
    %reduce_min3A_101 = arith.constant dense<0x7F800000> : vector<80xf32>
    %reduce_min3A_102 = vector.multi_reduction <minimumf>, %select_n3A_100, %reduce_min3A_101 [1] : vector<80x10240xf32> to vector<80xf32>
    %broadcast_in_dim3A_103 = vector.shape_cast %reduce_min3A_102 : vector<80xf32> to vector<80x1xf32>
    %bitcast_convert_type3A_104 = tpu.bitcast %broadcast_in_dim3A_103 : vector<80x1xf32> -> vector<80x1xi32>
    %lt3A_105 = arith.constant 1.000000e+30 : f32
    %lt3A_106 = vector.broadcast %lt3A_105 : f32 to vector<80x1xf32>
    %lt3A_107 = arith.cmpf olt, %broadcast_in_dim3A_103, %lt3A_106 : vector<80x1xf32>
    %and3A_108 = arith.constant 16383 : i32
    %and3A_109 = vector.broadcast %and3A_108 : i32 to vector<80x1xi32>
    %and3A_110 = arith.andi %bitcast_convert_type3A_104, %and3A_109 : vector<80x1xi32>
    %select_n3A_111 = arith.select %lt3A_107, %and3A_110, %add3A_54 : vector<80x1xi1>, vector<80x1xi32>
    %eq3A_112 = vector.broadcast %broadcast_in_dim3A_103 : vector<80x1xf32> to vector<80x10240xf32>
    %eq3A_113 = arith.cmpf oeq, %select_n3A_100, %eq3A_112 : vector<80x10240xf32>
    %jit3A_114 = arith.constant 1.000000e+30 : f32
    %broadcast_in_dim3A_115 = vector.broadcast %jit3A_114 : f32 to vector<80x10240xf32>
    %select_n3A_116 = arith.select %eq3A_113, %broadcast_in_dim3A_115, %select_n3A_100 : vector<80x10240xi1>, vector<80x10240xf32>
    %reduce_min3A_117 = arith.constant dense<0x7F800000> : vector<80xf32>
    %reduce_min3A_118 = vector.multi_reduction <minimumf>, %select_n3A_116, %reduce_min3A_117 [1] : vector<80x10240xf32> to vector<80xf32>
    %broadcast_in_dim3A_119 = vector.shape_cast %reduce_min3A_118 : vector<80xf32> to vector<80x1xf32>
    %bitcast_convert_type3A_120 = tpu.bitcast %broadcast_in_dim3A_119 : vector<80x1xf32> -> vector<80x1xi32>
    %lt3A_121 = arith.constant 1.000000e+30 : f32
    %lt3A_122 = vector.broadcast %lt3A_121 : f32 to vector<80x1xf32>
    %lt3A_123 = arith.cmpf olt, %broadcast_in_dim3A_119, %lt3A_122 : vector<80x1xf32>
    %and3A_124 = arith.constant 16383 : i32
    %and3A_125 = vector.broadcast %and3A_124 : i32 to vector<80x1xi32>
    %and3A_126 = arith.andi %bitcast_convert_type3A_120, %and3A_125 : vector<80x1xi32>
    %select_n3A_127 = arith.select %lt3A_123, %and3A_126, %add3A_54 : vector<80x1xi1>, vector<80x1xi32>
    %eq3A_128 = vector.broadcast %broadcast_in_dim3A_119 : vector<80x1xf32> to vector<80x10240xf32>
    %eq3A_129 = arith.cmpf oeq, %select_n3A_116, %eq3A_128 : vector<80x10240xf32>
    %jit3A_130 = arith.constant 1.000000e+30 : f32
    %broadcast_in_dim3A_131 = vector.broadcast %jit3A_130 : f32 to vector<80x10240xf32>
    %select_n3A_132 = arith.select %eq3A_129, %broadcast_in_dim3A_131, %select_n3A_116 : vector<80x10240xi1>, vector<80x10240xf32>
    %reduce_min3A_133 = arith.constant dense<0x7F800000> : vector<80xf32>
    %reduce_min3A_134 = vector.multi_reduction <minimumf>, %select_n3A_132, %reduce_min3A_133 [1] : vector<80x10240xf32> to vector<80xf32>
    %broadcast_in_dim3A_135 = vector.shape_cast %reduce_min3A_134 : vector<80xf32> to vector<80x1xf32>
    %bitcast_convert_type3A_136 = tpu.bitcast %broadcast_in_dim3A_135 : vector<80x1xf32> -> vector<80x1xi32>
    %lt3A_137 = arith.constant 1.000000e+30 : f32
    %lt3A_138 = vector.broadcast %lt3A_137 : f32 to vector<80x1xf32>
    %lt3A_139 = arith.cmpf olt, %broadcast_in_dim3A_135, %lt3A_138 : vector<80x1xf32>
    %and3A_140 = arith.constant 16383 : i32
    %and3A_141 = vector.broadcast %and3A_140 : i32 to vector<80x1xi32>
    %and3A_142 = arith.andi %bitcast_convert_type3A_136, %and3A_141 : vector<80x1xi32>
    %select_n3A_143 = arith.select %lt3A_139, %and3A_142, %add3A_54 : vector<80x1xi1>, vector<80x1xi32>
    %eq3A_144 = vector.broadcast %broadcast_in_dim3A_135 : vector<80x1xf32> to vector<80x10240xf32>
    %eq3A_145 = arith.cmpf oeq, %select_n3A_132, %eq3A_144 : vector<80x10240xf32>
    %jit3A_146 = arith.constant 1.000000e+30 : f32
    %broadcast_in_dim3A_147 = vector.broadcast %jit3A_146 : f32 to vector<80x10240xf32>
    %select_n3A_148 = arith.select %eq3A_145, %broadcast_in_dim3A_147, %select_n3A_132 : vector<80x10240xi1>, vector<80x10240xf32>
    %reduce_min3A_149 = arith.constant dense<0x7F800000> : vector<80xf32>
    %reduce_min3A_150 = vector.multi_reduction <minimumf>, %select_n3A_148, %reduce_min3A_149 [1] : vector<80x10240xf32> to vector<80xf32>
    %broadcast_in_dim3A_151 = vector.shape_cast %reduce_min3A_150 : vector<80xf32> to vector<80x1xf32>
    %bitcast_convert_type3A_152 = tpu.bitcast %broadcast_in_dim3A_151 : vector<80x1xf32> -> vector<80x1xi32>
    %lt3A_153 = arith.constant 1.000000e+30 : f32
    %lt3A_154 = vector.broadcast %lt3A_153 : f32 to vector<80x1xf32>
    %lt3A_155 = arith.cmpf olt, %broadcast_in_dim3A_151, %lt3A_154 : vector<80x1xf32>
    %and3A_156 = arith.constant 16383 : i32
    %and3A_157 = vector.broadcast %and3A_156 : i32 to vector<80x1xi32>
    %and3A_158 = arith.andi %bitcast_convert_type3A_152, %and3A_157 : vector<80x1xi32>
    %select_n3A_159 = arith.select %lt3A_155, %and3A_158, %add3A_54 : vector<80x1xi1>, vector<80x1xi32>
    %eq3A_160 = vector.broadcast %broadcast_in_dim3A_151 : vector<80x1xf32> to vector<80x10240xf32>
    %eq3A_161 = arith.cmpf oeq, %select_n3A_148, %eq3A_160 : vector<80x10240xf32>
    %jit3A_162 = arith.constant 1.000000e+30 : f32
    %broadcast_in_dim3A_163 = vector.broadcast %jit3A_162 : f32 to vector<80x10240xf32>
    %select_n3A_164 = arith.select %eq3A_161, %broadcast_in_dim3A_163, %select_n3A_148 : vector<80x10240xi1>, vector<80x10240xf32>
    %reduce_min3A_165 = arith.constant dense<0x7F800000> : vector<80xf32>
    %reduce_min3A_166 = vector.multi_reduction <minimumf>, %select_n3A_164, %reduce_min3A_165 [1] : vector<80x10240xf32> to vector<80xf32>
    %broadcast_in_dim3A_167 = vector.shape_cast %reduce_min3A_166 : vector<80xf32> to vector<80x1xf32>
    %bitcast_convert_type3A_168 = tpu.bitcast %broadcast_in_dim3A_167 : vector<80x1xf32> -> vector<80x1xi32>
    %lt3A_169 = arith.constant 1.000000e+30 : f32
    %lt3A_170 = vector.broadcast %lt3A_169 : f32 to vector<80x1xf32>
    %lt3A_171 = arith.cmpf olt, %broadcast_in_dim3A_167, %lt3A_170 : vector<80x1xf32>
    %and3A_172 = arith.constant 16383 : i32
    %and3A_173 = vector.broadcast %and3A_172 : i32 to vector<80x1xi32>
    %and3A_174 = arith.andi %bitcast_convert_type3A_168, %and3A_173 : vector<80x1xi32>
    %select_n3A_175 = arith.select %lt3A_171, %and3A_174, %add3A_54 : vector<80x1xi1>, vector<80x1xi32>
    %eq3A_176 = vector.broadcast %broadcast_in_dim3A_167 : vector<80x1xf32> to vector<80x10240xf32>
    %eq3A_177 = arith.cmpf oeq, %select_n3A_164, %eq3A_176 : vector<80x10240xf32>
    %jit3A_178 = arith.constant 1.000000e+30 : f32
    %broadcast_in_dim3A_179 = vector.broadcast %jit3A_178 : f32 to vector<80x10240xf32>
    %select_n3A_180 = arith.select %eq3A_177, %broadcast_in_dim3A_179, %select_n3A_164 : vector<80x10240xi1>, vector<80x10240xf32>
    %reduce_min3A_181 = arith.constant dense<0x7F800000> : vector<80xf32>
    %reduce_min3A_182 = vector.multi_reduction <minimumf>, %select_n3A_180, %reduce_min3A_181 [1] : vector<80x10240xf32> to vector<80xf32>
    %broadcast_in_dim3A_183 = vector.shape_cast %reduce_min3A_182 : vector<80xf32> to vector<80x1xf32>
    %bitcast_convert_type3A_184 = tpu.bitcast %broadcast_in_dim3A_183 : vector<80x1xf32> -> vector<80x1xi32>
    %lt3A_185 = arith.constant 1.000000e+30 : f32
    %lt3A_186 = vector.broadcast %lt3A_185 : f32 to vector<80x1xf32>
    %lt3A_187 = arith.cmpf olt, %broadcast_in_dim3A_183, %lt3A_186 : vector<80x1xf32>
    %and3A_188 = arith.constant 16383 : i32
    %and3A_189 = vector.broadcast %and3A_188 : i32 to vector<80x1xi32>
    %and3A_190 = arith.andi %bitcast_convert_type3A_184, %and3A_189 : vector<80x1xi32>
    %select_n3A_191 = arith.select %lt3A_187, %and3A_190, %add3A_54 : vector<80x1xi1>, vector<80x1xi32>
    %eq3A_192 = vector.broadcast %broadcast_in_dim3A_183 : vector<80x1xf32> to vector<80x10240xf32>
    %eq3A_193 = arith.cmpf oeq, %select_n3A_180, %eq3A_192 : vector<80x10240xf32>
    %jit3A_194 = arith.constant 1.000000e+30 : f32
    %broadcast_in_dim3A_195 = vector.broadcast %jit3A_194 : f32 to vector<80x10240xf32>
    %select_n3A_196 = arith.select %eq3A_193, %broadcast_in_dim3A_195, %select_n3A_180 : vector<80x10240xi1>, vector<80x10240xf32>
    %reduce_min3A_197 = arith.constant dense<0x7F800000> : vector<80xf32>
    %reduce_min3A_198 = vector.multi_reduction <minimumf>, %select_n3A_196, %reduce_min3A_197 [1] : vector<80x10240xf32> to vector<80xf32>
    %broadcast_in_dim3A_199 = vector.shape_cast %reduce_min3A_198 : vector<80xf32> to vector<80x1xf32>
    %bitcast_convert_type3A_200 = tpu.bitcast %broadcast_in_dim3A_199 : vector<80x1xf32> -> vector<80x1xi32>
    %lt3A_201 = arith.constant 1.000000e+30 : f32
    %lt3A_202 = vector.broadcast %lt3A_201 : f32 to vector<80x1xf32>
    %lt3A_203 = arith.cmpf olt, %broadcast_in_dim3A_199, %lt3A_202 : vector<80x1xf32>
    %and3A_204 = arith.constant 16383 : i32
    %and3A_205 = vector.broadcast %and3A_204 : i32 to vector<80x1xi32>
    %and3A_206 = arith.andi %bitcast_convert_type3A_200, %and3A_205 : vector<80x1xi32>
    %select_n3A_207 = arith.select %lt3A_203, %and3A_206, %add3A_54 : vector<80x1xi1>, vector<80x1xi32>
    %eq3A_208 = vector.broadcast %broadcast_in_dim3A_199 : vector<80x1xf32> to vector<80x10240xf32>
    %eq3A_209 = arith.cmpf oeq, %select_n3A_196, %eq3A_208 : vector<80x10240xf32>
    %jit3A_210 = arith.constant 1.000000e+30 : f32
    %broadcast_in_dim3A_211 = vector.broadcast %jit3A_210 : f32 to vector<80x10240xf32>
    %select_n3A_212 = arith.select %eq3A_209, %broadcast_in_dim3A_211, %select_n3A_196 : vector<80x10240xi1>, vector<80x10240xf32>
    %reduce_min3A_213 = arith.constant dense<0x7F800000> : vector<80xf32>
    %reduce_min3A_214 = vector.multi_reduction <minimumf>, %select_n3A_212, %reduce_min3A_213 [1] : vector<80x10240xf32> to vector<80xf32>
    %broadcast_in_dim3A_215 = vector.shape_cast %reduce_min3A_214 : vector<80xf32> to vector<80x1xf32>
    %bitcast_convert_type3A_216 = tpu.bitcast %broadcast_in_dim3A_215 : vector<80x1xf32> -> vector<80x1xi32>
    %lt3A_217 = arith.constant 1.000000e+30 : f32
    %lt3A_218 = vector.broadcast %lt3A_217 : f32 to vector<80x1xf32>
    %lt3A_219 = arith.cmpf olt, %broadcast_in_dim3A_215, %lt3A_218 : vector<80x1xf32>
    %and3A_220 = arith.constant 16383 : i32
    %and3A_221 = vector.broadcast %and3A_220 : i32 to vector<80x1xi32>
    %and3A_222 = arith.andi %bitcast_convert_type3A_216, %and3A_221 : vector<80x1xi32>
    %select_n3A_223 = arith.select %lt3A_219, %and3A_222, %add3A_54 : vector<80x1xi1>, vector<80x1xi32>
    %eq3A_224 = vector.broadcast %broadcast_in_dim3A_215 : vector<80x1xf32> to vector<80x10240xf32>
    %eq3A_225 = arith.cmpf oeq, %select_n3A_212, %eq3A_224 : vector<80x10240xf32>
    %jit3A_226 = arith.constant 1.000000e+30 : f32
    %broadcast_in_dim3A_227 = vector.broadcast %jit3A_226 : f32 to vector<80x10240xf32>
    %select_n3A_228 = arith.select %eq3A_225, %broadcast_in_dim3A_227, %select_n3A_212 : vector<80x10240xi1>, vector<80x10240xf32>
    %reduce_min3A_229 = arith.constant dense<0x7F800000> : vector<80xf32>
    %reduce_min3A_230 = vector.multi_reduction <minimumf>, %select_n3A_228, %reduce_min3A_229 [1] : vector<80x10240xf32> to vector<80xf32>
    %broadcast_in_dim3A_231 = vector.shape_cast %reduce_min3A_230 : vector<80xf32> to vector<80x1xf32>
    %bitcast_convert_type3A_232 = tpu.bitcast %broadcast_in_dim3A_231 : vector<80x1xf32> -> vector<80x1xi32>
    %lt3A_233 = arith.constant 1.000000e+30 : f32
    %lt3A_234 = vector.broadcast %lt3A_233 : f32 to vector<80x1xf32>
    %lt3A_235 = arith.cmpf olt, %broadcast_in_dim3A_231, %lt3A_234 : vector<80x1xf32>
    %and3A_236 = arith.constant 16383 : i32
    %and3A_237 = vector.broadcast %and3A_236 : i32 to vector<80x1xi32>
    %and3A_238 = arith.andi %bitcast_convert_type3A_232, %and3A_237 : vector<80x1xi32>
    %select_n3A_239 = arith.select %lt3A_235, %and3A_238, %add3A_54 : vector<80x1xi1>, vector<80x1xi32>
    %eq3A_240 = vector.broadcast %broadcast_in_dim3A_231 : vector<80x1xf32> to vector<80x10240xf32>
    %eq3A_241 = arith.cmpf oeq, %select_n3A_228, %eq3A_240 : vector<80x10240xf32>
    %jit3A_242 = arith.constant 1.000000e+30 : f32
    %broadcast_in_dim3A_243 = vector.broadcast %jit3A_242 : f32 to vector<80x10240xf32>
    %select_n3A_244 = arith.select %eq3A_241, %broadcast_in_dim3A_243, %select_n3A_228 : vector<80x10240xi1>, vector<80x10240xf32>
    %reduce_min3A_245 = arith.constant dense<0x7F800000> : vector<80xf32>
    %reduce_min3A_246 = vector.multi_reduction <minimumf>, %select_n3A_244, %reduce_min3A_245 [1] : vector<80x10240xf32> to vector<80xf32>
    %broadcast_in_dim3A_247 = vector.shape_cast %reduce_min3A_246 : vector<80xf32> to vector<80x1xf32>
    %bitcast_convert_type3A_248 = tpu.bitcast %broadcast_in_dim3A_247 : vector<80x1xf32> -> vector<80x1xi32>
    %lt3A_249 = arith.constant 1.000000e+30 : f32
    %lt3A_250 = vector.broadcast %lt3A_249 : f32 to vector<80x1xf32>
    %lt3A_251 = arith.cmpf olt, %broadcast_in_dim3A_247, %lt3A_250 : vector<80x1xf32>
    %and3A_252 = arith.constant 16383 : i32
    %and3A_253 = vector.broadcast %and3A_252 : i32 to vector<80x1xi32>
    %and3A_254 = arith.andi %bitcast_convert_type3A_248, %and3A_253 : vector<80x1xi32>
    %select_n3A_255 = arith.select %lt3A_251, %and3A_254, %add3A_54 : vector<80x1xi1>, vector<80x1xi32>
    %eq3A_256 = vector.broadcast %broadcast_in_dim3A_247 : vector<80x1xf32> to vector<80x10240xf32>
    %eq3A_257 = arith.cmpf oeq, %select_n3A_244, %eq3A_256 : vector<80x10240xf32>
    %jit3A_258 = arith.constant 1.000000e+30 : f32
    %broadcast_in_dim3A_259 = vector.broadcast %jit3A_258 : f32 to vector<80x10240xf32>
    %select_n3A_260 = arith.select %eq3A_257, %broadcast_in_dim3A_259, %select_n3A_244 : vector<80x10240xi1>, vector<80x10240xf32>
    %reduce_min3A_261 = arith.constant dense<0x7F800000> : vector<80xf32>
    %reduce_min3A_262 = vector.multi_reduction <minimumf>, %select_n3A_260, %reduce_min3A_261 [1] : vector<80x10240xf32> to vector<80xf32>
    %broadcast_in_dim3A_263 = vector.shape_cast %reduce_min3A_262 : vector<80xf32> to vector<80x1xf32>
    %bitcast_convert_type3A_264 = tpu.bitcast %broadcast_in_dim3A_263 : vector<80x1xf32> -> vector<80x1xi32>
    %lt3A_265 = arith.constant 1.000000e+30 : f32
    %lt3A_266 = vector.broadcast %lt3A_265 : f32 to vector<80x1xf32>
    %lt3A_267 = arith.cmpf olt, %broadcast_in_dim3A_263, %lt3A_266 : vector<80x1xf32>
    %and3A_268 = arith.constant 16383 : i32
    %and3A_269 = vector.broadcast %and3A_268 : i32 to vector<80x1xi32>
    %and3A_270 = arith.andi %bitcast_convert_type3A_264, %and3A_269 : vector<80x1xi32>
    %select_n3A_271 = arith.select %lt3A_267, %and3A_270, %add3A_54 : vector<80x1xi1>, vector<80x1xi32>
    %eq3A_272 = vector.broadcast %broadcast_in_dim3A_263 : vector<80x1xf32> to vector<80x10240xf32>
    %eq3A_273 = arith.cmpf oeq, %select_n3A_260, %eq3A_272 : vector<80x10240xf32>
    %jit3A_274 = arith.constant 1.000000e+30 : f32
    %broadcast_in_dim3A_275 = vector.broadcast %jit3A_274 : f32 to vector<80x10240xf32>
    %select_n3A_276 = arith.select %eq3A_273, %broadcast_in_dim3A_275, %select_n3A_260 : vector<80x10240xi1>, vector<80x10240xf32>
    %reduce_min3A_277 = arith.constant dense<0x7F800000> : vector<80xf32>
    %reduce_min3A_278 = vector.multi_reduction <minimumf>, %select_n3A_276, %reduce_min3A_277 [1] : vector<80x10240xf32> to vector<80xf32>
    %broadcast_in_dim3A_279 = vector.shape_cast %reduce_min3A_278 : vector<80xf32> to vector<80x1xf32>
    %bitcast_convert_type3A_280 = tpu.bitcast %broadcast_in_dim3A_279 : vector<80x1xf32> -> vector<80x1xi32>
    %lt3A_281 = arith.constant 1.000000e+30 : f32
    %lt3A_282 = vector.broadcast %lt3A_281 : f32 to vector<80x1xf32>
    %lt3A_283 = arith.cmpf olt, %broadcast_in_dim3A_279, %lt3A_282 : vector<80x1xf32>
    %and3A_284 = arith.constant 16383 : i32
    %and3A_285 = vector.broadcast %and3A_284 : i32 to vector<80x1xi32>
    %and3A_286 = arith.andi %bitcast_convert_type3A_280, %and3A_285 : vector<80x1xi32>
    %select_n3A_287 = arith.select %lt3A_283, %and3A_286, %add3A_54 : vector<80x1xi1>, vector<80x1xi32>
    %eq3A_288 = vector.broadcast %broadcast_in_dim3A_279 : vector<80x1xf32> to vector<80x10240xf32>
    %eq3A_289 = arith.cmpf oeq, %select_n3A_276, %eq3A_288 : vector<80x10240xf32>
    %jit3A_290 = arith.constant 1.000000e+30 : f32
    %broadcast_in_dim3A_291 = vector.broadcast %jit3A_290 : f32 to vector<80x10240xf32>
    %select_n3A_292 = arith.select %eq3A_289, %broadcast_in_dim3A_291, %select_n3A_276 : vector<80x10240xi1>, vector<80x10240xf32>
    %reduce_min3A_293 = arith.constant dense<0x7F800000> : vector<80xf32>
    %reduce_min3A_294 = vector.multi_reduction <minimumf>, %select_n3A_292, %reduce_min3A_293 [1] : vector<80x10240xf32> to vector<80xf32>
    %broadcast_in_dim3A_295 = vector.shape_cast %reduce_min3A_294 : vector<80xf32> to vector<80x1xf32>
    %bitcast_convert_type3A_296 = tpu.bitcast %broadcast_in_dim3A_295 : vector<80x1xf32> -> vector<80x1xi32>
    %lt3A_297 = arith.constant 1.000000e+30 : f32
    %lt3A_298 = vector.broadcast %lt3A_297 : f32 to vector<80x1xf32>
    %lt3A_299 = arith.cmpf olt, %broadcast_in_dim3A_295, %lt3A_298 : vector<80x1xf32>
    %and3A_300 = arith.constant 16383 : i32
    %and3A_301 = vector.broadcast %and3A_300 : i32 to vector<80x1xi32>
    %and3A_302 = arith.andi %bitcast_convert_type3A_296, %and3A_301 : vector<80x1xi32>
    %select_n3A_303 = arith.select %lt3A_299, %and3A_302, %add3A_54 : vector<80x1xi1>, vector<80x1xi32>
    %eq3A_304 = vector.broadcast %broadcast_in_dim3A_295 : vector<80x1xf32> to vector<80x10240xf32>
    %eq3A_305 = arith.cmpf oeq, %select_n3A_292, %eq3A_304 : vector<80x10240xf32>
    %jit3A_306 = arith.constant 1.000000e+30 : f32
    %broadcast_in_dim3A_307 = vector.broadcast %jit3A_306 : f32 to vector<80x10240xf32>
    %select_n3A_308 = arith.select %eq3A_305, %broadcast_in_dim3A_307, %select_n3A_292 : vector<80x10240xi1>, vector<80x10240xf32>
    %reduce_min3A_309 = arith.constant dense<0x7F800000> : vector<80xf32>
    %reduce_min3A_310 = vector.multi_reduction <minimumf>, %select_n3A_308, %reduce_min3A_309 [1] : vector<80x10240xf32> to vector<80xf32>
    %broadcast_in_dim3A_311 = vector.shape_cast %reduce_min3A_310 : vector<80xf32> to vector<80x1xf32>
    %bitcast_convert_type3A_312 = tpu.bitcast %broadcast_in_dim3A_311 : vector<80x1xf32> -> vector<80x1xi32>
    %lt3A_313 = arith.constant 1.000000e+30 : f32
    %lt3A_314 = vector.broadcast %lt3A_313 : f32 to vector<80x1xf32>
    %lt3A_315 = arith.cmpf olt, %broadcast_in_dim3A_311, %lt3A_314 : vector<80x1xf32>
    %and3A_316 = arith.constant 16383 : i32
    %and3A_317 = vector.broadcast %and3A_316 : i32 to vector<80x1xi32>
    %and3A_318 = arith.andi %bitcast_convert_type3A_312, %and3A_317 : vector<80x1xi32>
    %select_n3A_319 = arith.select %lt3A_315, %and3A_318, %add3A_54 : vector<80x1xi1>, vector<80x1xi32>
    %eq3A_320 = vector.broadcast %broadcast_in_dim3A_311 : vector<80x1xf32> to vector<80x10240xf32>
    %eq3A_321 = arith.cmpf oeq, %select_n3A_308, %eq3A_320 : vector<80x10240xf32>
    %jit3A_322 = arith.constant 1.000000e+30 : f32
    %broadcast_in_dim3A_323 = vector.broadcast %jit3A_322 : f32 to vector<80x10240xf32>
    %select_n3A_324 = arith.select %eq3A_321, %broadcast_in_dim3A_323, %select_n3A_308 : vector<80x10240xi1>, vector<80x10240xf32>
    %reduce_min3A_325 = arith.constant dense<0x7F800000> : vector<80xf32>
    %reduce_min3A_326 = vector.multi_reduction <minimumf>, %select_n3A_324, %reduce_min3A_325 [1] : vector<80x10240xf32> to vector<80xf32>
    %broadcast_in_dim3A_327 = vector.shape_cast %reduce_min3A_326 : vector<80xf32> to vector<80x1xf32>
    %bitcast_convert_type3A_328 = tpu.bitcast %broadcast_in_dim3A_327 : vector<80x1xf32> -> vector<80x1xi32>
    %lt3A_329 = arith.constant 1.000000e+30 : f32
    %lt3A_330 = vector.broadcast %lt3A_329 : f32 to vector<80x1xf32>
    %lt3A_331 = arith.cmpf olt, %broadcast_in_dim3A_327, %lt3A_330 : vector<80x1xf32>
    %and3A_332 = arith.constant 16383 : i32
    %and3A_333 = vector.broadcast %and3A_332 : i32 to vector<80x1xi32>
    %and3A_334 = arith.andi %bitcast_convert_type3A_328, %and3A_333 : vector<80x1xi32>
    %select_n3A_335 = arith.select %lt3A_331, %and3A_334, %add3A_54 : vector<80x1xi1>, vector<80x1xi32>
    %eq3A_336 = vector.broadcast %broadcast_in_dim3A_327 : vector<80x1xf32> to vector<80x10240xf32>
    %eq3A_337 = arith.cmpf oeq, %select_n3A_324, %eq3A_336 : vector<80x10240xf32>
    %jit3A_338 = arith.constant 1.000000e+30 : f32
    %broadcast_in_dim3A_339 = vector.broadcast %jit3A_338 : f32 to vector<80x10240xf32>
    %select_n3A_340 = arith.select %eq3A_337, %broadcast_in_dim3A_339, %select_n3A_324 : vector<80x10240xi1>, vector<80x10240xf32>
    %reduce_min3A_341 = arith.constant dense<0x7F800000> : vector<80xf32>
    %reduce_min3A_342 = vector.multi_reduction <minimumf>, %select_n3A_340, %reduce_min3A_341 [1] : vector<80x10240xf32> to vector<80xf32>
    %broadcast_in_dim3A_343 = vector.shape_cast %reduce_min3A_342 : vector<80xf32> to vector<80x1xf32>
    %bitcast_convert_type3A_344 = tpu.bitcast %broadcast_in_dim3A_343 : vector<80x1xf32> -> vector<80x1xi32>
    %lt3A_345 = arith.constant 1.000000e+30 : f32
    %lt3A_346 = vector.broadcast %lt3A_345 : f32 to vector<80x1xf32>
    %lt3A_347 = arith.cmpf olt, %broadcast_in_dim3A_343, %lt3A_346 : vector<80x1xf32>
    %and3A_348 = arith.constant 16383 : i32
    %and3A_349 = vector.broadcast %and3A_348 : i32 to vector<80x1xi32>
    %and3A_350 = arith.andi %bitcast_convert_type3A_344, %and3A_349 : vector<80x1xi32>
    %select_n3A_351 = arith.select %lt3A_347, %and3A_350, %add3A_54 : vector<80x1xi1>, vector<80x1xi32>
    %eq3A_352 = vector.broadcast %broadcast_in_dim3A_343 : vector<80x1xf32> to vector<80x10240xf32>
    %eq3A_353 = arith.cmpf oeq, %select_n3A_340, %eq3A_352 : vector<80x10240xf32>
    %jit3A_354 = arith.constant 1.000000e+30 : f32
    %broadcast_in_dim3A_355 = vector.broadcast %jit3A_354 : f32 to vector<80x10240xf32>
    %select_n3A_356 = arith.select %eq3A_353, %broadcast_in_dim3A_355, %select_n3A_340 : vector<80x10240xi1>, vector<80x10240xf32>
    %reduce_min3A_357 = arith.constant dense<0x7F800000> : vector<80xf32>
    %reduce_min3A_358 = vector.multi_reduction <minimumf>, %select_n3A_356, %reduce_min3A_357 [1] : vector<80x10240xf32> to vector<80xf32>
    %broadcast_in_dim3A_359 = vector.shape_cast %reduce_min3A_358 : vector<80xf32> to vector<80x1xf32>
    %bitcast_convert_type3A_360 = tpu.bitcast %broadcast_in_dim3A_359 : vector<80x1xf32> -> vector<80x1xi32>
    %lt3A_361 = arith.constant 1.000000e+30 : f32
    %lt3A_362 = vector.broadcast %lt3A_361 : f32 to vector<80x1xf32>
    %lt3A_363 = arith.cmpf olt, %broadcast_in_dim3A_359, %lt3A_362 : vector<80x1xf32>
    %and3A_364 = arith.constant 16383 : i32
    %and3A_365 = vector.broadcast %and3A_364 : i32 to vector<80x1xi32>
    %and3A_366 = arith.andi %bitcast_convert_type3A_360, %and3A_365 : vector<80x1xi32>
    %select_n3A_367 = arith.select %lt3A_363, %and3A_366, %add3A_54 : vector<80x1xi1>, vector<80x1xi32>
    %eq3A_368 = vector.broadcast %broadcast_in_dim3A_359 : vector<80x1xf32> to vector<80x10240xf32>
    %eq3A_369 = arith.cmpf oeq, %select_n3A_356, %eq3A_368 : vector<80x10240xf32>
    %jit3A_370 = arith.constant 1.000000e+30 : f32
    %broadcast_in_dim3A_371 = vector.broadcast %jit3A_370 : f32 to vector<80x10240xf32>
    %select_n3A_372 = arith.select %eq3A_369, %broadcast_in_dim3A_371, %select_n3A_356 : vector<80x10240xi1>, vector<80x10240xf32>
    %reduce_min3A_373 = arith.constant dense<0x7F800000> : vector<80xf32>
    %reduce_min3A_374 = vector.multi_reduction <minimumf>, %select_n3A_372, %reduce_min3A_373 [1] : vector<80x10240xf32> to vector<80xf32>
    %broadcast_in_dim3A_375 = vector.shape_cast %reduce_min3A_374 : vector<80xf32> to vector<80x1xf32>
    %bitcast_convert_type3A_376 = tpu.bitcast %broadcast_in_dim3A_375 : vector<80x1xf32> -> vector<80x1xi32>
    %lt3A_377 = arith.constant 1.000000e+30 : f32
    %lt3A_378 = vector.broadcast %lt3A_377 : f32 to vector<80x1xf32>
    %lt3A_379 = arith.cmpf olt, %broadcast_in_dim3A_375, %lt3A_378 : vector<80x1xf32>
    %and3A_380 = arith.constant 16383 : i32
    %and3A_381 = vector.broadcast %and3A_380 : i32 to vector<80x1xi32>
    %and3A_382 = arith.andi %bitcast_convert_type3A_376, %and3A_381 : vector<80x1xi32>
    %select_n3A_383 = arith.select %lt3A_379, %and3A_382, %add3A_54 : vector<80x1xi1>, vector<80x1xi32>
    %eq3A_384 = vector.broadcast %broadcast_in_dim3A_375 : vector<80x1xf32> to vector<80x10240xf32>
    %eq3A_385 = arith.cmpf oeq, %select_n3A_372, %eq3A_384 : vector<80x10240xf32>
    %jit3A_386 = arith.constant 1.000000e+30 : f32
    %broadcast_in_dim3A_387 = vector.broadcast %jit3A_386 : f32 to vector<80x10240xf32>
    %select_n3A_388 = arith.select %eq3A_385, %broadcast_in_dim3A_387, %select_n3A_372 : vector<80x10240xi1>, vector<80x10240xf32>
    %reduce_min3A_389 = arith.constant dense<0x7F800000> : vector<80xf32>
    %reduce_min3A_390 = vector.multi_reduction <minimumf>, %select_n3A_388, %reduce_min3A_389 [1] : vector<80x10240xf32> to vector<80xf32>
    %broadcast_in_dim3A_391 = vector.shape_cast %reduce_min3A_390 : vector<80xf32> to vector<80x1xf32>
    %bitcast_convert_type3A_392 = tpu.bitcast %broadcast_in_dim3A_391 : vector<80x1xf32> -> vector<80x1xi32>
    %lt3A_393 = arith.constant 1.000000e+30 : f32
    %lt3A_394 = vector.broadcast %lt3A_393 : f32 to vector<80x1xf32>
    %lt3A_395 = arith.cmpf olt, %broadcast_in_dim3A_391, %lt3A_394 : vector<80x1xf32>
    %and3A_396 = arith.constant 16383 : i32
    %and3A_397 = vector.broadcast %and3A_396 : i32 to vector<80x1xi32>
    %and3A_398 = arith.andi %bitcast_convert_type3A_392, %and3A_397 : vector<80x1xi32>
    %select_n3A_399 = arith.select %lt3A_395, %and3A_398, %add3A_54 : vector<80x1xi1>, vector<80x1xi32>
    %eq3A_400 = vector.broadcast %broadcast_in_dim3A_391 : vector<80x1xf32> to vector<80x10240xf32>
    %eq3A_401 = arith.cmpf oeq, %select_n3A_388, %eq3A_400 : vector<80x10240xf32>
    %jit3A_402 = arith.constant 1.000000e+30 : f32
    %broadcast_in_dim3A_403 = vector.broadcast %jit3A_402 : f32 to vector<80x10240xf32>
    %select_n3A_404 = arith.select %eq3A_401, %broadcast_in_dim3A_403, %select_n3A_388 : vector<80x10240xi1>, vector<80x10240xf32>
    %reduce_min3A_405 = arith.constant dense<0x7F800000> : vector<80xf32>
    %reduce_min3A_406 = vector.multi_reduction <minimumf>, %select_n3A_404, %reduce_min3A_405 [1] : vector<80x10240xf32> to vector<80xf32>
    %broadcast_in_dim3A_407 = vector.shape_cast %reduce_min3A_406 : vector<80xf32> to vector<80x1xf32>
    %bitcast_convert_type3A_408 = tpu.bitcast %broadcast_in_dim3A_407 : vector<80x1xf32> -> vector<80x1xi32>
    %lt3A_409 = arith.constant 1.000000e+30 : f32
    %lt3A_410 = vector.broadcast %lt3A_409 : f32 to vector<80x1xf32>
    %lt3A_411 = arith.cmpf olt, %broadcast_in_dim3A_407, %lt3A_410 : vector<80x1xf32>
    %and3A_412 = arith.constant 16383 : i32
    %and3A_413 = vector.broadcast %and3A_412 : i32 to vector<80x1xi32>
    %and3A_414 = arith.andi %bitcast_convert_type3A_408, %and3A_413 : vector<80x1xi32>
    %select_n3A_415 = arith.select %lt3A_411, %and3A_414, %add3A_54 : vector<80x1xi1>, vector<80x1xi32>
    %eq3A_416 = vector.broadcast %broadcast_in_dim3A_407 : vector<80x1xf32> to vector<80x10240xf32>
    %eq3A_417 = arith.cmpf oeq, %select_n3A_404, %eq3A_416 : vector<80x10240xf32>
    %jit3A_418 = arith.constant 1.000000e+30 : f32
    %broadcast_in_dim3A_419 = vector.broadcast %jit3A_418 : f32 to vector<80x10240xf32>
    %select_n3A_420 = arith.select %eq3A_417, %broadcast_in_dim3A_419, %select_n3A_404 : vector<80x10240xi1>, vector<80x10240xf32>
    %reduce_min3A_421 = arith.constant dense<0x7F800000> : vector<80xf32>
    %reduce_min3A_422 = vector.multi_reduction <minimumf>, %select_n3A_420, %reduce_min3A_421 [1] : vector<80x10240xf32> to vector<80xf32>
    %broadcast_in_dim3A_423 = vector.shape_cast %reduce_min3A_422 : vector<80xf32> to vector<80x1xf32>
    %bitcast_convert_type3A_424 = tpu.bitcast %broadcast_in_dim3A_423 : vector<80x1xf32> -> vector<80x1xi32>
    %lt3A_425 = arith.constant 1.000000e+30 : f32
    %lt3A_426 = vector.broadcast %lt3A_425 : f32 to vector<80x1xf32>
    %lt3A_427 = arith.cmpf olt, %broadcast_in_dim3A_423, %lt3A_426 : vector<80x1xf32>
    %and3A_428 = arith.constant 16383 : i32
    %and3A_429 = vector.broadcast %and3A_428 : i32 to vector<80x1xi32>
    %and3A_430 = arith.andi %bitcast_convert_type3A_424, %and3A_429 : vector<80x1xi32>
    %select_n3A_431 = arith.select %lt3A_427, %and3A_430, %add3A_54 : vector<80x1xi1>, vector<80x1xi32>
    %eq3A_432 = vector.broadcast %broadcast_in_dim3A_423 : vector<80x1xf32> to vector<80x10240xf32>
    %eq3A_433 = arith.cmpf oeq, %select_n3A_420, %eq3A_432 : vector<80x10240xf32>
    %jit3A_434 = arith.constant 1.000000e+30 : f32
    %broadcast_in_dim3A_435 = vector.broadcast %jit3A_434 : f32 to vector<80x10240xf32>
    %select_n3A_436 = arith.select %eq3A_433, %broadcast_in_dim3A_435, %select_n3A_420 : vector<80x10240xi1>, vector<80x10240xf32>
    %reduce_min3A_437 = arith.constant dense<0x7F800000> : vector<80xf32>
    %reduce_min3A_438 = vector.multi_reduction <minimumf>, %select_n3A_436, %reduce_min3A_437 [1] : vector<80x10240xf32> to vector<80xf32>
    %broadcast_in_dim3A_439 = vector.shape_cast %reduce_min3A_438 : vector<80xf32> to vector<80x1xf32>
    %bitcast_convert_type3A_440 = tpu.bitcast %broadcast_in_dim3A_439 : vector<80x1xf32> -> vector<80x1xi32>
    %lt3A_441 = arith.constant 1.000000e+30 : f32
    %lt3A_442 = vector.broadcast %lt3A_441 : f32 to vector<80x1xf32>
    %lt3A_443 = arith.cmpf olt, %broadcast_in_dim3A_439, %lt3A_442 : vector<80x1xf32>
    %and3A_444 = arith.constant 16383 : i32
    %and3A_445 = vector.broadcast %and3A_444 : i32 to vector<80x1xi32>
    %and3A_446 = arith.andi %bitcast_convert_type3A_440, %and3A_445 : vector<80x1xi32>
    %select_n3A_447 = arith.select %lt3A_443, %and3A_446, %add3A_54 : vector<80x1xi1>, vector<80x1xi32>
    %eq3A_448 = vector.broadcast %broadcast_in_dim3A_439 : vector<80x1xf32> to vector<80x10240xf32>
    %eq3A_449 = arith.cmpf oeq, %select_n3A_436, %eq3A_448 : vector<80x10240xf32>
    %jit3A_450 = arith.constant 1.000000e+30 : f32
    %broadcast_in_dim3A_451 = vector.broadcast %jit3A_450 : f32 to vector<80x10240xf32>
    %select_n3A_452 = arith.select %eq3A_449, %broadcast_in_dim3A_451, %select_n3A_436 : vector<80x10240xi1>, vector<80x10240xf32>
    %reduce_min3A_453 = arith.constant dense<0x7F800000> : vector<80xf32>
    %reduce_min3A_454 = vector.multi_reduction <minimumf>, %select_n3A_452, %reduce_min3A_453 [1] : vector<80x10240xf32> to vector<80xf32>
    %broadcast_in_dim3A_455 = vector.shape_cast %reduce_min3A_454 : vector<80xf32> to vector<80x1xf32>
    %bitcast_convert_type3A_456 = tpu.bitcast %broadcast_in_dim3A_455 : vector<80x1xf32> -> vector<80x1xi32>
    %lt3A_457 = arith.constant 1.000000e+30 : f32
    %lt3A_458 = vector.broadcast %lt3A_457 : f32 to vector<80x1xf32>
    %lt3A_459 = arith.cmpf olt, %broadcast_in_dim3A_455, %lt3A_458 : vector<80x1xf32>
    %and3A_460 = arith.constant 16383 : i32
    %and3A_461 = vector.broadcast %and3A_460 : i32 to vector<80x1xi32>
    %and3A_462 = arith.andi %bitcast_convert_type3A_456, %and3A_461 : vector<80x1xi32>
    %select_n3A_463 = arith.select %lt3A_459, %and3A_462, %add3A_54 : vector<80x1xi1>, vector<80x1xi32>
    %eq3A_464 = vector.broadcast %broadcast_in_dim3A_455 : vector<80x1xf32> to vector<80x10240xf32>
    %eq3A_465 = arith.cmpf oeq, %select_n3A_452, %eq3A_464 : vector<80x10240xf32>
    %jit3A_466 = arith.constant 1.000000e+30 : f32
    %broadcast_in_dim3A_467 = vector.broadcast %jit3A_466 : f32 to vector<80x10240xf32>
    %select_n3A_468 = arith.select %eq3A_465, %broadcast_in_dim3A_467, %select_n3A_452 : vector<80x10240xi1>, vector<80x10240xf32>
    %reduce_min3A_469 = arith.constant dense<0x7F800000> : vector<80xf32>
    %reduce_min3A_470 = vector.multi_reduction <minimumf>, %select_n3A_468, %reduce_min3A_469 [1] : vector<80x10240xf32> to vector<80xf32>
    %broadcast_in_dim3A_471 = vector.shape_cast %reduce_min3A_470 : vector<80xf32> to vector<80x1xf32>
    %bitcast_convert_type3A_472 = tpu.bitcast %broadcast_in_dim3A_471 : vector<80x1xf32> -> vector<80x1xi32>
    %lt3A_473 = arith.constant 1.000000e+30 : f32
    %lt3A_474 = vector.broadcast %lt3A_473 : f32 to vector<80x1xf32>
    %lt3A_475 = arith.cmpf olt, %broadcast_in_dim3A_471, %lt3A_474 : vector<80x1xf32>
    %and3A_476 = arith.constant 16383 : i32
    %and3A_477 = vector.broadcast %and3A_476 : i32 to vector<80x1xi32>
    %and3A_478 = arith.andi %bitcast_convert_type3A_472, %and3A_477 : vector<80x1xi32>
    %select_n3A_479 = arith.select %lt3A_475, %and3A_478, %add3A_54 : vector<80x1xi1>, vector<80x1xi32>
    %eq3A_480 = vector.broadcast %broadcast_in_dim3A_471 : vector<80x1xf32> to vector<80x10240xf32>
    %eq3A_481 = arith.cmpf oeq, %select_n3A_468, %eq3A_480 : vector<80x10240xf32>
    %jit3A_482 = arith.constant 1.000000e+30 : f32
    %broadcast_in_dim3A_483 = vector.broadcast %jit3A_482 : f32 to vector<80x10240xf32>
    %select_n3A_484 = arith.select %eq3A_481, %broadcast_in_dim3A_483, %select_n3A_468 : vector<80x10240xi1>, vector<80x10240xf32>
    %reduce_min3A_485 = arith.constant dense<0x7F800000> : vector<80xf32>
    %reduce_min3A_486 = vector.multi_reduction <minimumf>, %select_n3A_484, %reduce_min3A_485 [1] : vector<80x10240xf32> to vector<80xf32>
    %broadcast_in_dim3A_487 = vector.shape_cast %reduce_min3A_486 : vector<80xf32> to vector<80x1xf32>
    %bitcast_convert_type3A_488 = tpu.bitcast %broadcast_in_dim3A_487 : vector<80x1xf32> -> vector<80x1xi32>
    %lt3A_489 = arith.constant 1.000000e+30 : f32
    %lt3A_490 = vector.broadcast %lt3A_489 : f32 to vector<80x1xf32>
    %lt3A_491 = arith.cmpf olt, %broadcast_in_dim3A_487, %lt3A_490 : vector<80x1xf32>
    %and3A_492 = arith.constant 16383 : i32
    %and3A_493 = vector.broadcast %and3A_492 : i32 to vector<80x1xi32>
    %and3A_494 = arith.andi %bitcast_convert_type3A_488, %and3A_493 : vector<80x1xi32>
    %select_n3A_495 = arith.select %lt3A_491, %and3A_494, %add3A_54 : vector<80x1xi1>, vector<80x1xi32>
    %eq3A_496 = vector.broadcast %broadcast_in_dim3A_487 : vector<80x1xf32> to vector<80x10240xf32>
    %eq3A_497 = arith.cmpf oeq, %select_n3A_484, %eq3A_496 : vector<80x10240xf32>
    %jit3A_498 = arith.constant 1.000000e+30 : f32
    %broadcast_in_dim3A_499 = vector.broadcast %jit3A_498 : f32 to vector<80x10240xf32>
    %select_n3A_500 = arith.select %eq3A_497, %broadcast_in_dim3A_499, %select_n3A_484 : vector<80x10240xi1>, vector<80x10240xf32>
    %reduce_min3A_501 = arith.constant dense<0x7F800000> : vector<80xf32>
    %reduce_min3A_502 = vector.multi_reduction <minimumf>, %select_n3A_500, %reduce_min3A_501 [1] : vector<80x10240xf32> to vector<80xf32>
    %broadcast_in_dim3A_503 = vector.shape_cast %reduce_min3A_502 : vector<80xf32> to vector<80x1xf32>
    %bitcast_convert_type3A_504 = tpu.bitcast %broadcast_in_dim3A_503 : vector<80x1xf32> -> vector<80x1xi32>
    %lt3A_505 = arith.constant 1.000000e+30 : f32
    %lt3A_506 = vector.broadcast %lt3A_505 : f32 to vector<80x1xf32>
    %lt3A_507 = arith.cmpf olt, %broadcast_in_dim3A_503, %lt3A_506 : vector<80x1xf32>
    %and3A_508 = arith.constant 16383 : i32
    %and3A_509 = vector.broadcast %and3A_508 : i32 to vector<80x1xi32>
    %and3A_510 = arith.andi %bitcast_convert_type3A_504, %and3A_509 : vector<80x1xi32>
    %select_n3A_511 = arith.select %lt3A_507, %and3A_510, %add3A_54 : vector<80x1xi1>, vector<80x1xi32>
    %eq3A_512 = vector.broadcast %broadcast_in_dim3A_503 : vector<80x1xf32> to vector<80x10240xf32>
    %eq3A_513 = arith.cmpf oeq, %select_n3A_500, %eq3A_512 : vector<80x10240xf32>
    %jit3A_514 = arith.constant 1.000000e+30 : f32
    %broadcast_in_dim3A_515 = vector.broadcast %jit3A_514 : f32 to vector<80x10240xf32>
    %select_n3A_516 = arith.select %eq3A_513, %broadcast_in_dim3A_515, %select_n3A_500 : vector<80x10240xi1>, vector<80x10240xf32>
    %reduce_min3A_517 = arith.constant dense<0x7F800000> : vector<80xf32>
    %reduce_min3A_518 = vector.multi_reduction <minimumf>, %select_n3A_516, %reduce_min3A_517 [1] : vector<80x10240xf32> to vector<80xf32>
    %broadcast_in_dim3A_519 = vector.shape_cast %reduce_min3A_518 : vector<80xf32> to vector<80x1xf32>
    %bitcast_convert_type3A_520 = tpu.bitcast %broadcast_in_dim3A_519 : vector<80x1xf32> -> vector<80x1xi32>
    %lt3A_521 = arith.constant 1.000000e+30 : f32
    %lt3A_522 = vector.broadcast %lt3A_521 : f32 to vector<80x1xf32>
    %lt3A_523 = arith.cmpf olt, %broadcast_in_dim3A_519, %lt3A_522 : vector<80x1xf32>
    %and3A_524 = arith.constant 16383 : i32
    %and3A_525 = vector.broadcast %and3A_524 : i32 to vector<80x1xi32>
    %and3A_526 = arith.andi %bitcast_convert_type3A_520, %and3A_525 : vector<80x1xi32>
    %select_n3A_527 = arith.select %lt3A_523, %and3A_526, %add3A_54 : vector<80x1xi1>, vector<80x1xi32>
    %eq3A_528 = vector.broadcast %broadcast_in_dim3A_519 : vector<80x1xf32> to vector<80x10240xf32>
    %eq3A_529 = arith.cmpf oeq, %select_n3A_516, %eq3A_528 : vector<80x10240xf32>
    %jit3A_530 = arith.constant 1.000000e+30 : f32
    %broadcast_in_dim3A_531 = vector.broadcast %jit3A_530 : f32 to vector<80x10240xf32>
    %select_n3A_532 = arith.select %eq3A_529, %broadcast_in_dim3A_531, %select_n3A_516 : vector<80x10240xi1>, vector<80x10240xf32>
    %reduce_min3A_533 = arith.constant dense<0x7F800000> : vector<80xf32>
    %reduce_min3A_534 = vector.multi_reduction <minimumf>, %select_n3A_532, %reduce_min3A_533 [1] : vector<80x10240xf32> to vector<80xf32>
    %broadcast_in_dim3A_535 = vector.shape_cast %reduce_min3A_534 : vector<80xf32> to vector<80x1xf32>
    %bitcast_convert_type3A_536 = tpu.bitcast %broadcast_in_dim3A_535 : vector<80x1xf32> -> vector<80x1xi32>
    %lt3A_537 = arith.constant 1.000000e+30 : f32
    %lt3A_538 = vector.broadcast %lt3A_537 : f32 to vector<80x1xf32>
    %lt3A_539 = arith.cmpf olt, %broadcast_in_dim3A_535, %lt3A_538 : vector<80x1xf32>
    %and3A_540 = arith.constant 16383 : i32
    %and3A_541 = vector.broadcast %and3A_540 : i32 to vector<80x1xi32>
    %and3A_542 = arith.andi %bitcast_convert_type3A_536, %and3A_541 : vector<80x1xi32>
    %select_n3A_543 = arith.select %lt3A_539, %and3A_542, %add3A_54 : vector<80x1xi1>, vector<80x1xi32>
    %eq3A_544 = vector.broadcast %broadcast_in_dim3A_535 : vector<80x1xf32> to vector<80x10240xf32>
    %eq3A_545 = arith.cmpf oeq, %select_n3A_532, %eq3A_544 : vector<80x10240xf32>
    %jit3A_546 = arith.constant 1.000000e+30 : f32
    %broadcast_in_dim3A_547 = vector.broadcast %jit3A_546 : f32 to vector<80x10240xf32>
    %select_n3A_548 = arith.select %eq3A_545, %broadcast_in_dim3A_547, %select_n3A_532 : vector<80x10240xi1>, vector<80x10240xf32>
    %reduce_min3A_549 = arith.constant dense<0x7F800000> : vector<80xf32>
    %reduce_min3A_550 = vector.multi_reduction <minimumf>, %select_n3A_548, %reduce_min3A_549 [1] : vector<80x10240xf32> to vector<80xf32>
    %broadcast_in_dim3A_551 = vector.shape_cast %reduce_min3A_550 : vector<80xf32> to vector<80x1xf32>
    %bitcast_convert_type3A_552 = tpu.bitcast %broadcast_in_dim3A_551 : vector<80x1xf32> -> vector<80x1xi32>
    %lt3A_553 = arith.constant 1.000000e+30 : f32
    %lt3A_554 = vector.broadcast %lt3A_553 : f32 to vector<80x1xf32>
    %lt3A_555 = arith.cmpf olt, %broadcast_in_dim3A_551, %lt3A_554 : vector<80x1xf32>
    %and3A_556 = arith.constant 16383 : i32
    %and3A_557 = vector.broadcast %and3A_556 : i32 to vector<80x1xi32>
    %and3A_558 = arith.andi %bitcast_convert_type3A_552, %and3A_557 : vector<80x1xi32>
    %select_n3A_559 = arith.select %lt3A_555, %and3A_558, %add3A_54 : vector<80x1xi1>, vector<80x1xi32>
    %concatenate3A = tpu.concatenate %select_n3A_63, %select_n3A_79, %select_n3A_95, %select_n3A_111, %select_n3A_127, %select_n3A_143, %select_n3A_159, %select_n3A_175, %select_n3A_191, %select_n3A_207, %select_n3A_223, %select_n3A_239, %select_n3A_255, %select_n3A_271, %select_n3A_287, %select_n3A_303, %select_n3A_319, %select_n3A_335, %select_n3A_351, %select_n3A_367, %select_n3A_383, %select_n3A_399, %select_n3A_415, %select_n3A_431, %select_n3A_447, %select_n3A_463, %select_n3A_479, %select_n3A_495, %select_n3A_511, %select_n3A_527, %select_n3A_543, %select_n3A_559 in 1 : vector<80x1xi32>, vector<80x1xi32>, vector<80x1xi32>, vector<80x1xi32>, vector<80x1xi32>, vector<80x1xi32>, vector<80x1xi32>, vector<80x1xi32>, vector<80x1xi32>, vector<80x1xi32>, vector<80x1xi32>, vector<80x1xi32>, vector<80x1xi32>, vector<80x1xi32>, vector<80x1xi32>, vector<80x1xi32>, vector<80x1xi32>, vector<80x1xi32>, vector<80x1xi32>, vector<80x1xi32>, vector<80x1xi32>, vector<80x1xi32>, vector<80x1xi32>, vector<80x1xi32>, vector<80x1xi32>, vector<80x1xi32>, vector<80x1xi32>, vector<80x1xi32>, vector<80x1xi32>, vector<80x1xi32>, vector<80x1xi32>, vector<80x1xi32> -> vector<80x32xi32>
    %swap3A = arith.constant 0 : index
    %swap3A_560 = arith.constant 0 : index
    %swap3A_561 = vector.load %arg3[%swap3A, %swap3A_560] : memref<80x32xi32, #tpu.memory_space<vmem>>, vector<80x32xi32>
    tpu.vector_store %arg3[%swap3A, %swap3A_560], %concatenate3A {strides = array<i32>} : memref<80x32xi32, #tpu.memory_space<vmem>>, vector<80x32xi32>,
    return
  }
  func.func @transform_0(%arg0: i32) -> (i32, i32) {
    %c0_i32 = arith.constant 0 : i32
    %c0_i32_0 = arith.constant 0 : i32
    return %arg0, %c0_i32 : i32, i32
  }
  func.func @transform_1(%arg0: i32) -> (i32, i32) {
    %c0_i32 = arith.constant 0 : i32
    %c0_i32_0 = arith.constant 0 : i32
    %c0_i32_1 = arith.constant 0 : i32
    return %c0_i32, %c0_i32_0 : i32, i32
  }
  func.func @transform_2(%arg0: i32) -> (i32, i32) {
    %c0_i32 = arith.constant 0 : i32
    %c0_i32_0 = arith.constant 0 : i32
    return %arg0, %c0_i32 : i32, i32
  }
}

module attributes {stable_mosaic.version = 14 : i64} {
  func.func @_proj_body(%arg0: i32, %arg1: memref<1000x128xf32, #tpu.memory_space<vmem>>, %arg2: memref<1000x8xf32, #tpu.memory_space<vmem>>, %arg3: memref<128x128xf32, #tpu.memory_space<vmem>>, %arg4: memref<8x128xf32, #tpu.memory_space<vmem>>, %arg5: memref<1x128xf32, #tpu.memory_space<vmem>>, %arg6: memref<1000x128xf32, #tpu.memory_space<vmem>>, %arg7: memref<1000x128xf32, #tpu.memory_space<vmem>>) attributes {dimension_semantics = [#tpu.dimension_semantics<arbitrary>], iteration_bounds = array<i64: 10>, scalar_prefetch = 0 : i64, scratch_operands = 0 : i64, tpu.core_type = #tpu.core_type<tc>, window_params = [{transform_indices = @transform_0, window_bounds = array<i64: 1000, 128>}, {transform_indices = @transform_1, window_bounds = array<i64: 1000, 8>}, {pipeline_mode = #tpu.pipeline_mode<synchronous>, transform_indices = @transform_2, window_bounds = array<i64: 128, 128>}, {pipeline_mode = #tpu.pipeline_mode<synchronous>, transform_indices = @transform_3, window_bounds = array<i64: 8, 128>}, {pipeline_mode = #tpu.pipeline_mode<synchronous>, transform_indices = @transform_4, window_bounds = array<i64: 1, 128>}, {transform_indices = @transform_5, window_bounds = array<i64: 1000, 128>}, {transform_indices = @transform_6, window_bounds = array<i64: 1000, 128>}]} {
    %get3A = arith.constant 0 : index
    %get3A_0 = arith.constant 0 : index
    %get3A_1 = vector.load %arg2[%get3A, %get3A_0] : memref<1000x8xf32, #tpu.memory_space<vmem>>, vector<1000x8xf32>
    %get3A_2 = arith.constant 0 : index
    %get3A_3 = arith.constant 0 : index
    %get3A_4 = vector.load %arg4[%get3A_2, %get3A_3] : memref<8x128xf32, #tpu.memory_space<vmem>>, vector<8x128xf32>
    %dot_general3A = arith.constant dense<0.000000e+00> : vector<1000x128xf32>
    %dot_general3A_5 = tpu.matmul %get3A_1, %get3A_4, %dot_general3A {dimension_numbers = #tpu.dot_dimension_numbers<[1], [0], [0], [1], [0, 0, 1, 1], [], []>, transpose_lhs_hint = false} : vector<1000x8xf32>, vector<8x128xf32>, vector<1000x128xf32> -> vector<1000x128xf32>
    %swap3A = arith.constant 0 : index
    %swap3A_6 = arith.constant 0 : index
    %swap3A_7 = vector.load %arg7[%swap3A, %swap3A_6] : memref<1000x128xf32, #tpu.memory_space<vmem>>, vector<1000x128xf32>
    tpu.vector_store %arg7[%swap3A, %swap3A_6], %dot_general3A_5 {strides = array<i32>} : memref<1000x128xf32, #tpu.memory_space<vmem>>, vector<1000x128xf32>,
    %get3A_8 = arith.constant 0 : index
    %get3A_9 = arith.constant 0 : index
    %get3A_10 = vector.load %arg1[%get3A_8, %get3A_9] : memref<1000x128xf32, #tpu.memory_space<vmem>>, vector<1000x128xf32>
    %get3A_11 = arith.constant 0 : index
    %get3A_12 = arith.constant 0 : index
    %get3A_13 = vector.load %arg3[%get3A_11, %get3A_12] : memref<128x128xf32, #tpu.memory_space<vmem>>, vector<128x128xf32>
    %dot_general3A_14 = arith.constant dense<0.000000e+00> : vector<1000x128xf32>
    %dot_general3A_15 = tpu.matmul %get3A_10, %get3A_13, %dot_general3A_14 {dimension_numbers = #tpu.dot_dimension_numbers<[1], [0], [0], [1], [0, 0, 1, 1], [], []>, transpose_lhs_hint = false} : vector<1000x128xf32>, vector<128x128xf32>, vector<1000x128xf32> -> vector<1000x128xf32>
    %add3A = arith.addf %dot_general3A_15, %dot_general3A_5 : vector<1000x128xf32>
    %get3A_16 = arith.constant 0 : index
    %get3A_17 = arith.constant 0 : index
    %get3A_18 = vector.load %arg5[%get3A_16, %get3A_17] : memref<1x128xf32, #tpu.memory_space<vmem>>, vector<1x128xf32>
    %add3A_19 = vector.broadcast %get3A_18 : vector<1x128xf32> to vector<1000x128xf32>
    %add3A_20 = arith.addf %add3A, %add3A_19 : vector<1000x128xf32>
    %swap3A_21 = arith.constant 0 : index
    %swap3A_22 = arith.constant 0 : index
    %swap3A_23 = vector.load %arg6[%swap3A_21, %swap3A_22] : memref<1000x128xf32, #tpu.memory_space<vmem>>, vector<1000x128xf32>
    tpu.vector_store %arg6[%swap3A_21, %swap3A_22], %add3A_20 {strides = array<i32>} : memref<1000x128xf32, #tpu.memory_space<vmem>>, vector<1000x128xf32>,
    return
  }
  func.func @transform_0(%arg0: i32) -> (i32, i32) {
    %c0_i32 = arith.constant 0 : i32
    %c0_i32_0 = arith.constant 0 : i32
    return %arg0, %c0_i32 : i32, i32
  }
  func.func @transform_1(%arg0: i32) -> (i32, i32) {
    %c0_i32 = arith.constant 0 : i32
    %c0_i32_0 = arith.constant 0 : i32
    return %arg0, %c0_i32 : i32, i32
  }
  func.func @transform_2(%arg0: i32) -> (i32, i32) {
    %c0_i32 = arith.constant 0 : i32
    %c0_i32_0 = arith.constant 0 : i32
    %c0_i32_1 = arith.constant 0 : i32
    return %c0_i32, %c0_i32_0 : i32, i32
  }
  func.func @transform_3(%arg0: i32) -> (i32, i32) {
    %c0_i32 = arith.constant 0 : i32
    %c0_i32_0 = arith.constant 0 : i32
    %c0_i32_1 = arith.constant 0 : i32
    return %c0_i32, %c0_i32_0 : i32, i32
  }
  func.func @transform_4(%arg0: i32) -> (i32, i32) {
    %c0_i32 = arith.constant 0 : i32
    %c0_i32_0 = arith.constant 0 : i32
    %c0_i32_1 = arith.constant 0 : i32
    return %c0_i32, %c0_i32_0 : i32, i32
  }
  func.func @transform_5(%arg0: i32) -> (i32, i32) {
    %c0_i32 = arith.constant 0 : i32
    %c0_i32_0 = arith.constant 0 : i32
    return %arg0, %c0_i32 : i32, i32
  }
  func.func @transform_6(%arg0: i32) -> (i32, i32) {
    %c0_i32 = arith.constant 0 : i32
    %c0_i32_0 = arith.constant 0 : i32
    return %arg0, %c0_i32 : i32, i32
  }
}

module attributes {stable_mosaic.version = 14 : i64} {
  func.func @_select_body(%arg0: i32, %arg1: memref<80x8xf32, #tpu.memory_space<vmem>>, %arg2: memref<8x10240xf32, #tpu.memory_space<vmem>>, %arg3: memref<80x32xi32, #tpu.memory_space<vmem>>) attributes {dimension_semantics = [#tpu.dimension_semantics<arbitrary>], iteration_bounds = array<i64: 65>, scalar_prefetch = 0 : i64, scratch_operands = 0 : i64, tpu.core_type = #tpu.core_type<tc>, window_params = [{transform_indices = @transform_0, window_bounds = array<i64: 80, 8>}, {pipeline_mode = #tpu.pipeline_mode<synchronous>, transform_indices = @transform_1, window_bounds = array<i64: 8, 10240>}, {transform_indices = @transform_2, window_bounds = array<i64: 80, 32>}]} {
    %get3A = arith.constant 0 : index
    %get3A_0 = arith.constant 0 : index
    %get3A_1 = vector.load %arg1[%get3A, %get3A_0] : memref<80x8xf32, #tpu.memory_space<vmem>>, vector<80x1xf32>
    %get3A_2 = arith.constant 0 : index
    %get3A_3 = arith.constant 0 : index
    %get3A_4 = vector.load %arg2[%get3A_2, %get3A_3] : memref<8x10240xf32, #tpu.memory_space<vmem>>, vector<1x10240xf32>
    %sub3A = vector.broadcast %get3A_1 : vector<80x1xf32> to vector<80x10240xf32>
    %sub3A_5 = vector.broadcast %get3A_4 : vector<1x10240xf32> to vector<80x10240xf32>
    %sub3A_6 = arith.subf %sub3A, %sub3A_5 : vector<80x10240xf32>
    %get3A_7 = arith.constant 0 : index
    %get3A_8 = arith.constant 1 : index
    %get3A_9 = vector.load %arg1[%get3A_7, %get3A_8] : memref<80x8xf32, #tpu.memory_space<vmem>>, vector<80x1xf32>
    %get3A_10 = arith.constant 1 : index
    %get3A_11 = arith.constant 0 : index
    %get3A_12 = vector.load %arg2[%get3A_10, %get3A_11] : memref<8x10240xf32, #tpu.memory_space<vmem>>, vector<1x10240xf32>
    %sub3A_13 = vector.broadcast %get3A_9 : vector<80x1xf32> to vector<80x10240xf32>
    %sub3A_14 = vector.broadcast %get3A_12 : vector<1x10240xf32> to vector<80x10240xf32>
    %sub3A_15 = arith.subf %sub3A_13, %sub3A_14 : vector<80x10240xf32>
    %get3A_16 = arith.constant 0 : index
    %get3A_17 = arith.constant 2 : index
    %get3A_18 = vector.load %arg1[%get3A_16, %get3A_17] : memref<80x8xf32, #tpu.memory_space<vmem>>, vector<80x1xf32>
    %get3A_19 = arith.constant 2 : index
    %get3A_20 = arith.constant 0 : index
    %get3A_21 = vector.load %arg2[%get3A_19, %get3A_20] : memref<8x10240xf32, #tpu.memory_space<vmem>>, vector<1x10240xf32>
    %sub3A_22 = vector.broadcast %get3A_18 : vector<80x1xf32> to vector<80x10240xf32>
    %sub3A_23 = vector.broadcast %get3A_21 : vector<1x10240xf32> to vector<80x10240xf32>
    %sub3A_24 = arith.subf %sub3A_22, %sub3A_23 : vector<80x10240xf32>
    %mul3A = arith.mulf %sub3A_6, %sub3A_6 : vector<80x10240xf32>
    %mul3A_25 = arith.mulf %sub3A_15, %sub3A_15 : vector<80x10240xf32>
    %add3A = arith.addf %mul3A, %mul3A_25 : vector<80x10240xf32>
    %mul3A_26 = arith.mulf %sub3A_24, %sub3A_24 : vector<80x10240xf32>
    %add3A_27 = arith.addf %add3A, %mul3A_26 : vector<80x10240xf32>
    %le3A = arith.constant 2.250000e-02 : f32
    %le3A_28 = vector.broadcast %le3A : f32 to vector<80x10240xf32>
    %le3A_29 = arith.cmpf ole, %add3A_27, %le3A_28 : vector<80x10240xf32>
    %get3A_30 = arith.constant 0 : index
    %get3A_31 = arith.constant 3 : index
    %get3A_32 = vector.load %arg1[%get3A_30, %get3A_31] : memref<80x8xf32, #tpu.memory_space<vmem>>, vector<80x1xf32>
    %get3A_33 = arith.constant 3 : index
    %get3A_34 = arith.constant 0 : index
    %get3A_35 = vector.load %arg2[%get3A_33, %get3A_34] : memref<8x10240xf32, #tpu.memory_space<vmem>>, vector<1x10240xf32>
    %eq3A = vector.broadcast %get3A_32 : vector<80x1xf32> to vector<80x10240xf32>
    %eq3A_36 = vector.broadcast %get3A_35 : vector<1x10240xf32> to vector<80x10240xf32>
    %eq3A_37 = arith.cmpf oeq, %eq3A, %eq3A_36 : vector<80x10240xf32>
    %and3A = arith.andi %le3A_29, %eq3A_37 : vector<80x10240xi1>
    %iota3A = tpu.iota {dimensions = array<i32: 1>} : vector<80x10240xi32>
    %mul3A_38 = arith.constant 2912666.75 : f32
    %mul3A_39 = vector.broadcast %mul3A_38 : f32 to vector<80x10240xf32>
    %mul3A_40 = arith.mulf %add3A_27, %mul3A_39 : vector<80x10240xf32>
    %convert_element_type3A = arith.fptosi %mul3A_40 : vector<80x10240xf32> to vector<80x10240xi32>
    %mul3A_41 = arith.constant 16384 : i32
    %mul3A_42 = vector.broadcast %mul3A_41 : i32 to vector<80x10240xi32>
    %mul3A_43 = arith.muli %convert_element_type3A, %mul3A_42 : vector<80x10240xi32>
    %add3A_44 = arith.addi %mul3A_43, %iota3A : vector<80x10240xi32>
    %add3A_45 = arith.constant 8388608 : i32
    %add3A_46 = vector.broadcast %add3A_45 : i32 to vector<80x10240xi32>
    %add3A_47 = arith.addi %add3A_44, %add3A_46 : vector<80x10240xi32>
    %bitcast_convert_type3A = tpu.bitcast %add3A_47 : vector<80x10240xi32> -> vector<80x10240xf32>
    %jit3A = arith.constant 1.000000e+30 : f32
    %broadcast_in_dim3A = vector.broadcast %jit3A : f32 to vector<80x10240xf32>
    %select_n3A = arith.select %and3A, %bitcast_convert_type3A, %broadcast_in_dim3A : vector<80x10240xi1>, vector<80x10240xf32>
    %mul3A_48 = arith.constant 80 : i32
    %mul3A_49 = arith.muli %arg0, %mul3A_48 : i32
    %add3A_50 = arith.constant 4800 : i32
    %add3A_51 = arith.addi %add3A_50, %mul3A_49 : i32
    %iota3A_52 = tpu.iota {dimensions = array<i32: 0>} : vector<80x1xi32>
    %add3A_53 = vector.broadcast %add3A_51 : i32 to vector<80x1xi32>
    %add3A_54 = arith.addi %add3A_53, %iota3A_52 : vector<80x1xi32>
    %reduce_min3A = arith.constant dense<0x7F800000> : vector<80xf32>
    %reduce_min3A_55 = vector.multi_reduction <minimumf>, %select_n3A, %reduce_min3A [1] : vector<80x10240xf32> to vector<80xf32>
    %broadcast_in_dim3A_56 = vector.shape_cast %reduce_min3A_55 : vector<80xf32> to vector<80x1xf32>
    %bitcast_convert_type3A_57 = tpu.bitcast %broadcast_in_dim3A_56 : vector<80x1xf32> -> vector<80x1xi32>
    %lt3A = arith.constant 1.000000e+30 : f32
    %lt3A_58 = vector.broadcast %lt3A : f32 to vector<80x1xf32>
    %lt3A_59 = arith.cmpf olt, %broadcast_in_dim3A_56, %lt3A_58 : vector<80x1xf32>
    %and3A_60 = arith.constant 16383 : i32
    %and3A_61 = vector.broadcast %and3A_60 : i32 to vector<80x1xi32>
    %and3A_62 = arith.andi %bitcast_convert_type3A_57, %and3A_61 : vector<80x1xi32>
    %select_n3A_63 = arith.select %lt3A_59, %and3A_62, %add3A_54 : vector<80x1xi1>, vector<80x1xi32>
    %eq3A_64 = vector.broadcast %broadcast_in_dim3A_56 : vector<80x1xf32> to vector<80x10240xf32>
    %eq3A_65 = arith.cmpf oeq, %select_n3A, %eq3A_64 : vector<80x10240xf32>
    %jit3A_66 = arith.constant 1.000000e+30 : f32
    %broadcast_in_dim3A_67 = vector.broadcast %jit3A_66 : f32 to vector<80x10240xf32>
    %select_n3A_68 = arith.select %eq3A_65, %broadcast_in_dim3A_67, %select_n3A : vector<80x10240xi1>, vector<80x10240xf32>
    %reduce_min3A_69 = arith.constant dense<0x7F800000> : vector<80xf32>
    %reduce_min3A_70 = vector.multi_reduction <minimumf>, %select_n3A_68, %reduce_min3A_69 [1] : vector<80x10240xf32> to vector<80xf32>
    %broadcast_in_dim3A_71 = vector.shape_cast %reduce_min3A_70 : vector<80xf32> to vector<80x1xf32>
    %bitcast_convert_type3A_72 = tpu.bitcast %broadcast_in_dim3A_71 : vector<80x1xf32> -> vector<80x1xi32>
    %lt3A_73 = arith.constant 1.000000e+30 : f32
    %lt3A_74 = vector.broadcast %lt3A_73 : f32 to vector<80x1xf32>
    %lt3A_75 = arith.cmpf olt, %broadcast_in_dim3A_71, %lt3A_74 : vector<80x1xf32>
    %and3A_76 = arith.constant 16383 : i32
    %and3A_77 = vector.broadcast %and3A_76 : i32 to vector<80x1xi32>
    %and3A_78 = arith.andi %bitcast_convert_type3A_72, %and3A_77 : vector<80x1xi32>
    %select_n3A_79 = arith.select %lt3A_75, %and3A_78, %add3A_54 : vector<80x1xi1>, vector<80x1xi32>
    %eq3A_80 = vector.broadcast %broadcast_in_dim3A_71 : vector<80x1xf32> to vector<80x10240xf32>
    %eq3A_81 = arith.cmpf oeq, %select_n3A_68, %eq3A_80 : vector<80x10240xf32>
    %jit3A_82 = arith.constant 1.000000e+30 : f32
    %broadcast_in_dim3A_83 = vector.broadcast %jit3A_82 : f32 to vector<80x10240xf32>
    %select_n3A_84 = arith.select %eq3A_81, %broadcast_in_dim3A_83, %select_n3A_68 : vector<80x10240xi1>, vector<80x10240xf32>
    %reduce_min3A_85 = arith.constant dense<0x7F800000> : vector<80xf32>
    %reduce_min3A_86 = vector.multi_reduction <minimumf>, %select_n3A_84, %reduce_min3A_85 [1] : vector<80x10240xf32> to vector<80xf32>
    %broadcast_in_dim3A_87 = vector.shape_cast %reduce_min3A_86 : vector<80xf32> to vector<80x1xf32>
    %bitcast_convert_type3A_88 = tpu.bitcast %broadcast_in_dim3A_87 : vector<80x1xf32> -> vector<80x1xi32>
    %lt3A_89 = arith.constant 1.000000e+30 : f32
    %lt3A_90 = vector.broadcast %lt3A_89 : f32 to vector<80x1xf32>
    %lt3A_91 = arith.cmpf olt, %broadcast_in_dim3A_87, %lt3A_90 : vector<80x1xf32>
    %and3A_92 = arith.constant 16383 : i32
    %and3A_93 = vector.broadcast %and3A_92 : i32 to vector<80x1xi32>
    %and3A_94 = arith.andi %bitcast_convert_type3A_88, %and3A_93 : vector<80x1xi32>
    %select_n3A_95 = arith.select %lt3A_91, %and3A_94, %add3A_54 : vector<80x1xi1>, vector<80x1xi32>
    %eq3A_96 = vector.broadcast %broadcast_in_dim3A_87 : vector<80x1xf32> to vector<80x10240xf32>
    %eq3A_97 = arith.cmpf oeq, %select_n3A_84, %eq3A_96 : vector<80x10240xf32>
    %jit3A_98 = arith.constant 1.000000e+30 : f32
    %broadcast_in_dim3A_99 = vector.broadcast %jit3A_98 : f32 to vector<80x10240xf32>
    %select_n3A_100 = arith.select %eq3A_97, %broadcast_in_dim3A_99, %select_n3A_84 : vector<80x10240xi1>, vector<80x10240xf32>
    %reduce_min3A_101 = arith.constant dense<0x7F800000> : vector<80xf32>
    %reduce_min3A_102 = vector.multi_reduction <minimumf>, %select_n3A_100, %reduce_min3A_101 [1] : vector<80x10240xf32> to vector<80xf32>
    %broadcast_in_dim3A_103 = vector.shape_cast %reduce_min3A_102 : vector<80xf32> to vector<80x1xf32>
    %bitcast_convert_type3A_104 = tpu.bitcast %broadcast_in_dim3A_103 : vector<80x1xf32> -> vector<80x1xi32>
    %lt3A_105 = arith.constant 1.000000e+30 : f32
    %lt3A_106 = vector.broadcast %lt3A_105 : f32 to vector<80x1xf32>
    %lt3A_107 = arith.cmpf olt, %broadcast_in_dim3A_103, %lt3A_106 : vector<80x1xf32>
    %and3A_108 = arith.constant 16383 : i32
    %and3A_109 = vector.broadcast %and3A_108 : i32 to vector<80x1xi32>
    %and3A_110 = arith.andi %bitcast_convert_type3A_104, %and3A_109 : vector<80x1xi32>
    %select_n3A_111 = arith.select %lt3A_107, %and3A_110, %add3A_54 : vector<80x1xi1>, vector<80x1xi32>
    %eq3A_112 = vector.broadcast %broadcast_in_dim3A_103 : vector<80x1xf32> to vector<80x10240xf32>
    %eq3A_113 = arith.cmpf oeq, %select_n3A_100, %eq3A_112 : vector<80x10240xf32>
    %jit3A_114 = arith.constant 1.000000e+30 : f32
    %broadcast_in_dim3A_115 = vector.broadcast %jit3A_114 : f32 to vector<80x10240xf32>
    %select_n3A_116 = arith.select %eq3A_113, %broadcast_in_dim3A_115, %select_n3A_100 : vector<80x10240xi1>, vector<80x10240xf32>
    %reduce_min3A_117 = arith.constant dense<0x7F800000> : vector<80xf32>
    %reduce_min3A_118 = vector.multi_reduction <minimumf>, %select_n3A_116, %reduce_min3A_117 [1] : vector<80x10240xf32> to vector<80xf32>
    %broadcast_in_dim3A_119 = vector.shape_cast %reduce_min3A_118 : vector<80xf32> to vector<80x1xf32>
    %bitcast_convert_type3A_120 = tpu.bitcast %broadcast_in_dim3A_119 : vector<80x1xf32> -> vector<80x1xi32>
    %lt3A_121 = arith.constant 1.000000e+30 : f32
    %lt3A_122 = vector.broadcast %lt3A_121 : f32 to vector<80x1xf32>
    %lt3A_123 = arith.cmpf olt, %broadcast_in_dim3A_119, %lt3A_122 : vector<80x1xf32>
    %and3A_124 = arith.constant 16383 : i32
    %and3A_125 = vector.broadcast %and3A_124 : i32 to vector<80x1xi32>
    %and3A_126 = arith.andi %bitcast_convert_type3A_120, %and3A_125 : vector<80x1xi32>
    %select_n3A_127 = arith.select %lt3A_123, %and3A_126, %add3A_54 : vector<80x1xi1>, vector<80x1xi32>
    %eq3A_128 = vector.broadcast %broadcast_in_dim3A_119 : vector<80x1xf32> to vector<80x10240xf32>
    %eq3A_129 = arith.cmpf oeq, %select_n3A_116, %eq3A_128 : vector<80x10240xf32>
    %jit3A_130 = arith.constant 1.000000e+30 : f32
    %broadcast_in_dim3A_131 = vector.broadcast %jit3A_130 : f32 to vector<80x10240xf32>
    %select_n3A_132 = arith.select %eq3A_129, %broadcast_in_dim3A_131, %select_n3A_116 : vector<80x10240xi1>, vector<80x10240xf32>
    %reduce_min3A_133 = arith.constant dense<0x7F800000> : vector<80xf32>
    %reduce_min3A_134 = vector.multi_reduction <minimumf>, %select_n3A_132, %reduce_min3A_133 [1] : vector<80x10240xf32> to vector<80xf32>
    %broadcast_in_dim3A_135 = vector.shape_cast %reduce_min3A_134 : vector<80xf32> to vector<80x1xf32>
    %bitcast_convert_type3A_136 = tpu.bitcast %broadcast_in_dim3A_135 : vector<80x1xf32> -> vector<80x1xi32>
    %lt3A_137 = arith.constant 1.000000e+30 : f32
    %lt3A_138 = vector.broadcast %lt3A_137 : f32 to vector<80x1xf32>
    %lt3A_139 = arith.cmpf olt, %broadcast_in_dim3A_135, %lt3A_138 : vector<80x1xf32>
    %and3A_140 = arith.constant 16383 : i32
    %and3A_141 = vector.broadcast %and3A_140 : i32 to vector<80x1xi32>
    %and3A_142 = arith.andi %bitcast_convert_type3A_136, %and3A_141 : vector<80x1xi32>
    %select_n3A_143 = arith.select %lt3A_139, %and3A_142, %add3A_54 : vector<80x1xi1>, vector<80x1xi32>
    %eq3A_144 = vector.broadcast %broadcast_in_dim3A_135 : vector<80x1xf32> to vector<80x10240xf32>
    %eq3A_145 = arith.cmpf oeq, %select_n3A_132, %eq3A_144 : vector<80x10240xf32>
    %jit3A_146 = arith.constant 1.000000e+30 : f32
    %broadcast_in_dim3A_147 = vector.broadcast %jit3A_146 : f32 to vector<80x10240xf32>
    %select_n3A_148 = arith.select %eq3A_145, %broadcast_in_dim3A_147, %select_n3A_132 : vector<80x10240xi1>, vector<80x10240xf32>
    %reduce_min3A_149 = arith.constant dense<0x7F800000> : vector<80xf32>
    %reduce_min3A_150 = vector.multi_reduction <minimumf>, %select_n3A_148, %reduce_min3A_149 [1] : vector<80x10240xf32> to vector<80xf32>
    %broadcast_in_dim3A_151 = vector.shape_cast %reduce_min3A_150 : vector<80xf32> to vector<80x1xf32>
    %bitcast_convert_type3A_152 = tpu.bitcast %broadcast_in_dim3A_151 : vector<80x1xf32> -> vector<80x1xi32>
    %lt3A_153 = arith.constant 1.000000e+30 : f32
    %lt3A_154 = vector.broadcast %lt3A_153 : f32 to vector<80x1xf32>
    %lt3A_155 = arith.cmpf olt, %broadcast_in_dim3A_151, %lt3A_154 : vector<80x1xf32>
    %and3A_156 = arith.constant 16383 : i32
    %and3A_157 = vector.broadcast %and3A_156 : i32 to vector<80x1xi32>
    %and3A_158 = arith.andi %bitcast_convert_type3A_152, %and3A_157 : vector<80x1xi32>
    %select_n3A_159 = arith.select %lt3A_155, %and3A_158, %add3A_54 : vector<80x1xi1>, vector<80x1xi32>
    %eq3A_160 = vector.broadcast %broadcast_in_dim3A_151 : vector<80x1xf32> to vector<80x10240xf32>
    %eq3A_161 = arith.cmpf oeq, %select_n3A_148, %eq3A_160 : vector<80x10240xf32>
    %jit3A_162 = arith.constant 1.000000e+30 : f32
    %broadcast_in_dim3A_163 = vector.broadcast %jit3A_162 : f32 to vector<80x10240xf32>
    %select_n3A_164 = arith.select %eq3A_161, %broadcast_in_dim3A_163, %select_n3A_148 : vector<80x10240xi1>, vector<80x10240xf32>
    %reduce_min3A_165 = arith.constant dense<0x7F800000> : vector<80xf32>
    %reduce_min3A_166 = vector.multi_reduction <minimumf>, %select_n3A_164, %reduce_min3A_165 [1] : vector<80x10240xf32> to vector<80xf32>
    %broadcast_in_dim3A_167 = vector.shape_cast %reduce_min3A_166 : vector<80xf32> to vector<80x1xf32>
    %bitcast_convert_type3A_168 = tpu.bitcast %broadcast_in_dim3A_167 : vector<80x1xf32> -> vector<80x1xi32>
    %lt3A_169 = arith.constant 1.000000e+30 : f32
    %lt3A_170 = vector.broadcast %lt3A_169 : f32 to vector<80x1xf32>
    %lt3A_171 = arith.cmpf olt, %broadcast_in_dim3A_167, %lt3A_170 : vector<80x1xf32>
    %and3A_172 = arith.constant 16383 : i32
    %and3A_173 = vector.broadcast %and3A_172 : i32 to vector<80x1xi32>
    %and3A_174 = arith.andi %bitcast_convert_type3A_168, %and3A_173 : vector<80x1xi32>
    %select_n3A_175 = arith.select %lt3A_171, %and3A_174, %add3A_54 : vector<80x1xi1>, vector<80x1xi32>
    %eq3A_176 = vector.broadcast %broadcast_in_dim3A_167 : vector<80x1xf32> to vector<80x10240xf32>
    %eq3A_177 = arith.cmpf oeq, %select_n3A_164, %eq3A_176 : vector<80x10240xf32>
    %jit3A_178 = arith.constant 1.000000e+30 : f32
    %broadcast_in_dim3A_179 = vector.broadcast %jit3A_178 : f32 to vector<80x10240xf32>
    %select_n3A_180 = arith.select %eq3A_177, %broadcast_in_dim3A_179, %select_n3A_164 : vector<80x10240xi1>, vector<80x10240xf32>
    %reduce_min3A_181 = arith.constant dense<0x7F800000> : vector<80xf32>
    %reduce_min3A_182 = vector.multi_reduction <minimumf>, %select_n3A_180, %reduce_min3A_181 [1] : vector<80x10240xf32> to vector<80xf32>
    %broadcast_in_dim3A_183 = vector.shape_cast %reduce_min3A_182 : vector<80xf32> to vector<80x1xf32>
    %bitcast_convert_type3A_184 = tpu.bitcast %broadcast_in_dim3A_183 : vector<80x1xf32> -> vector<80x1xi32>
    %lt3A_185 = arith.constant 1.000000e+30 : f32
    %lt3A_186 = vector.broadcast %lt3A_185 : f32 to vector<80x1xf32>
    %lt3A_187 = arith.cmpf olt, %broadcast_in_dim3A_183, %lt3A_186 : vector<80x1xf32>
    %and3A_188 = arith.constant 16383 : i32
    %and3A_189 = vector.broadcast %and3A_188 : i32 to vector<80x1xi32>
    %and3A_190 = arith.andi %bitcast_convert_type3A_184, %and3A_189 : vector<80x1xi32>
    %select_n3A_191 = arith.select %lt3A_187, %and3A_190, %add3A_54 : vector<80x1xi1>, vector<80x1xi32>
    %eq3A_192 = vector.broadcast %broadcast_in_dim3A_183 : vector<80x1xf32> to vector<80x10240xf32>
    %eq3A_193 = arith.cmpf oeq, %select_n3A_180, %eq3A_192 : vector<80x10240xf32>
    %jit3A_194 = arith.constant 1.000000e+30 : f32
    %broadcast_in_dim3A_195 = vector.broadcast %jit3A_194 : f32 to vector<80x10240xf32>
    %select_n3A_196 = arith.select %eq3A_193, %broadcast_in_dim3A_195, %select_n3A_180 : vector<80x10240xi1>, vector<80x10240xf32>
    %reduce_min3A_197 = arith.constant dense<0x7F800000> : vector<80xf32>
    %reduce_min3A_198 = vector.multi_reduction <minimumf>, %select_n3A_196, %reduce_min3A_197 [1] : vector<80x10240xf32> to vector<80xf32>
    %broadcast_in_dim3A_199 = vector.shape_cast %reduce_min3A_198 : vector<80xf32> to vector<80x1xf32>
    %bitcast_convert_type3A_200 = tpu.bitcast %broadcast_in_dim3A_199 : vector<80x1xf32> -> vector<80x1xi32>
    %lt3A_201 = arith.constant 1.000000e+30 : f32
    %lt3A_202 = vector.broadcast %lt3A_201 : f32 to vector<80x1xf32>
    %lt3A_203 = arith.cmpf olt, %broadcast_in_dim3A_199, %lt3A_202 : vector<80x1xf32>
    %and3A_204 = arith.constant 16383 : i32
    %and3A_205 = vector.broadcast %and3A_204 : i32 to vector<80x1xi32>
    %and3A_206 = arith.andi %bitcast_convert_type3A_200, %and3A_205 : vector<80x1xi32>
    %select_n3A_207 = arith.select %lt3A_203, %and3A_206, %add3A_54 : vector<80x1xi1>, vector<80x1xi32>
    %eq3A_208 = vector.broadcast %broadcast_in_dim3A_199 : vector<80x1xf32> to vector<80x10240xf32>
    %eq3A_209 = arith.cmpf oeq, %select_n3A_196, %eq3A_208 : vector<80x10240xf32>
    %jit3A_210 = arith.constant 1.000000e+30 : f32
    %broadcast_in_dim3A_211 = vector.broadcast %jit3A_210 : f32 to vector<80x10240xf32>
    %select_n3A_212 = arith.select %eq3A_209, %broadcast_in_dim3A_211, %select_n3A_196 : vector<80x10240xi1>, vector<80x10240xf32>
    %reduce_min3A_213 = arith.constant dense<0x7F800000> : vector<80xf32>
    %reduce_min3A_214 = vector.multi_reduction <minimumf>, %select_n3A_212, %reduce_min3A_213 [1] : vector<80x10240xf32> to vector<80xf32>
    %broadcast_in_dim3A_215 = vector.shape_cast %reduce_min3A_214 : vector<80xf32> to vector<80x1xf32>
    %bitcast_convert_type3A_216 = tpu.bitcast %broadcast_in_dim3A_215 : vector<80x1xf32> -> vector<80x1xi32>
    %lt3A_217 = arith.constant 1.000000e+30 : f32
    %lt3A_218 = vector.broadcast %lt3A_217 : f32 to vector<80x1xf32>
    %lt3A_219 = arith.cmpf olt, %broadcast_in_dim3A_215, %lt3A_218 : vector<80x1xf32>
    %and3A_220 = arith.constant 16383 : i32
    %and3A_221 = vector.broadcast %and3A_220 : i32 to vector<80x1xi32>
    %and3A_222 = arith.andi %bitcast_convert_type3A_216, %and3A_221 : vector<80x1xi32>
    %select_n3A_223 = arith.select %lt3A_219, %and3A_222, %add3A_54 : vector<80x1xi1>, vector<80x1xi32>
    %eq3A_224 = vector.broadcast %broadcast_in_dim3A_215 : vector<80x1xf32> to vector<80x10240xf32>
    %eq3A_225 = arith.cmpf oeq, %select_n3A_212, %eq3A_224 : vector<80x10240xf32>
    %jit3A_226 = arith.constant 1.000000e+30 : f32
    %broadcast_in_dim3A_227 = vector.broadcast %jit3A_226 : f32 to vector<80x10240xf32>
    %select_n3A_228 = arith.select %eq3A_225, %broadcast_in_dim3A_227, %select_n3A_212 : vector<80x10240xi1>, vector<80x10240xf32>
    %reduce_min3A_229 = arith.constant dense<0x7F800000> : vector<80xf32>
    %reduce_min3A_230 = vector.multi_reduction <minimumf>, %select_n3A_228, %reduce_min3A_229 [1] : vector<80x10240xf32> to vector<80xf32>
    %broadcast_in_dim3A_231 = vector.shape_cast %reduce_min3A_230 : vector<80xf32> to vector<80x1xf32>
    %bitcast_convert_type3A_232 = tpu.bitcast %broadcast_in_dim3A_231 : vector<80x1xf32> -> vector<80x1xi32>
    %lt3A_233 = arith.constant 1.000000e+30 : f32
    %lt3A_234 = vector.broadcast %lt3A_233 : f32 to vector<80x1xf32>
    %lt3A_235 = arith.cmpf olt, %broadcast_in_dim3A_231, %lt3A_234 : vector<80x1xf32>
    %and3A_236 = arith.constant 16383 : i32
    %and3A_237 = vector.broadcast %and3A_236 : i32 to vector<80x1xi32>
    %and3A_238 = arith.andi %bitcast_convert_type3A_232, %and3A_237 : vector<80x1xi32>
    %select_n3A_239 = arith.select %lt3A_235, %and3A_238, %add3A_54 : vector<80x1xi1>, vector<80x1xi32>
    %eq3A_240 = vector.broadcast %broadcast_in_dim3A_231 : vector<80x1xf32> to vector<80x10240xf32>
    %eq3A_241 = arith.cmpf oeq, %select_n3A_228, %eq3A_240 : vector<80x10240xf32>
    %jit3A_242 = arith.constant 1.000000e+30 : f32
    %broadcast_in_dim3A_243 = vector.broadcast %jit3A_242 : f32 to vector<80x10240xf32>
    %select_n3A_244 = arith.select %eq3A_241, %broadcast_in_dim3A_243, %select_n3A_228 : vector<80x10240xi1>, vector<80x10240xf32>
    %reduce_min3A_245 = arith.constant dense<0x7F800000> : vector<80xf32>
    %reduce_min3A_246 = vector.multi_reduction <minimumf>, %select_n3A_244, %reduce_min3A_245 [1] : vector<80x10240xf32> to vector<80xf32>
    %broadcast_in_dim3A_247 = vector.shape_cast %reduce_min3A_246 : vector<80xf32> to vector<80x1xf32>
    %bitcast_convert_type3A_248 = tpu.bitcast %broadcast_in_dim3A_247 : vector<80x1xf32> -> vector<80x1xi32>
    %lt3A_249 = arith.constant 1.000000e+30 : f32
    %lt3A_250 = vector.broadcast %lt3A_249 : f32 to vector<80x1xf32>
    %lt3A_251 = arith.cmpf olt, %broadcast_in_dim3A_247, %lt3A_250 : vector<80x1xf32>
    %and3A_252 = arith.constant 16383 : i32
    %and3A_253 = vector.broadcast %and3A_252 : i32 to vector<80x1xi32>
    %and3A_254 = arith.andi %bitcast_convert_type3A_248, %and3A_253 : vector<80x1xi32>
    %select_n3A_255 = arith.select %lt3A_251, %and3A_254, %add3A_54 : vector<80x1xi1>, vector<80x1xi32>
    %eq3A_256 = vector.broadcast %broadcast_in_dim3A_247 : vector<80x1xf32> to vector<80x10240xf32>
    %eq3A_257 = arith.cmpf oeq, %select_n3A_244, %eq3A_256 : vector<80x10240xf32>
    %jit3A_258 = arith.constant 1.000000e+30 : f32
    %broadcast_in_dim3A_259 = vector.broadcast %jit3A_258 : f32 to vector<80x10240xf32>
    %select_n3A_260 = arith.select %eq3A_257, %broadcast_in_dim3A_259, %select_n3A_244 : vector<80x10240xi1>, vector<80x10240xf32>
    %reduce_min3A_261 = arith.constant dense<0x7F800000> : vector<80xf32>
    %reduce_min3A_262 = vector.multi_reduction <minimumf>, %select_n3A_260, %reduce_min3A_261 [1] : vector<80x10240xf32> to vector<80xf32>
    %broadcast_in_dim3A_263 = vector.shape_cast %reduce_min3A_262 : vector<80xf32> to vector<80x1xf32>
    %bitcast_convert_type3A_264 = tpu.bitcast %broadcast_in_dim3A_263 : vector<80x1xf32> -> vector<80x1xi32>
    %lt3A_265 = arith.constant 1.000000e+30 : f32
    %lt3A_266 = vector.broadcast %lt3A_265 : f32 to vector<80x1xf32>
    %lt3A_267 = arith.cmpf olt, %broadcast_in_dim3A_263, %lt3A_266 : vector<80x1xf32>
    %and3A_268 = arith.constant 16383 : i32
    %and3A_269 = vector.broadcast %and3A_268 : i32 to vector<80x1xi32>
    %and3A_270 = arith.andi %bitcast_convert_type3A_264, %and3A_269 : vector<80x1xi32>
    %select_n3A_271 = arith.select %lt3A_267, %and3A_270, %add3A_54 : vector<80x1xi1>, vector<80x1xi32>
    %eq3A_272 = vector.broadcast %broadcast_in_dim3A_263 : vector<80x1xf32> to vector<80x10240xf32>
    %eq3A_273 = arith.cmpf oeq, %select_n3A_260, %eq3A_272 : vector<80x10240xf32>
    %jit3A_274 = arith.constant 1.000000e+30 : f32
    %broadcast_in_dim3A_275 = vector.broadcast %jit3A_274 : f32 to vector<80x10240xf32>
    %select_n3A_276 = arith.select %eq3A_273, %broadcast_in_dim3A_275, %select_n3A_260 : vector<80x10240xi1>, vector<80x10240xf32>
    %reduce_min3A_277 = arith.constant dense<0x7F800000> : vector<80xf32>
    %reduce_min3A_278 = vector.multi_reduction <minimumf>, %select_n3A_276, %reduce_min3A_277 [1] : vector<80x10240xf32> to vector<80xf32>
    %broadcast_in_dim3A_279 = vector.shape_cast %reduce_min3A_278 : vector<80xf32> to vector<80x1xf32>
    %bitcast_convert_type3A_280 = tpu.bitcast %broadcast_in_dim3A_279 : vector<80x1xf32> -> vector<80x1xi32>
    %lt3A_281 = arith.constant 1.000000e+30 : f32
    %lt3A_282 = vector.broadcast %lt3A_281 : f32 to vector<80x1xf32>
    %lt3A_283 = arith.cmpf olt, %broadcast_in_dim3A_279, %lt3A_282 : vector<80x1xf32>
    %and3A_284 = arith.constant 16383 : i32
    %and3A_285 = vector.broadcast %and3A_284 : i32 to vector<80x1xi32>
    %and3A_286 = arith.andi %bitcast_convert_type3A_280, %and3A_285 : vector<80x1xi32>
    %select_n3A_287 = arith.select %lt3A_283, %and3A_286, %add3A_54 : vector<80x1xi1>, vector<80x1xi32>
    %eq3A_288 = vector.broadcast %broadcast_in_dim3A_279 : vector<80x1xf32> to vector<80x10240xf32>
    %eq3A_289 = arith.cmpf oeq, %select_n3A_276, %eq3A_288 : vector<80x10240xf32>
    %jit3A_290 = arith.constant 1.000000e+30 : f32
    %broadcast_in_dim3A_291 = vector.broadcast %jit3A_290 : f32 to vector<80x10240xf32>
    %select_n3A_292 = arith.select %eq3A_289, %broadcast_in_dim3A_291, %select_n3A_276 : vector<80x10240xi1>, vector<80x10240xf32>
    %reduce_min3A_293 = arith.constant dense<0x7F800000> : vector<80xf32>
    %reduce_min3A_294 = vector.multi_reduction <minimumf>, %select_n3A_292, %reduce_min3A_293 [1] : vector<80x10240xf32> to vector<80xf32>
    %broadcast_in_dim3A_295 = vector.shape_cast %reduce_min3A_294 : vector<80xf32> to vector<80x1xf32>
    %bitcast_convert_type3A_296 = tpu.bitcast %broadcast_in_dim3A_295 : vector<80x1xf32> -> vector<80x1xi32>
    %lt3A_297 = arith.constant 1.000000e+30 : f32
    %lt3A_298 = vector.broadcast %lt3A_297 : f32 to vector<80x1xf32>
    %lt3A_299 = arith.cmpf olt, %broadcast_in_dim3A_295, %lt3A_298 : vector<80x1xf32>
    %and3A_300 = arith.constant 16383 : i32
    %and3A_301 = vector.broadcast %and3A_300 : i32 to vector<80x1xi32>
    %and3A_302 = arith.andi %bitcast_convert_type3A_296, %and3A_301 : vector<80x1xi32>
    %select_n3A_303 = arith.select %lt3A_299, %and3A_302, %add3A_54 : vector<80x1xi1>, vector<80x1xi32>
    %eq3A_304 = vector.broadcast %broadcast_in_dim3A_295 : vector<80x1xf32> to vector<80x10240xf32>
    %eq3A_305 = arith.cmpf oeq, %select_n3A_292, %eq3A_304 : vector<80x10240xf32>
    %jit3A_306 = arith.constant 1.000000e+30 : f32
    %broadcast_in_dim3A_307 = vector.broadcast %jit3A_306 : f32 to vector<80x10240xf32>
    %select_n3A_308 = arith.select %eq3A_305, %broadcast_in_dim3A_307, %select_n3A_292 : vector<80x10240xi1>, vector<80x10240xf32>
    %reduce_min3A_309 = arith.constant dense<0x7F800000> : vector<80xf32>
    %reduce_min3A_310 = vector.multi_reduction <minimumf>, %select_n3A_308, %reduce_min3A_309 [1] : vector<80x10240xf32> to vector<80xf32>
    %broadcast_in_dim3A_311 = vector.shape_cast %reduce_min3A_310 : vector<80xf32> to vector<80x1xf32>
    %bitcast_convert_type3A_312 = tpu.bitcast %broadcast_in_dim3A_311 : vector<80x1xf32> -> vector<80x1xi32>
    %lt3A_313 = arith.constant 1.000000e+30 : f32
    %lt3A_314 = vector.broadcast %lt3A_313 : f32 to vector<80x1xf32>
    %lt3A_315 = arith.cmpf olt, %broadcast_in_dim3A_311, %lt3A_314 : vector<80x1xf32>
    %and3A_316 = arith.constant 16383 : i32
    %and3A_317 = vector.broadcast %and3A_316 : i32 to vector<80x1xi32>
    %and3A_318 = arith.andi %bitcast_convert_type3A_312, %and3A_317 : vector<80x1xi32>
    %select_n3A_319 = arith.select %lt3A_315, %and3A_318, %add3A_54 : vector<80x1xi1>, vector<80x1xi32>
    %eq3A_320 = vector.broadcast %broadcast_in_dim3A_311 : vector<80x1xf32> to vector<80x10240xf32>
    %eq3A_321 = arith.cmpf oeq, %select_n3A_308, %eq3A_320 : vector<80x10240xf32>
    %jit3A_322 = arith.constant 1.000000e+30 : f32
    %broadcast_in_dim3A_323 = vector.broadcast %jit3A_322 : f32 to vector<80x10240xf32>
    %select_n3A_324 = arith.select %eq3A_321, %broadcast_in_dim3A_323, %select_n3A_308 : vector<80x10240xi1>, vector<80x10240xf32>
    %reduce_min3A_325 = arith.constant dense<0x7F800000> : vector<80xf32>
    %reduce_min3A_326 = vector.multi_reduction <minimumf>, %select_n3A_324, %reduce_min3A_325 [1] : vector<80x10240xf32> to vector<80xf32>
    %broadcast_in_dim3A_327 = vector.shape_cast %reduce_min3A_326 : vector<80xf32> to vector<80x1xf32>
    %bitcast_convert_type3A_328 = tpu.bitcast %broadcast_in_dim3A_327 : vector<80x1xf32> -> vector<80x1xi32>
    %lt3A_329 = arith.constant 1.000000e+30 : f32
    %lt3A_330 = vector.broadcast %lt3A_329 : f32 to vector<80x1xf32>
    %lt3A_331 = arith.cmpf olt, %broadcast_in_dim3A_327, %lt3A_330 : vector<80x1xf32>
    %and3A_332 = arith.constant 16383 : i32
    %and3A_333 = vector.broadcast %and3A_332 : i32 to vector<80x1xi32>
    %and3A_334 = arith.andi %bitcast_convert_type3A_328, %and3A_333 : vector<80x1xi32>
    %select_n3A_335 = arith.select %lt3A_331, %and3A_334, %add3A_54 : vector<80x1xi1>, vector<80x1xi32>
    %eq3A_336 = vector.broadcast %broadcast_in_dim3A_327 : vector<80x1xf32> to vector<80x10240xf32>
    %eq3A_337 = arith.cmpf oeq, %select_n3A_324, %eq3A_336 : vector<80x10240xf32>
    %jit3A_338 = arith.constant 1.000000e+30 : f32
    %broadcast_in_dim3A_339 = vector.broadcast %jit3A_338 : f32 to vector<80x10240xf32>
    %select_n3A_340 = arith.select %eq3A_337, %broadcast_in_dim3A_339, %select_n3A_324 : vector<80x10240xi1>, vector<80x10240xf32>
    %reduce_min3A_341 = arith.constant dense<0x7F800000> : vector<80xf32>
    %reduce_min3A_342 = vector.multi_reduction <minimumf>, %select_n3A_340, %reduce_min3A_341 [1] : vector<80x10240xf32> to vector<80xf32>
    %broadcast_in_dim3A_343 = vector.shape_cast %reduce_min3A_342 : vector<80xf32> to vector<80x1xf32>
    %bitcast_convert_type3A_344 = tpu.bitcast %broadcast_in_dim3A_343 : vector<80x1xf32> -> vector<80x1xi32>
    %lt3A_345 = arith.constant 1.000000e+30 : f32
    %lt3A_346 = vector.broadcast %lt3A_345 : f32 to vector<80x1xf32>
    %lt3A_347 = arith.cmpf olt, %broadcast_in_dim3A_343, %lt3A_346 : vector<80x1xf32>
    %and3A_348 = arith.constant 16383 : i32
    %and3A_349 = vector.broadcast %and3A_348 : i32 to vector<80x1xi32>
    %and3A_350 = arith.andi %bitcast_convert_type3A_344, %and3A_349 : vector<80x1xi32>
    %select_n3A_351 = arith.select %lt3A_347, %and3A_350, %add3A_54 : vector<80x1xi1>, vector<80x1xi32>
    %eq3A_352 = vector.broadcast %broadcast_in_dim3A_343 : vector<80x1xf32> to vector<80x10240xf32>
    %eq3A_353 = arith.cmpf oeq, %select_n3A_340, %eq3A_352 : vector<80x10240xf32>
    %jit3A_354 = arith.constant 1.000000e+30 : f32
    %broadcast_in_dim3A_355 = vector.broadcast %jit3A_354 : f32 to vector<80x10240xf32>
    %select_n3A_356 = arith.select %eq3A_353, %broadcast_in_dim3A_355, %select_n3A_340 : vector<80x10240xi1>, vector<80x10240xf32>
    %reduce_min3A_357 = arith.constant dense<0x7F800000> : vector<80xf32>
    %reduce_min3A_358 = vector.multi_reduction <minimumf>, %select_n3A_356, %reduce_min3A_357 [1] : vector<80x10240xf32> to vector<80xf32>
    %broadcast_in_dim3A_359 = vector.shape_cast %reduce_min3A_358 : vector<80xf32> to vector<80x1xf32>
    %bitcast_convert_type3A_360 = tpu.bitcast %broadcast_in_dim3A_359 : vector<80x1xf32> -> vector<80x1xi32>
    %lt3A_361 = arith.constant 1.000000e+30 : f32
    %lt3A_362 = vector.broadcast %lt3A_361 : f32 to vector<80x1xf32>
    %lt3A_363 = arith.cmpf olt, %broadcast_in_dim3A_359, %lt3A_362 : vector<80x1xf32>
    %and3A_364 = arith.constant 16383 : i32
    %and3A_365 = vector.broadcast %and3A_364 : i32 to vector<80x1xi32>
    %and3A_366 = arith.andi %bitcast_convert_type3A_360, %and3A_365 : vector<80x1xi32>
    %select_n3A_367 = arith.select %lt3A_363, %and3A_366, %add3A_54 : vector<80x1xi1>, vector<80x1xi32>
    %eq3A_368 = vector.broadcast %broadcast_in_dim3A_359 : vector<80x1xf32> to vector<80x10240xf32>
    %eq3A_369 = arith.cmpf oeq, %select_n3A_356, %eq3A_368 : vector<80x10240xf32>
    %jit3A_370 = arith.constant 1.000000e+30 : f32
    %broadcast_in_dim3A_371 = vector.broadcast %jit3A_370 : f32 to vector<80x10240xf32>
    %select_n3A_372 = arith.select %eq3A_369, %broadcast_in_dim3A_371, %select_n3A_356 : vector<80x10240xi1>, vector<80x10240xf32>
    %reduce_min3A_373 = arith.constant dense<0x7F800000> : vector<80xf32>
    %reduce_min3A_374 = vector.multi_reduction <minimumf>, %select_n3A_372, %reduce_min3A_373 [1] : vector<80x10240xf32> to vector<80xf32>
    %broadcast_in_dim3A_375 = vector.shape_cast %reduce_min3A_374 : vector<80xf32> to vector<80x1xf32>
    %bitcast_convert_type3A_376 = tpu.bitcast %broadcast_in_dim3A_375 : vector<80x1xf32> -> vector<80x1xi32>
    %lt3A_377 = arith.constant 1.000000e+30 : f32
    %lt3A_378 = vector.broadcast %lt3A_377 : f32 to vector<80x1xf32>
    %lt3A_379 = arith.cmpf olt, %broadcast_in_dim3A_375, %lt3A_378 : vector<80x1xf32>
    %and3A_380 = arith.constant 16383 : i32
    %and3A_381 = vector.broadcast %and3A_380 : i32 to vector<80x1xi32>
    %and3A_382 = arith.andi %bitcast_convert_type3A_376, %and3A_381 : vector<80x1xi32>
    %select_n3A_383 = arith.select %lt3A_379, %and3A_382, %add3A_54 : vector<80x1xi1>, vector<80x1xi32>
    %eq3A_384 = vector.broadcast %broadcast_in_dim3A_375 : vector<80x1xf32> to vector<80x10240xf32>
    %eq3A_385 = arith.cmpf oeq, %select_n3A_372, %eq3A_384 : vector<80x10240xf32>
    %jit3A_386 = arith.constant 1.000000e+30 : f32
    %broadcast_in_dim3A_387 = vector.broadcast %jit3A_386 : f32 to vector<80x10240xf32>
    %select_n3A_388 = arith.select %eq3A_385, %broadcast_in_dim3A_387, %select_n3A_372 : vector<80x10240xi1>, vector<80x10240xf32>
    %reduce_min3A_389 = arith.constant dense<0x7F800000> : vector<80xf32>
    %reduce_min3A_390 = vector.multi_reduction <minimumf>, %select_n3A_388, %reduce_min3A_389 [1] : vector<80x10240xf32> to vector<80xf32>
    %broadcast_in_dim3A_391 = vector.shape_cast %reduce_min3A_390 : vector<80xf32> to vector<80x1xf32>
    %bitcast_convert_type3A_392 = tpu.bitcast %broadcast_in_dim3A_391 : vector<80x1xf32> -> vector<80x1xi32>
    %lt3A_393 = arith.constant 1.000000e+30 : f32
    %lt3A_394 = vector.broadcast %lt3A_393 : f32 to vector<80x1xf32>
    %lt3A_395 = arith.cmpf olt, %broadcast_in_dim3A_391, %lt3A_394 : vector<80x1xf32>
    %and3A_396 = arith.constant 16383 : i32
    %and3A_397 = vector.broadcast %and3A_396 : i32 to vector<80x1xi32>
    %and3A_398 = arith.andi %bitcast_convert_type3A_392, %and3A_397 : vector<80x1xi32>
    %select_n3A_399 = arith.select %lt3A_395, %and3A_398, %add3A_54 : vector<80x1xi1>, vector<80x1xi32>
    %eq3A_400 = vector.broadcast %broadcast_in_dim3A_391 : vector<80x1xf32> to vector<80x10240xf32>
    %eq3A_401 = arith.cmpf oeq, %select_n3A_388, %eq3A_400 : vector<80x10240xf32>
    %jit3A_402 = arith.constant 1.000000e+30 : f32
    %broadcast_in_dim3A_403 = vector.broadcast %jit3A_402 : f32 to vector<80x10240xf32>
    %select_n3A_404 = arith.select %eq3A_401, %broadcast_in_dim3A_403, %select_n3A_388 : vector<80x10240xi1>, vector<80x10240xf32>
    %reduce_min3A_405 = arith.constant dense<0x7F800000> : vector<80xf32>
    %reduce_min3A_406 = vector.multi_reduction <minimumf>, %select_n3A_404, %reduce_min3A_405 [1] : vector<80x10240xf32> to vector<80xf32>
    %broadcast_in_dim3A_407 = vector.shape_cast %reduce_min3A_406 : vector<80xf32> to vector<80x1xf32>
    %bitcast_convert_type3A_408 = tpu.bitcast %broadcast_in_dim3A_407 : vector<80x1xf32> -> vector<80x1xi32>
    %lt3A_409 = arith.constant 1.000000e+30 : f32
    %lt3A_410 = vector.broadcast %lt3A_409 : f32 to vector<80x1xf32>
    %lt3A_411 = arith.cmpf olt, %broadcast_in_dim3A_407, %lt3A_410 : vector<80x1xf32>
    %and3A_412 = arith.constant 16383 : i32
    %and3A_413 = vector.broadcast %and3A_412 : i32 to vector<80x1xi32>
    %and3A_414 = arith.andi %bitcast_convert_type3A_408, %and3A_413 : vector<80x1xi32>
    %select_n3A_415 = arith.select %lt3A_411, %and3A_414, %add3A_54 : vector<80x1xi1>, vector<80x1xi32>
    %eq3A_416 = vector.broadcast %broadcast_in_dim3A_407 : vector<80x1xf32> to vector<80x10240xf32>
    %eq3A_417 = arith.cmpf oeq, %select_n3A_404, %eq3A_416 : vector<80x10240xf32>
    %jit3A_418 = arith.constant 1.000000e+30 : f32
    %broadcast_in_dim3A_419 = vector.broadcast %jit3A_418 : f32 to vector<80x10240xf32>
    %select_n3A_420 = arith.select %eq3A_417, %broadcast_in_dim3A_419, %select_n3A_404 : vector<80x10240xi1>, vector<80x10240xf32>
    %reduce_min3A_421 = arith.constant dense<0x7F800000> : vector<80xf32>
    %reduce_min3A_422 = vector.multi_reduction <minimumf>, %select_n3A_420, %reduce_min3A_421 [1] : vector<80x10240xf32> to vector<80xf32>
    %broadcast_in_dim3A_423 = vector.shape_cast %reduce_min3A_422 : vector<80xf32> to vector<80x1xf32>
    %bitcast_convert_type3A_424 = tpu.bitcast %broadcast_in_dim3A_423 : vector<80x1xf32> -> vector<80x1xi32>
    %lt3A_425 = arith.constant 1.000000e+30 : f32
    %lt3A_426 = vector.broadcast %lt3A_425 : f32 to vector<80x1xf32>
    %lt3A_427 = arith.cmpf olt, %broadcast_in_dim3A_423, %lt3A_426 : vector<80x1xf32>
    %and3A_428 = arith.constant 16383 : i32
    %and3A_429 = vector.broadcast %and3A_428 : i32 to vector<80x1xi32>
    %and3A_430 = arith.andi %bitcast_convert_type3A_424, %and3A_429 : vector<80x1xi32>
    %select_n3A_431 = arith.select %lt3A_427, %and3A_430, %add3A_54 : vector<80x1xi1>, vector<80x1xi32>
    %eq3A_432 = vector.broadcast %broadcast_in_dim3A_423 : vector<80x1xf32> to vector<80x10240xf32>
    %eq3A_433 = arith.cmpf oeq, %select_n3A_420, %eq3A_432 : vector<80x10240xf32>
    %jit3A_434 = arith.constant 1.000000e+30 : f32
    %broadcast_in_dim3A_435 = vector.broadcast %jit3A_434 : f32 to vector<80x10240xf32>
    %select_n3A_436 = arith.select %eq3A_433, %broadcast_in_dim3A_435, %select_n3A_420 : vector<80x10240xi1>, vector<80x10240xf32>
    %reduce_min3A_437 = arith.constant dense<0x7F800000> : vector<80xf32>
    %reduce_min3A_438 = vector.multi_reduction <minimumf>, %select_n3A_436, %reduce_min3A_437 [1] : vector<80x10240xf32> to vector<80xf32>
    %broadcast_in_dim3A_439 = vector.shape_cast %reduce_min3A_438 : vector<80xf32> to vector<80x1xf32>
    %bitcast_convert_type3A_440 = tpu.bitcast %broadcast_in_dim3A_439 : vector<80x1xf32> -> vector<80x1xi32>
    %lt3A_441 = arith.constant 1.000000e+30 : f32
    %lt3A_442 = vector.broadcast %lt3A_441 : f32 to vector<80x1xf32>
    %lt3A_443 = arith.cmpf olt, %broadcast_in_dim3A_439, %lt3A_442 : vector<80x1xf32>
    %and3A_444 = arith.constant 16383 : i32
    %and3A_445 = vector.broadcast %and3A_444 : i32 to vector<80x1xi32>
    %and3A_446 = arith.andi %bitcast_convert_type3A_440, %and3A_445 : vector<80x1xi32>
    %select_n3A_447 = arith.select %lt3A_443, %and3A_446, %add3A_54 : vector<80x1xi1>, vector<80x1xi32>
    %eq3A_448 = vector.broadcast %broadcast_in_dim3A_439 : vector<80x1xf32> to vector<80x10240xf32>
    %eq3A_449 = arith.cmpf oeq, %select_n3A_436, %eq3A_448 : vector<80x10240xf32>
    %jit3A_450 = arith.constant 1.000000e+30 : f32
    %broadcast_in_dim3A_451 = vector.broadcast %jit3A_450 : f32 to vector<80x10240xf32>
    %select_n3A_452 = arith.select %eq3A_449, %broadcast_in_dim3A_451, %select_n3A_436 : vector<80x10240xi1>, vector<80x10240xf32>
    %reduce_min3A_453 = arith.constant dense<0x7F800000> : vector<80xf32>
    %reduce_min3A_454 = vector.multi_reduction <minimumf>, %select_n3A_452, %reduce_min3A_453 [1] : vector<80x10240xf32> to vector<80xf32>
    %broadcast_in_dim3A_455 = vector.shape_cast %reduce_min3A_454 : vector<80xf32> to vector<80x1xf32>
    %bitcast_convert_type3A_456 = tpu.bitcast %broadcast_in_dim3A_455 : vector<80x1xf32> -> vector<80x1xi32>
    %lt3A_457 = arith.constant 1.000000e+30 : f32
    %lt3A_458 = vector.broadcast %lt3A_457 : f32 to vector<80x1xf32>
    %lt3A_459 = arith.cmpf olt, %broadcast_in_dim3A_455, %lt3A_458 : vector<80x1xf32>
    %and3A_460 = arith.constant 16383 : i32
    %and3A_461 = vector.broadcast %and3A_460 : i32 to vector<80x1xi32>
    %and3A_462 = arith.andi %bitcast_convert_type3A_456, %and3A_461 : vector<80x1xi32>
    %select_n3A_463 = arith.select %lt3A_459, %and3A_462, %add3A_54 : vector<80x1xi1>, vector<80x1xi32>
    %eq3A_464 = vector.broadcast %broadcast_in_dim3A_455 : vector<80x1xf32> to vector<80x10240xf32>
    %eq3A_465 = arith.cmpf oeq, %select_n3A_452, %eq3A_464 : vector<80x10240xf32>
    %jit3A_466 = arith.constant 1.000000e+30 : f32
    %broadcast_in_dim3A_467 = vector.broadcast %jit3A_466 : f32 to vector<80x10240xf32>
    %select_n3A_468 = arith.select %eq3A_465, %broadcast_in_dim3A_467, %select_n3A_452 : vector<80x10240xi1>, vector<80x10240xf32>
    %reduce_min3A_469 = arith.constant dense<0x7F800000> : vector<80xf32>
    %reduce_min3A_470 = vector.multi_reduction <minimumf>, %select_n3A_468, %reduce_min3A_469 [1] : vector<80x10240xf32> to vector<80xf32>
    %broadcast_in_dim3A_471 = vector.shape_cast %reduce_min3A_470 : vector<80xf32> to vector<80x1xf32>
    %bitcast_convert_type3A_472 = tpu.bitcast %broadcast_in_dim3A_471 : vector<80x1xf32> -> vector<80x1xi32>
    %lt3A_473 = arith.constant 1.000000e+30 : f32
    %lt3A_474 = vector.broadcast %lt3A_473 : f32 to vector<80x1xf32>
    %lt3A_475 = arith.cmpf olt, %broadcast_in_dim3A_471, %lt3A_474 : vector<80x1xf32>
    %and3A_476 = arith.constant 16383 : i32
    %and3A_477 = vector.broadcast %and3A_476 : i32 to vector<80x1xi32>
    %and3A_478 = arith.andi %bitcast_convert_type3A_472, %and3A_477 : vector<80x1xi32>
    %select_n3A_479 = arith.select %lt3A_475, %and3A_478, %add3A_54 : vector<80x1xi1>, vector<80x1xi32>
    %eq3A_480 = vector.broadcast %broadcast_in_dim3A_471 : vector<80x1xf32> to vector<80x10240xf32>
    %eq3A_481 = arith.cmpf oeq, %select_n3A_468, %eq3A_480 : vector<80x10240xf32>
    %jit3A_482 = arith.constant 1.000000e+30 : f32
    %broadcast_in_dim3A_483 = vector.broadcast %jit3A_482 : f32 to vector<80x10240xf32>
    %select_n3A_484 = arith.select %eq3A_481, %broadcast_in_dim3A_483, %select_n3A_468 : vector<80x10240xi1>, vector<80x10240xf32>
    %reduce_min3A_485 = arith.constant dense<0x7F800000> : vector<80xf32>
    %reduce_min3A_486 = vector.multi_reduction <minimumf>, %select_n3A_484, %reduce_min3A_485 [1] : vector<80x10240xf32> to vector<80xf32>
    %broadcast_in_dim3A_487 = vector.shape_cast %reduce_min3A_486 : vector<80xf32> to vector<80x1xf32>
    %bitcast_convert_type3A_488 = tpu.bitcast %broadcast_in_dim3A_487 : vector<80x1xf32> -> vector<80x1xi32>
    %lt3A_489 = arith.constant 1.000000e+30 : f32
    %lt3A_490 = vector.broadcast %lt3A_489 : f32 to vector<80x1xf32>
    %lt3A_491 = arith.cmpf olt, %broadcast_in_dim3A_487, %lt3A_490 : vector<80x1xf32>
    %and3A_492 = arith.constant 16383 : i32
    %and3A_493 = vector.broadcast %and3A_492 : i32 to vector<80x1xi32>
    %and3A_494 = arith.andi %bitcast_convert_type3A_488, %and3A_493 : vector<80x1xi32>
    %select_n3A_495 = arith.select %lt3A_491, %and3A_494, %add3A_54 : vector<80x1xi1>, vector<80x1xi32>
    %eq3A_496 = vector.broadcast %broadcast_in_dim3A_487 : vector<80x1xf32> to vector<80x10240xf32>
    %eq3A_497 = arith.cmpf oeq, %select_n3A_484, %eq3A_496 : vector<80x10240xf32>
    %jit3A_498 = arith.constant 1.000000e+30 : f32
    %broadcast_in_dim3A_499 = vector.broadcast %jit3A_498 : f32 to vector<80x10240xf32>
    %select_n3A_500 = arith.select %eq3A_497, %broadcast_in_dim3A_499, %select_n3A_484 : vector<80x10240xi1>, vector<80x10240xf32>
    %reduce_min3A_501 = arith.constant dense<0x7F800000> : vector<80xf32>
    %reduce_min3A_502 = vector.multi_reduction <minimumf>, %select_n3A_500, %reduce_min3A_501 [1] : vector<80x10240xf32> to vector<80xf32>
    %broadcast_in_dim3A_503 = vector.shape_cast %reduce_min3A_502 : vector<80xf32> to vector<80x1xf32>
    %bitcast_convert_type3A_504 = tpu.bitcast %broadcast_in_dim3A_503 : vector<80x1xf32> -> vector<80x1xi32>
    %lt3A_505 = arith.constant 1.000000e+30 : f32
    %lt3A_506 = vector.broadcast %lt3A_505 : f32 to vector<80x1xf32>
    %lt3A_507 = arith.cmpf olt, %broadcast_in_dim3A_503, %lt3A_506 : vector<80x1xf32>
    %and3A_508 = arith.constant 16383 : i32
    %and3A_509 = vector.broadcast %and3A_508 : i32 to vector<80x1xi32>
    %and3A_510 = arith.andi %bitcast_convert_type3A_504, %and3A_509 : vector<80x1xi32>
    %select_n3A_511 = arith.select %lt3A_507, %and3A_510, %add3A_54 : vector<80x1xi1>, vector<80x1xi32>
    %eq3A_512 = vector.broadcast %broadcast_in_dim3A_503 : vector<80x1xf32> to vector<80x10240xf32>
    %eq3A_513 = arith.cmpf oeq, %select_n3A_500, %eq3A_512 : vector<80x10240xf32>
    %jit3A_514 = arith.constant 1.000000e+30 : f32
    %broadcast_in_dim3A_515 = vector.broadcast %jit3A_514 : f32 to vector<80x10240xf32>
    %select_n3A_516 = arith.select %eq3A_513, %broadcast_in_dim3A_515, %select_n3A_500 : vector<80x10240xi1>, vector<80x10240xf32>
    %reduce_min3A_517 = arith.constant dense<0x7F800000> : vector<80xf32>
    %reduce_min3A_518 = vector.multi_reduction <minimumf>, %select_n3A_516, %reduce_min3A_517 [1] : vector<80x10240xf32> to vector<80xf32>
    %broadcast_in_dim3A_519 = vector.shape_cast %reduce_min3A_518 : vector<80xf32> to vector<80x1xf32>
    %bitcast_convert_type3A_520 = tpu.bitcast %broadcast_in_dim3A_519 : vector<80x1xf32> -> vector<80x1xi32>
    %lt3A_521 = arith.constant 1.000000e+30 : f32
    %lt3A_522 = vector.broadcast %lt3A_521 : f32 to vector<80x1xf32>
    %lt3A_523 = arith.cmpf olt, %broadcast_in_dim3A_519, %lt3A_522 : vector<80x1xf32>
    %and3A_524 = arith.constant 16383 : i32
    %and3A_525 = vector.broadcast %and3A_524 : i32 to vector<80x1xi32>
    %and3A_526 = arith.andi %bitcast_convert_type3A_520, %and3A_525 : vector<80x1xi32>
    %select_n3A_527 = arith.select %lt3A_523, %and3A_526, %add3A_54 : vector<80x1xi1>, vector<80x1xi32>
    %eq3A_528 = vector.broadcast %broadcast_in_dim3A_519 : vector<80x1xf32> to vector<80x10240xf32>
    %eq3A_529 = arith.cmpf oeq, %select_n3A_516, %eq3A_528 : vector<80x10240xf32>
    %jit3A_530 = arith.constant 1.000000e+30 : f32
    %broadcast_in_dim3A_531 = vector.broadcast %jit3A_530 : f32 to vector<80x10240xf32>
    %select_n3A_532 = arith.select %eq3A_529, %broadcast_in_dim3A_531, %select_n3A_516 : vector<80x10240xi1>, vector<80x10240xf32>
    %reduce_min3A_533 = arith.constant dense<0x7F800000> : vector<80xf32>
    %reduce_min3A_534 = vector.multi_reduction <minimumf>, %select_n3A_532, %reduce_min3A_533 [1] : vector<80x10240xf32> to vector<80xf32>
    %broadcast_in_dim3A_535 = vector.shape_cast %reduce_min3A_534 : vector<80xf32> to vector<80x1xf32>
    %bitcast_convert_type3A_536 = tpu.bitcast %broadcast_in_dim3A_535 : vector<80x1xf32> -> vector<80x1xi32>
    %lt3A_537 = arith.constant 1.000000e+30 : f32
    %lt3A_538 = vector.broadcast %lt3A_537 : f32 to vector<80x1xf32>
    %lt3A_539 = arith.cmpf olt, %broadcast_in_dim3A_535, %lt3A_538 : vector<80x1xf32>
    %and3A_540 = arith.constant 16383 : i32
    %and3A_541 = vector.broadcast %and3A_540 : i32 to vector<80x1xi32>
    %and3A_542 = arith.andi %bitcast_convert_type3A_536, %and3A_541 : vector<80x1xi32>
    %select_n3A_543 = arith.select %lt3A_539, %and3A_542, %add3A_54 : vector<80x1xi1>, vector<80x1xi32>
    %eq3A_544 = vector.broadcast %broadcast_in_dim3A_535 : vector<80x1xf32> to vector<80x10240xf32>
    %eq3A_545 = arith.cmpf oeq, %select_n3A_532, %eq3A_544 : vector<80x10240xf32>
    %jit3A_546 = arith.constant 1.000000e+30 : f32
    %broadcast_in_dim3A_547 = vector.broadcast %jit3A_546 : f32 to vector<80x10240xf32>
    %select_n3A_548 = arith.select %eq3A_545, %broadcast_in_dim3A_547, %select_n3A_532 : vector<80x10240xi1>, vector<80x10240xf32>
    %reduce_min3A_549 = arith.constant dense<0x7F800000> : vector<80xf32>
    %reduce_min3A_550 = vector.multi_reduction <minimumf>, %select_n3A_548, %reduce_min3A_549 [1] : vector<80x10240xf32> to vector<80xf32>
    %broadcast_in_dim3A_551 = vector.shape_cast %reduce_min3A_550 : vector<80xf32> to vector<80x1xf32>
    %bitcast_convert_type3A_552 = tpu.bitcast %broadcast_in_dim3A_551 : vector<80x1xf32> -> vector<80x1xi32>
    %lt3A_553 = arith.constant 1.000000e+30 : f32
    %lt3A_554 = vector.broadcast %lt3A_553 : f32 to vector<80x1xf32>
    %lt3A_555 = arith.cmpf olt, %broadcast_in_dim3A_551, %lt3A_554 : vector<80x1xf32>
    %and3A_556 = arith.constant 16383 : i32
    %and3A_557 = vector.broadcast %and3A_556 : i32 to vector<80x1xi32>
    %and3A_558 = arith.andi %bitcast_convert_type3A_552, %and3A_557 : vector<80x1xi32>
    %select_n3A_559 = arith.select %lt3A_555, %and3A_558, %add3A_54 : vector<80x1xi1>, vector<80x1xi32>
    %concatenate3A = tpu.concatenate %select_n3A_63, %select_n3A_79, %select_n3A_95, %select_n3A_111, %select_n3A_127, %select_n3A_143, %select_n3A_159, %select_n3A_175, %select_n3A_191, %select_n3A_207, %select_n3A_223, %select_n3A_239, %select_n3A_255, %select_n3A_271, %select_n3A_287, %select_n3A_303, %select_n3A_319, %select_n3A_335, %select_n3A_351, %select_n3A_367, %select_n3A_383, %select_n3A_399, %select_n3A_415, %select_n3A_431, %select_n3A_447, %select_n3A_463, %select_n3A_479, %select_n3A_495, %select_n3A_511, %select_n3A_527, %select_n3A_543, %select_n3A_559 in 1 : vector<80x1xi32>, vector<80x1xi32>, vector<80x1xi32>, vector<80x1xi32>, vector<80x1xi32>, vector<80x1xi32>, vector<80x1xi32>, vector<80x1xi32>, vector<80x1xi32>, vector<80x1xi32>, vector<80x1xi32>, vector<80x1xi32>, vector<80x1xi32>, vector<80x1xi32>, vector<80x1xi32>, vector<80x1xi32>, vector<80x1xi32>, vector<80x1xi32>, vector<80x1xi32>, vector<80x1xi32>, vector<80x1xi32>, vector<80x1xi32>, vector<80x1xi32>, vector<80x1xi32>, vector<80x1xi32>, vector<80x1xi32>, vector<80x1xi32>, vector<80x1xi32>, vector<80x1xi32>, vector<80x1xi32>, vector<80x1xi32>, vector<80x1xi32> -> vector<80x32xi32>
    %swap3A = arith.constant 0 : index
    %swap3A_560 = arith.constant 0 : index
    %swap3A_561 = vector.load %arg3[%swap3A, %swap3A_560] : memref<80x32xi32, #tpu.memory_space<vmem>>, vector<80x32xi32>
    tpu.vector_store %arg3[%swap3A, %swap3A_560], %concatenate3A {strides = array<i32>} : memref<80x32xi32, #tpu.memory_space<vmem>>, vector<80x32xi32>,
    return
  }
  func.func @transform_0(%arg0: i32) -> (i32, i32) {
    %c0_i32 = arith.constant 0 : i32
    %c0_i32_0 = arith.constant 0 : i32
    return %arg0, %c0_i32 : i32, i32
  }
  func.func @transform_1(%arg0: i32) -> (i32, i32) {
    %c0_i32 = arith.constant 0 : i32
    %c0_i32_0 = arith.constant 0 : i32
    %c0_i32_1 = arith.constant 0 : i32
    return %c0_i32, %c0_i32_0 : i32, i32
  }
  func.func @transform_2(%arg0: i32) -> (i32, i32) {
    %c0_i32 = arith.constant 0 : i32
    %c0_i32_0 = arith.constant 0 : i32
    return %arg0, %c0_i32 : i32, i32
  }
}

module attributes {stable_mosaic.version = 14 : i64} {
  func.func @_reduce_body(%arg0: i32, %arg1: memref<32x400x128xf32, #tpu.memory_space<vmem>>, %arg2: memref<400x128xf32, #tpu.memory_space<vmem>>, %arg3: memref<128x128xf32, #tpu.memory_space<vmem>>, %arg4: memref<1x128xf32, #tpu.memory_space<vmem>>, %arg5: memref<400x128xf32, #tpu.memory_space<vmem>>) attributes {dimension_semantics = [#tpu.dimension_semantics<arbitrary>], iteration_bounds = array<i64: 12>, scalar_prefetch = 0 : i64, scratch_operands = 0 : i64, tpu.core_type = #tpu.core_type<tc>, window_params = [{transform_indices = @transform_0, window_bounds = array<i64: 32, 400, 128>}, {transform_indices = @transform_1, window_bounds = array<i64: 400, 128>}, {pipeline_mode = #tpu.pipeline_mode<synchronous>, transform_indices = @transform_2, window_bounds = array<i64: 128, 128>}, {pipeline_mode = #tpu.pipeline_mode<synchronous>, transform_indices = @transform_3, window_bounds = array<i64: 1, 128>}, {transform_indices = @transform_4, window_bounds = array<i64: 400, 128>}]} {
    %get3A = arith.constant 0 : index
    %get3A_0 = arith.constant 0 : index
    %get3A_1 = vector.load %arg2[%get3A, %get3A_0] : memref<400x128xf32, #tpu.memory_space<vmem>>, vector<400x128xf32>
    %broadcast_in_dim3A = arith.constant -1.000000e+30 : f32
    %broadcast_in_dim3A_2 = vector.broadcast %broadcast_in_dim3A : f32 to vector<400x128xf32>
    %get3A_3 = arith.constant 0 : index
    %get3A_4 = arith.constant 0 : index
    %get3A_5 = arith.constant 0 : index
    %get3A_6 = vector.load %arg1[%get3A_3, %get3A_4, %get3A_5] : memref<32x400x128xf32, #tpu.memory_space<vmem>>, vector<1x400x128xf32>
    %get3A_7 = vector.shape_cast %get3A_6 : vector<1x400x128xf32> to vector<400x128xf32>
    %sub3A = arith.subf %get3A_7, %get3A_1 : vector<400x128xf32>
    %max3A = arith.constant 0.000000e+00 : f32
    %max3A_8 = vector.broadcast %max3A : f32 to vector<400x128xf32>
    %max3A_9 = arith.maximumf %sub3A, %max3A_8 : vector<400x128xf32>
    %get3A_10 = arith.constant 0 : index
    %get3A_11 = arith.constant 0 : index
    %get3A_12 = vector.load %arg3[%get3A_10, %get3A_11] : memref<128x128xf32, #tpu.memory_space<vmem>>, vector<128x128xf32>
    %dot_general3A = arith.constant dense<0.000000e+00> : vector<400x128xf32>
    %dot_general3A_13 = tpu.matmul %max3A_9, %get3A_12, %dot_general3A {dimension_numbers = #tpu.dot_dimension_numbers<[1], [0], [0], [1], [0, 0, 1, 1], [], []>, transpose_lhs_hint = false} : vector<400x128xf32>, vector<128x128xf32>, vector<400x128xf32> -> vector<400x128xf32>
    %max3A_14 = arith.maximumf %broadcast_in_dim3A_2, %dot_general3A_13 : vector<400x128xf32>
    %get3A_15 = arith.constant 1 : index
    %get3A_16 = arith.constant 0 : index
    %get3A_17 = arith.constant 0 : index
    %get3A_18 = vector.load %arg1[%get3A_15, %get3A_16, %get3A_17] : memref<32x400x128xf32, #tpu.memory_space<vmem>>, vector<1x400x128xf32>
    %get3A_19 = vector.shape_cast %get3A_18 : vector<1x400x128xf32> to vector<400x128xf32>
    %sub3A_20 = arith.subf %get3A_19, %get3A_1 : vector<400x128xf32>
    %max3A_21 = arith.constant 0.000000e+00 : f32
    %max3A_22 = vector.broadcast %max3A_21 : f32 to vector<400x128xf32>
    %max3A_23 = arith.maximumf %sub3A_20, %max3A_22 : vector<400x128xf32>
    %get3A_24 = arith.constant 0 : index
    %get3A_25 = arith.constant 0 : index
    %get3A_26 = vector.load %arg3[%get3A_24, %get3A_25] : memref<128x128xf32, #tpu.memory_space<vmem>>, vector<128x128xf32>
    %dot_general3A_27 = arith.constant dense<0.000000e+00> : vector<400x128xf32>
    %dot_general3A_28 = tpu.matmul %max3A_23, %get3A_26, %dot_general3A_27 {dimension_numbers = #tpu.dot_dimension_numbers<[1], [0], [0], [1], [0, 0, 1, 1], [], []>, transpose_lhs_hint = false} : vector<400x128xf32>, vector<128x128xf32>, vector<400x128xf32> -> vector<400x128xf32>
    %max3A_29 = arith.maximumf %max3A_14, %dot_general3A_28 : vector<400x128xf32>
    %get3A_30 = arith.constant 2 : index
    %get3A_31 = arith.constant 0 : index
    %get3A_32 = arith.constant 0 : index
    %get3A_33 = vector.load %arg1[%get3A_30, %get3A_31, %get3A_32] : memref<32x400x128xf32, #tpu.memory_space<vmem>>, vector<1x400x128xf32>
    %get3A_34 = vector.shape_cast %get3A_33 : vector<1x400x128xf32> to vector<400x128xf32>
    %sub3A_35 = arith.subf %get3A_34, %get3A_1 : vector<400x128xf32>
    %max3A_36 = arith.constant 0.000000e+00 : f32
    %max3A_37 = vector.broadcast %max3A_36 : f32 to vector<400x128xf32>
    %max3A_38 = arith.maximumf %sub3A_35, %max3A_37 : vector<400x128xf32>
    %get3A_39 = arith.constant 0 : index
    %get3A_40 = arith.constant 0 : index
    %get3A_41 = vector.load %arg3[%get3A_39, %get3A_40] : memref<128x128xf32, #tpu.memory_space<vmem>>, vector<128x128xf32>
    %dot_general3A_42 = arith.constant dense<0.000000e+00> : vector<400x128xf32>
    %dot_general3A_43 = tpu.matmul %max3A_38, %get3A_41, %dot_general3A_42 {dimension_numbers = #tpu.dot_dimension_numbers<[1], [0], [0], [1], [0, 0, 1, 1], [], []>, transpose_lhs_hint = false} : vector<400x128xf32>, vector<128x128xf32>, vector<400x128xf32> -> vector<400x128xf32>
    %max3A_44 = arith.maximumf %max3A_29, %dot_general3A_43 : vector<400x128xf32>
    %get3A_45 = arith.constant 3 : index
    %get3A_46 = arith.constant 0 : index
    %get3A_47 = arith.constant 0 : index
    %get3A_48 = vector.load %arg1[%get3A_45, %get3A_46, %get3A_47] : memref<32x400x128xf32, #tpu.memory_space<vmem>>, vector<1x400x128xf32>
    %get3A_49 = vector.shape_cast %get3A_48 : vector<1x400x128xf32> to vector<400x128xf32>
    %sub3A_50 = arith.subf %get3A_49, %get3A_1 : vector<400x128xf32>
    %max3A_51 = arith.constant 0.000000e+00 : f32
    %max3A_52 = vector.broadcast %max3A_51 : f32 to vector<400x128xf32>
    %max3A_53 = arith.maximumf %sub3A_50, %max3A_52 : vector<400x128xf32>
    %get3A_54 = arith.constant 0 : index
    %get3A_55 = arith.constant 0 : index
    %get3A_56 = vector.load %arg3[%get3A_54, %get3A_55] : memref<128x128xf32, #tpu.memory_space<vmem>>, vector<128x128xf32>
    %dot_general3A_57 = arith.constant dense<0.000000e+00> : vector<400x128xf32>
    %dot_general3A_58 = tpu.matmul %max3A_53, %get3A_56, %dot_general3A_57 {dimension_numbers = #tpu.dot_dimension_numbers<[1], [0], [0], [1], [0, 0, 1, 1], [], []>, transpose_lhs_hint = false} : vector<400x128xf32>, vector<128x128xf32>, vector<400x128xf32> -> vector<400x128xf32>
    %max3A_59 = arith.maximumf %max3A_44, %dot_general3A_58 : vector<400x128xf32>
    %get3A_60 = arith.constant 4 : index
    %get3A_61 = arith.constant 0 : index
    %get3A_62 = arith.constant 0 : index
    %get3A_63 = vector.load %arg1[%get3A_60, %get3A_61, %get3A_62] : memref<32x400x128xf32, #tpu.memory_space<vmem>>, vector<1x400x128xf32>
    %get3A_64 = vector.shape_cast %get3A_63 : vector<1x400x128xf32> to vector<400x128xf32>
    %sub3A_65 = arith.subf %get3A_64, %get3A_1 : vector<400x128xf32>
    %max3A_66 = arith.constant 0.000000e+00 : f32
    %max3A_67 = vector.broadcast %max3A_66 : f32 to vector<400x128xf32>
    %max3A_68 = arith.maximumf %sub3A_65, %max3A_67 : vector<400x128xf32>
    %get3A_69 = arith.constant 0 : index
    %get3A_70 = arith.constant 0 : index
    %get3A_71 = vector.load %arg3[%get3A_69, %get3A_70] : memref<128x128xf32, #tpu.memory_space<vmem>>, vector<128x128xf32>
    %dot_general3A_72 = arith.constant dense<0.000000e+00> : vector<400x128xf32>
    %dot_general3A_73 = tpu.matmul %max3A_68, %get3A_71, %dot_general3A_72 {dimension_numbers = #tpu.dot_dimension_numbers<[1], [0], [0], [1], [0, 0, 1, 1], [], []>, transpose_lhs_hint = false} : vector<400x128xf32>, vector<128x128xf32>, vector<400x128xf32> -> vector<400x128xf32>
    %max3A_74 = arith.maximumf %max3A_59, %dot_general3A_73 : vector<400x128xf32>
    %get3A_75 = arith.constant 5 : index
    %get3A_76 = arith.constant 0 : index
    %get3A_77 = arith.constant 0 : index
    %get3A_78 = vector.load %arg1[%get3A_75, %get3A_76, %get3A_77] : memref<32x400x128xf32, #tpu.memory_space<vmem>>, vector<1x400x128xf32>
    %get3A_79 = vector.shape_cast %get3A_78 : vector<1x400x128xf32> to vector<400x128xf32>
    %sub3A_80 = arith.subf %get3A_79, %get3A_1 : vector<400x128xf32>
    %max3A_81 = arith.constant 0.000000e+00 : f32
    %max3A_82 = vector.broadcast %max3A_81 : f32 to vector<400x128xf32>
    %max3A_83 = arith.maximumf %sub3A_80, %max3A_82 : vector<400x128xf32>
    %get3A_84 = arith.constant 0 : index
    %get3A_85 = arith.constant 0 : index
    %get3A_86 = vector.load %arg3[%get3A_84, %get3A_85] : memref<128x128xf32, #tpu.memory_space<vmem>>, vector<128x128xf32>
    %dot_general3A_87 = arith.constant dense<0.000000e+00> : vector<400x128xf32>
    %dot_general3A_88 = tpu.matmul %max3A_83, %get3A_86, %dot_general3A_87 {dimension_numbers = #tpu.dot_dimension_numbers<[1], [0], [0], [1], [0, 0, 1, 1], [], []>, transpose_lhs_hint = false} : vector<400x128xf32>, vector<128x128xf32>, vector<400x128xf32> -> vector<400x128xf32>
    %max3A_89 = arith.maximumf %max3A_74, %dot_general3A_88 : vector<400x128xf32>
    %get3A_90 = arith.constant 6 : index
    %get3A_91 = arith.constant 0 : index
    %get3A_92 = arith.constant 0 : index
    %get3A_93 = vector.load %arg1[%get3A_90, %get3A_91, %get3A_92] : memref<32x400x128xf32, #tpu.memory_space<vmem>>, vector<1x400x128xf32>
    %get3A_94 = vector.shape_cast %get3A_93 : vector<1x400x128xf32> to vector<400x128xf32>
    %sub3A_95 = arith.subf %get3A_94, %get3A_1 : vector<400x128xf32>
    %max3A_96 = arith.constant 0.000000e+00 : f32
    %max3A_97 = vector.broadcast %max3A_96 : f32 to vector<400x128xf32>
    %max3A_98 = arith.maximumf %sub3A_95, %max3A_97 : vector<400x128xf32>
    %get3A_99 = arith.constant 0 : index
    %get3A_100 = arith.constant 0 : index
    %get3A_101 = vector.load %arg3[%get3A_99, %get3A_100] : memref<128x128xf32, #tpu.memory_space<vmem>>, vector<128x128xf32>
    %dot_general3A_102 = arith.constant dense<0.000000e+00> : vector<400x128xf32>
    %dot_general3A_103 = tpu.matmul %max3A_98, %get3A_101, %dot_general3A_102 {dimension_numbers = #tpu.dot_dimension_numbers<[1], [0], [0], [1], [0, 0, 1, 1], [], []>, transpose_lhs_hint = false} : vector<400x128xf32>, vector<128x128xf32>, vector<400x128xf32> -> vector<400x128xf32>
    %max3A_104 = arith.maximumf %max3A_89, %dot_general3A_103 : vector<400x128xf32>
    %get3A_105 = arith.constant 7 : index
    %get3A_106 = arith.constant 0 : index
    %get3A_107 = arith.constant 0 : index
    %get3A_108 = vector.load %arg1[%get3A_105, %get3A_106, %get3A_107] : memref<32x400x128xf32, #tpu.memory_space<vmem>>, vector<1x400x128xf32>
    %get3A_109 = vector.shape_cast %get3A_108 : vector<1x400x128xf32> to vector<400x128xf32>
    %sub3A_110 = arith.subf %get3A_109, %get3A_1 : vector<400x128xf32>
    %max3A_111 = arith.constant 0.000000e+00 : f32
    %max3A_112 = vector.broadcast %max3A_111 : f32 to vector<400x128xf32>
    %max3A_113 = arith.maximumf %sub3A_110, %max3A_112 : vector<400x128xf32>
    %get3A_114 = arith.constant 0 : index
    %get3A_115 = arith.constant 0 : index
    %get3A_116 = vector.load %arg3[%get3A_114, %get3A_115] : memref<128x128xf32, #tpu.memory_space<vmem>>, vector<128x128xf32>
    %dot_general3A_117 = arith.constant dense<0.000000e+00> : vector<400x128xf32>
    %dot_general3A_118 = tpu.matmul %max3A_113, %get3A_116, %dot_general3A_117 {dimension_numbers = #tpu.dot_dimension_numbers<[1], [0], [0], [1], [0, 0, 1, 1], [], []>, transpose_lhs_hint = false} : vector<400x128xf32>, vector<128x128xf32>, vector<400x128xf32> -> vector<400x128xf32>
    %max3A_119 = arith.maximumf %max3A_104, %dot_general3A_118 : vector<400x128xf32>
    %get3A_120 = arith.constant 8 : index
    %get3A_121 = arith.constant 0 : index
    %get3A_122 = arith.constant 0 : index
    %get3A_123 = vector.load %arg1[%get3A_120, %get3A_121, %get3A_122] : memref<32x400x128xf32, #tpu.memory_space<vmem>>, vector<1x400x128xf32>
    %get3A_124 = vector.shape_cast %get3A_123 : vector<1x400x128xf32> to vector<400x128xf32>
    %sub3A_125 = arith.subf %get3A_124, %get3A_1 : vector<400x128xf32>
    %max3A_126 = arith.constant 0.000000e+00 : f32
    %max3A_127 = vector.broadcast %max3A_126 : f32 to vector<400x128xf32>
    %max3A_128 = arith.maximumf %sub3A_125, %max3A_127 : vector<400x128xf32>
    %get3A_129 = arith.constant 0 : index
    %get3A_130 = arith.constant 0 : index
    %get3A_131 = vector.load %arg3[%get3A_129, %get3A_130] : memref<128x128xf32, #tpu.memory_space<vmem>>, vector<128x128xf32>
    %dot_general3A_132 = arith.constant dense<0.000000e+00> : vector<400x128xf32>
    %dot_general3A_133 = tpu.matmul %max3A_128, %get3A_131, %dot_general3A_132 {dimension_numbers = #tpu.dot_dimension_numbers<[1], [0], [0], [1], [0, 0, 1, 1], [], []>, transpose_lhs_hint = false} : vector<400x128xf32>, vector<128x128xf32>, vector<400x128xf32> -> vector<400x128xf32>
    %max3A_134 = arith.maximumf %max3A_119, %dot_general3A_133 : vector<400x128xf32>
    %get3A_135 = arith.constant 9 : index
    %get3A_136 = arith.constant 0 : index
    %get3A_137 = arith.constant 0 : index
    %get3A_138 = vector.load %arg1[%get3A_135, %get3A_136, %get3A_137] : memref<32x400x128xf32, #tpu.memory_space<vmem>>, vector<1x400x128xf32>
    %get3A_139 = vector.shape_cast %get3A_138 : vector<1x400x128xf32> to vector<400x128xf32>
    %sub3A_140 = arith.subf %get3A_139, %get3A_1 : vector<400x128xf32>
    %max3A_141 = arith.constant 0.000000e+00 : f32
    %max3A_142 = vector.broadcast %max3A_141 : f32 to vector<400x128xf32>
    %max3A_143 = arith.maximumf %sub3A_140, %max3A_142 : vector<400x128xf32>
    %get3A_144 = arith.constant 0 : index
    %get3A_145 = arith.constant 0 : index
    %get3A_146 = vector.load %arg3[%get3A_144, %get3A_145] : memref<128x128xf32, #tpu.memory_space<vmem>>, vector<128x128xf32>
    %dot_general3A_147 = arith.constant dense<0.000000e+00> : vector<400x128xf32>
    %dot_general3A_148 = tpu.matmul %max3A_143, %get3A_146, %dot_general3A_147 {dimension_numbers = #tpu.dot_dimension_numbers<[1], [0], [0], [1], [0, 0, 1, 1], [], []>, transpose_lhs_hint = false} : vector<400x128xf32>, vector<128x128xf32>, vector<400x128xf32> -> vector<400x128xf32>
    %max3A_149 = arith.maximumf %max3A_134, %dot_general3A_148 : vector<400x128xf32>
    %get3A_150 = arith.constant 10 : index
    %get3A_151 = arith.constant 0 : index
    %get3A_152 = arith.constant 0 : index
    %get3A_153 = vector.load %arg1[%get3A_150, %get3A_151, %get3A_152] : memref<32x400x128xf32, #tpu.memory_space<vmem>>, vector<1x400x128xf32>
    %get3A_154 = vector.shape_cast %get3A_153 : vector<1x400x128xf32> to vector<400x128xf32>
    %sub3A_155 = arith.subf %get3A_154, %get3A_1 : vector<400x128xf32>
    %max3A_156 = arith.constant 0.000000e+00 : f32
    %max3A_157 = vector.broadcast %max3A_156 : f32 to vector<400x128xf32>
    %max3A_158 = arith.maximumf %sub3A_155, %max3A_157 : vector<400x128xf32>
    %get3A_159 = arith.constant 0 : index
    %get3A_160 = arith.constant 0 : index
    %get3A_161 = vector.load %arg3[%get3A_159, %get3A_160] : memref<128x128xf32, #tpu.memory_space<vmem>>, vector<128x128xf32>
    %dot_general3A_162 = arith.constant dense<0.000000e+00> : vector<400x128xf32>
    %dot_general3A_163 = tpu.matmul %max3A_158, %get3A_161, %dot_general3A_162 {dimension_numbers = #tpu.dot_dimension_numbers<[1], [0], [0], [1], [0, 0, 1, 1], [], []>, transpose_lhs_hint = false} : vector<400x128xf32>, vector<128x128xf32>, vector<400x128xf32> -> vector<400x128xf32>
    %max3A_164 = arith.maximumf %max3A_149, %dot_general3A_163 : vector<400x128xf32>
    %get3A_165 = arith.constant 11 : index
    %get3A_166 = arith.constant 0 : index
    %get3A_167 = arith.constant 0 : index
    %get3A_168 = vector.load %arg1[%get3A_165, %get3A_166, %get3A_167] : memref<32x400x128xf32, #tpu.memory_space<vmem>>, vector<1x400x128xf32>
    %get3A_169 = vector.shape_cast %get3A_168 : vector<1x400x128xf32> to vector<400x128xf32>
    %sub3A_170 = arith.subf %get3A_169, %get3A_1 : vector<400x128xf32>
    %max3A_171 = arith.constant 0.000000e+00 : f32
    %max3A_172 = vector.broadcast %max3A_171 : f32 to vector<400x128xf32>
    %max3A_173 = arith.maximumf %sub3A_170, %max3A_172 : vector<400x128xf32>
    %get3A_174 = arith.constant 0 : index
    %get3A_175 = arith.constant 0 : index
    %get3A_176 = vector.load %arg3[%get3A_174, %get3A_175] : memref<128x128xf32, #tpu.memory_space<vmem>>, vector<128x128xf32>
    %dot_general3A_177 = arith.constant dense<0.000000e+00> : vector<400x128xf32>
    %dot_general3A_178 = tpu.matmul %max3A_173, %get3A_176, %dot_general3A_177 {dimension_numbers = #tpu.dot_dimension_numbers<[1], [0], [0], [1], [0, 0, 1, 1], [], []>, transpose_lhs_hint = false} : vector<400x128xf32>, vector<128x128xf32>, vector<400x128xf32> -> vector<400x128xf32>
    %max3A_179 = arith.maximumf %max3A_164, %dot_general3A_178 : vector<400x128xf32>
    %get3A_180 = arith.constant 12 : index
    %get3A_181 = arith.constant 0 : index
    %get3A_182 = arith.constant 0 : index
    %get3A_183 = vector.load %arg1[%get3A_180, %get3A_181, %get3A_182] : memref<32x400x128xf32, #tpu.memory_space<vmem>>, vector<1x400x128xf32>
    %get3A_184 = vector.shape_cast %get3A_183 : vector<1x400x128xf32> to vector<400x128xf32>
    %sub3A_185 = arith.subf %get3A_184, %get3A_1 : vector<400x128xf32>
    %max3A_186 = arith.constant 0.000000e+00 : f32
    %max3A_187 = vector.broadcast %max3A_186 : f32 to vector<400x128xf32>
    %max3A_188 = arith.maximumf %sub3A_185, %max3A_187 : vector<400x128xf32>
    %get3A_189 = arith.constant 0 : index
    %get3A_190 = arith.constant 0 : index
    %get3A_191 = vector.load %arg3[%get3A_189, %get3A_190] : memref<128x128xf32, #tpu.memory_space<vmem>>, vector<128x128xf32>
    %dot_general3A_192 = arith.constant dense<0.000000e+00> : vector<400x128xf32>
    %dot_general3A_193 = tpu.matmul %max3A_188, %get3A_191, %dot_general3A_192 {dimension_numbers = #tpu.dot_dimension_numbers<[1], [0], [0], [1], [0, 0, 1, 1], [], []>, transpose_lhs_hint = false} : vector<400x128xf32>, vector<128x128xf32>, vector<400x128xf32> -> vector<400x128xf32>
    %max3A_194 = arith.maximumf %max3A_179, %dot_general3A_193 : vector<400x128xf32>
    %get3A_195 = arith.constant 13 : index
    %get3A_196 = arith.constant 0 : index
    %get3A_197 = arith.constant 0 : index
    %get3A_198 = vector.load %arg1[%get3A_195, %get3A_196, %get3A_197] : memref<32x400x128xf32, #tpu.memory_space<vmem>>, vector<1x400x128xf32>
    %get3A_199 = vector.shape_cast %get3A_198 : vector<1x400x128xf32> to vector<400x128xf32>
    %sub3A_200 = arith.subf %get3A_199, %get3A_1 : vector<400x128xf32>
    %max3A_201 = arith.constant 0.000000e+00 : f32
    %max3A_202 = vector.broadcast %max3A_201 : f32 to vector<400x128xf32>
    %max3A_203 = arith.maximumf %sub3A_200, %max3A_202 : vector<400x128xf32>
    %get3A_204 = arith.constant 0 : index
    %get3A_205 = arith.constant 0 : index
    %get3A_206 = vector.load %arg3[%get3A_204, %get3A_205] : memref<128x128xf32, #tpu.memory_space<vmem>>, vector<128x128xf32>
    %dot_general3A_207 = arith.constant dense<0.000000e+00> : vector<400x128xf32>
    %dot_general3A_208 = tpu.matmul %max3A_203, %get3A_206, %dot_general3A_207 {dimension_numbers = #tpu.dot_dimension_numbers<[1], [0], [0], [1], [0, 0, 1, 1], [], []>, transpose_lhs_hint = false} : vector<400x128xf32>, vector<128x128xf32>, vector<400x128xf32> -> vector<400x128xf32>
    %max3A_209 = arith.maximumf %max3A_194, %dot_general3A_208 : vector<400x128xf32>
    %get3A_210 = arith.constant 14 : index
    %get3A_211 = arith.constant 0 : index
    %get3A_212 = arith.constant 0 : index
    %get3A_213 = vector.load %arg1[%get3A_210, %get3A_211, %get3A_212] : memref<32x400x128xf32, #tpu.memory_space<vmem>>, vector<1x400x128xf32>
    %get3A_214 = vector.shape_cast %get3A_213 : vector<1x400x128xf32> to vector<400x128xf32>
    %sub3A_215 = arith.subf %get3A_214, %get3A_1 : vector<400x128xf32>
    %max3A_216 = arith.constant 0.000000e+00 : f32
    %max3A_217 = vector.broadcast %max3A_216 : f32 to vector<400x128xf32>
    %max3A_218 = arith.maximumf %sub3A_215, %max3A_217 : vector<400x128xf32>
    %get3A_219 = arith.constant 0 : index
    %get3A_220 = arith.constant 0 : index
    %get3A_221 = vector.load %arg3[%get3A_219, %get3A_220] : memref<128x128xf32, #tpu.memory_space<vmem>>, vector<128x128xf32>
    %dot_general3A_222 = arith.constant dense<0.000000e+00> : vector<400x128xf32>
    %dot_general3A_223 = tpu.matmul %max3A_218, %get3A_221, %dot_general3A_222 {dimension_numbers = #tpu.dot_dimension_numbers<[1], [0], [0], [1], [0, 0, 1, 1], [], []>, transpose_lhs_hint = false} : vector<400x128xf32>, vector<128x128xf32>, vector<400x128xf32> -> vector<400x128xf32>
    %max3A_224 = arith.maximumf %max3A_209, %dot_general3A_223 : vector<400x128xf32>
    %get3A_225 = arith.constant 15 : index
    %get3A_226 = arith.constant 0 : index
    %get3A_227 = arith.constant 0 : index
    %get3A_228 = vector.load %arg1[%get3A_225, %get3A_226, %get3A_227] : memref<32x400x128xf32, #tpu.memory_space<vmem>>, vector<1x400x128xf32>
    %get3A_229 = vector.shape_cast %get3A_228 : vector<1x400x128xf32> to vector<400x128xf32>
    %sub3A_230 = arith.subf %get3A_229, %get3A_1 : vector<400x128xf32>
    %max3A_231 = arith.constant 0.000000e+00 : f32
    %max3A_232 = vector.broadcast %max3A_231 : f32 to vector<400x128xf32>
    %max3A_233 = arith.maximumf %sub3A_230, %max3A_232 : vector<400x128xf32>
    %get3A_234 = arith.constant 0 : index
    %get3A_235 = arith.constant 0 : index
    %get3A_236 = vector.load %arg3[%get3A_234, %get3A_235] : memref<128x128xf32, #tpu.memory_space<vmem>>, vector<128x128xf32>
    %dot_general3A_237 = arith.constant dense<0.000000e+00> : vector<400x128xf32>
    %dot_general3A_238 = tpu.matmul %max3A_233, %get3A_236, %dot_general3A_237 {dimension_numbers = #tpu.dot_dimension_numbers<[1], [0], [0], [1], [0, 0, 1, 1], [], []>, transpose_lhs_hint = false} : vector<400x128xf32>, vector<128x128xf32>, vector<400x128xf32> -> vector<400x128xf32>
    %max3A_239 = arith.maximumf %max3A_224, %dot_general3A_238 : vector<400x128xf32>
    %get3A_240 = arith.constant 16 : index
    %get3A_241 = arith.constant 0 : index
    %get3A_242 = arith.constant 0 : index
    %get3A_243 = vector.load %arg1[%get3A_240, %get3A_241, %get3A_242] : memref<32x400x128xf32, #tpu.memory_space<vmem>>, vector<1x400x128xf32>
    %get3A_244 = vector.shape_cast %get3A_243 : vector<1x400x128xf32> to vector<400x128xf32>
    %sub3A_245 = arith.subf %get3A_244, %get3A_1 : vector<400x128xf32>
    %max3A_246 = arith.constant 0.000000e+00 : f32
    %max3A_247 = vector.broadcast %max3A_246 : f32 to vector<400x128xf32>
    %max3A_248 = arith.maximumf %sub3A_245, %max3A_247 : vector<400x128xf32>
    %get3A_249 = arith.constant 0 : index
    %get3A_250 = arith.constant 0 : index
    %get3A_251 = vector.load %arg3[%get3A_249, %get3A_250] : memref<128x128xf32, #tpu.memory_space<vmem>>, vector<128x128xf32>
    %dot_general3A_252 = arith.constant dense<0.000000e+00> : vector<400x128xf32>
    %dot_general3A_253 = tpu.matmul %max3A_248, %get3A_251, %dot_general3A_252 {dimension_numbers = #tpu.dot_dimension_numbers<[1], [0], [0], [1], [0, 0, 1, 1], [], []>, transpose_lhs_hint = false} : vector<400x128xf32>, vector<128x128xf32>, vector<400x128xf32> -> vector<400x128xf32>
    %max3A_254 = arith.maximumf %max3A_239, %dot_general3A_253 : vector<400x128xf32>
    %get3A_255 = arith.constant 17 : index
    %get3A_256 = arith.constant 0 : index
    %get3A_257 = arith.constant 0 : index
    %get3A_258 = vector.load %arg1[%get3A_255, %get3A_256, %get3A_257] : memref<32x400x128xf32, #tpu.memory_space<vmem>>, vector<1x400x128xf32>
    %get3A_259 = vector.shape_cast %get3A_258 : vector<1x400x128xf32> to vector<400x128xf32>
    %sub3A_260 = arith.subf %get3A_259, %get3A_1 : vector<400x128xf32>
    %max3A_261 = arith.constant 0.000000e+00 : f32
    %max3A_262 = vector.broadcast %max3A_261 : f32 to vector<400x128xf32>
    %max3A_263 = arith.maximumf %sub3A_260, %max3A_262 : vector<400x128xf32>
    %get3A_264 = arith.constant 0 : index
    %get3A_265 = arith.constant 0 : index
    %get3A_266 = vector.load %arg3[%get3A_264, %get3A_265] : memref<128x128xf32, #tpu.memory_space<vmem>>, vector<128x128xf32>
    %dot_general3A_267 = arith.constant dense<0.000000e+00> : vector<400x128xf32>
    %dot_general3A_268 = tpu.matmul %max3A_263, %get3A_266, %dot_general3A_267 {dimension_numbers = #tpu.dot_dimension_numbers<[1], [0], [0], [1], [0, 0, 1, 1], [], []>, transpose_lhs_hint = false} : vector<400x128xf32>, vector<128x128xf32>, vector<400x128xf32> -> vector<400x128xf32>
    %max3A_269 = arith.maximumf %max3A_254, %dot_general3A_268 : vector<400x128xf32>
    %get3A_270 = arith.constant 18 : index
    %get3A_271 = arith.constant 0 : index
    %get3A_272 = arith.constant 0 : index
    %get3A_273 = vector.load %arg1[%get3A_270, %get3A_271, %get3A_272] : memref<32x400x128xf32, #tpu.memory_space<vmem>>, vector<1x400x128xf32>
    %get3A_274 = vector.shape_cast %get3A_273 : vector<1x400x128xf32> to vector<400x128xf32>
    %sub3A_275 = arith.subf %get3A_274, %get3A_1 : vector<400x128xf32>
    %max3A_276 = arith.constant 0.000000e+00 : f32
    %max3A_277 = vector.broadcast %max3A_276 : f32 to vector<400x128xf32>
    %max3A_278 = arith.maximumf %sub3A_275, %max3A_277 : vector<400x128xf32>
    %get3A_279 = arith.constant 0 : index
    %get3A_280 = arith.constant 0 : index
    %get3A_281 = vector.load %arg3[%get3A_279, %get3A_280] : memref<128x128xf32, #tpu.memory_space<vmem>>, vector<128x128xf32>
    %dot_general3A_282 = arith.constant dense<0.000000e+00> : vector<400x128xf32>
    %dot_general3A_283 = tpu.matmul %max3A_278, %get3A_281, %dot_general3A_282 {dimension_numbers = #tpu.dot_dimension_numbers<[1], [0], [0], [1], [0, 0, 1, 1], [], []>, transpose_lhs_hint = false} : vector<400x128xf32>, vector<128x128xf32>, vector<400x128xf32> -> vector<400x128xf32>
    %max3A_284 = arith.maximumf %max3A_269, %dot_general3A_283 : vector<400x128xf32>
    %get3A_285 = arith.constant 19 : index
    %get3A_286 = arith.constant 0 : index
    %get3A_287 = arith.constant 0 : index
    %get3A_288 = vector.load %arg1[%get3A_285, %get3A_286, %get3A_287] : memref<32x400x128xf32, #tpu.memory_space<vmem>>, vector<1x400x128xf32>
    %get3A_289 = vector.shape_cast %get3A_288 : vector<1x400x128xf32> to vector<400x128xf32>
    %sub3A_290 = arith.subf %get3A_289, %get3A_1 : vector<400x128xf32>
    %max3A_291 = arith.constant 0.000000e+00 : f32
    %max3A_292 = vector.broadcast %max3A_291 : f32 to vector<400x128xf32>
    %max3A_293 = arith.maximumf %sub3A_290, %max3A_292 : vector<400x128xf32>
    %get3A_294 = arith.constant 0 : index
    %get3A_295 = arith.constant 0 : index
    %get3A_296 = vector.load %arg3[%get3A_294, %get3A_295] : memref<128x128xf32, #tpu.memory_space<vmem>>, vector<128x128xf32>
    %dot_general3A_297 = arith.constant dense<0.000000e+00> : vector<400x128xf32>
    %dot_general3A_298 = tpu.matmul %max3A_293, %get3A_296, %dot_general3A_297 {dimension_numbers = #tpu.dot_dimension_numbers<[1], [0], [0], [1], [0, 0, 1, 1], [], []>, transpose_lhs_hint = false} : vector<400x128xf32>, vector<128x128xf32>, vector<400x128xf32> -> vector<400x128xf32>
    %max3A_299 = arith.maximumf %max3A_284, %dot_general3A_298 : vector<400x128xf32>
    %get3A_300 = arith.constant 20 : index
    %get3A_301 = arith.constant 0 : index
    %get3A_302 = arith.constant 0 : index
    %get3A_303 = vector.load %arg1[%get3A_300, %get3A_301, %get3A_302] : memref<32x400x128xf32, #tpu.memory_space<vmem>>, vector<1x400x128xf32>
    %get3A_304 = vector.shape_cast %get3A_303 : vector<1x400x128xf32> to vector<400x128xf32>
    %sub3A_305 = arith.subf %get3A_304, %get3A_1 : vector<400x128xf32>
    %max3A_306 = arith.constant 0.000000e+00 : f32
    %max3A_307 = vector.broadcast %max3A_306 : f32 to vector<400x128xf32>
    %max3A_308 = arith.maximumf %sub3A_305, %max3A_307 : vector<400x128xf32>
    %get3A_309 = arith.constant 0 : index
    %get3A_310 = arith.constant 0 : index
    %get3A_311 = vector.load %arg3[%get3A_309, %get3A_310] : memref<128x128xf32, #tpu.memory_space<vmem>>, vector<128x128xf32>
    %dot_general3A_312 = arith.constant dense<0.000000e+00> : vector<400x128xf32>
    %dot_general3A_313 = tpu.matmul %max3A_308, %get3A_311, %dot_general3A_312 {dimension_numbers = #tpu.dot_dimension_numbers<[1], [0], [0], [1], [0, 0, 1, 1], [], []>, transpose_lhs_hint = false} : vector<400x128xf32>, vector<128x128xf32>, vector<400x128xf32> -> vector<400x128xf32>
    %max3A_314 = arith.maximumf %max3A_299, %dot_general3A_313 : vector<400x128xf32>
    %get3A_315 = arith.constant 21 : index
    %get3A_316 = arith.constant 0 : index
    %get3A_317 = arith.constant 0 : index
    %get3A_318 = vector.load %arg1[%get3A_315, %get3A_316, %get3A_317] : memref<32x400x128xf32, #tpu.memory_space<vmem>>, vector<1x400x128xf32>
    %get3A_319 = vector.shape_cast %get3A_318 : vector<1x400x128xf32> to vector<400x128xf32>
    %sub3A_320 = arith.subf %get3A_319, %get3A_1 : vector<400x128xf32>
    %max3A_321 = arith.constant 0.000000e+00 : f32
    %max3A_322 = vector.broadcast %max3A_321 : f32 to vector<400x128xf32>
    %max3A_323 = arith.maximumf %sub3A_320, %max3A_322 : vector<400x128xf32>
    %get3A_324 = arith.constant 0 : index
    %get3A_325 = arith.constant 0 : index
    %get3A_326 = vector.load %arg3[%get3A_324, %get3A_325] : memref<128x128xf32, #tpu.memory_space<vmem>>, vector<128x128xf32>
    %dot_general3A_327 = arith.constant dense<0.000000e+00> : vector<400x128xf32>
    %dot_general3A_328 = tpu.matmul %max3A_323, %get3A_326, %dot_general3A_327 {dimension_numbers = #tpu.dot_dimension_numbers<[1], [0], [0], [1], [0, 0, 1, 1], [], []>, transpose_lhs_hint = false} : vector<400x128xf32>, vector<128x128xf32>, vector<400x128xf32> -> vector<400x128xf32>
    %max3A_329 = arith.maximumf %max3A_314, %dot_general3A_328 : vector<400x128xf32>
    %get3A_330 = arith.constant 22 : index
    %get3A_331 = arith.constant 0 : index
    %get3A_332 = arith.constant 0 : index
    %get3A_333 = vector.load %arg1[%get3A_330, %get3A_331, %get3A_332] : memref<32x400x128xf32, #tpu.memory_space<vmem>>, vector<1x400x128xf32>
    %get3A_334 = vector.shape_cast %get3A_333 : vector<1x400x128xf32> to vector<400x128xf32>
    %sub3A_335 = arith.subf %get3A_334, %get3A_1 : vector<400x128xf32>
    %max3A_336 = arith.constant 0.000000e+00 : f32
    %max3A_337 = vector.broadcast %max3A_336 : f32 to vector<400x128xf32>
    %max3A_338 = arith.maximumf %sub3A_335, %max3A_337 : vector<400x128xf32>
    %get3A_339 = arith.constant 0 : index
    %get3A_340 = arith.constant 0 : index
    %get3A_341 = vector.load %arg3[%get3A_339, %get3A_340] : memref<128x128xf32, #tpu.memory_space<vmem>>, vector<128x128xf32>
    %dot_general3A_342 = arith.constant dense<0.000000e+00> : vector<400x128xf32>
    %dot_general3A_343 = tpu.matmul %max3A_338, %get3A_341, %dot_general3A_342 {dimension_numbers = #tpu.dot_dimension_numbers<[1], [0], [0], [1], [0, 0, 1, 1], [], []>, transpose_lhs_hint = false} : vector<400x128xf32>, vector<128x128xf32>, vector<400x128xf32> -> vector<400x128xf32>
    %max3A_344 = arith.maximumf %max3A_329, %dot_general3A_343 : vector<400x128xf32>
    %get3A_345 = arith.constant 23 : index
    %get3A_346 = arith.constant 0 : index
    %get3A_347 = arith.constant 0 : index
    %get3A_348 = vector.load %arg1[%get3A_345, %get3A_346, %get3A_347] : memref<32x400x128xf32, #tpu.memory_space<vmem>>, vector<1x400x128xf32>
    %get3A_349 = vector.shape_cast %get3A_348 : vector<1x400x128xf32> to vector<400x128xf32>
    %sub3A_350 = arith.subf %get3A_349, %get3A_1 : vector<400x128xf32>
    %max3A_351 = arith.constant 0.000000e+00 : f32
    %max3A_352 = vector.broadcast %max3A_351 : f32 to vector<400x128xf32>
    %max3A_353 = arith.maximumf %sub3A_350, %max3A_352 : vector<400x128xf32>
    %get3A_354 = arith.constant 0 : index
    %get3A_355 = arith.constant 0 : index
    %get3A_356 = vector.load %arg3[%get3A_354, %get3A_355] : memref<128x128xf32, #tpu.memory_space<vmem>>, vector<128x128xf32>
    %dot_general3A_357 = arith.constant dense<0.000000e+00> : vector<400x128xf32>
    %dot_general3A_358 = tpu.matmul %max3A_353, %get3A_356, %dot_general3A_357 {dimension_numbers = #tpu.dot_dimension_numbers<[1], [0], [0], [1], [0, 0, 1, 1], [], []>, transpose_lhs_hint = false} : vector<400x128xf32>, vector<128x128xf32>, vector<400x128xf32> -> vector<400x128xf32>
    %max3A_359 = arith.maximumf %max3A_344, %dot_general3A_358 : vector<400x128xf32>
    %get3A_360 = arith.constant 24 : index
    %get3A_361 = arith.constant 0 : index
    %get3A_362 = arith.constant 0 : index
    %get3A_363 = vector.load %arg1[%get3A_360, %get3A_361, %get3A_362] : memref<32x400x128xf32, #tpu.memory_space<vmem>>, vector<1x400x128xf32>
    %get3A_364 = vector.shape_cast %get3A_363 : vector<1x400x128xf32> to vector<400x128xf32>
    %sub3A_365 = arith.subf %get3A_364, %get3A_1 : vector<400x128xf32>
    %max3A_366 = arith.constant 0.000000e+00 : f32
    %max3A_367 = vector.broadcast %max3A_366 : f32 to vector<400x128xf32>
    %max3A_368 = arith.maximumf %sub3A_365, %max3A_367 : vector<400x128xf32>
    %get3A_369 = arith.constant 0 : index
    %get3A_370 = arith.constant 0 : index
    %get3A_371 = vector.load %arg3[%get3A_369, %get3A_370] : memref<128x128xf32, #tpu.memory_space<vmem>>, vector<128x128xf32>
    %dot_general3A_372 = arith.constant dense<0.000000e+00> : vector<400x128xf32>
    %dot_general3A_373 = tpu.matmul %max3A_368, %get3A_371, %dot_general3A_372 {dimension_numbers = #tpu.dot_dimension_numbers<[1], [0], [0], [1], [0, 0, 1, 1], [], []>, transpose_lhs_hint = false} : vector<400x128xf32>, vector<128x128xf32>, vector<400x128xf32> -> vector<400x128xf32>
    %max3A_374 = arith.maximumf %max3A_359, %dot_general3A_373 : vector<400x128xf32>
    %get3A_375 = arith.constant 25 : index
    %get3A_376 = arith.constant 0 : index
    %get3A_377 = arith.constant 0 : index
    %get3A_378 = vector.load %arg1[%get3A_375, %get3A_376, %get3A_377] : memref<32x400x128xf32, #tpu.memory_space<vmem>>, vector<1x400x128xf32>
    %get3A_379 = vector.shape_cast %get3A_378 : vector<1x400x128xf32> to vector<400x128xf32>
    %sub3A_380 = arith.subf %get3A_379, %get3A_1 : vector<400x128xf32>
    %max3A_381 = arith.constant 0.000000e+00 : f32
    %max3A_382 = vector.broadcast %max3A_381 : f32 to vector<400x128xf32>
    %max3A_383 = arith.maximumf %sub3A_380, %max3A_382 : vector<400x128xf32>
    %get3A_384 = arith.constant 0 : index
    %get3A_385 = arith.constant 0 : index
    %get3A_386 = vector.load %arg3[%get3A_384, %get3A_385] : memref<128x128xf32, #tpu.memory_space<vmem>>, vector<128x128xf32>
    %dot_general3A_387 = arith.constant dense<0.000000e+00> : vector<400x128xf32>
    %dot_general3A_388 = tpu.matmul %max3A_383, %get3A_386, %dot_general3A_387 {dimension_numbers = #tpu.dot_dimension_numbers<[1], [0], [0], [1], [0, 0, 1, 1], [], []>, transpose_lhs_hint = false} : vector<400x128xf32>, vector<128x128xf32>, vector<400x128xf32> -> vector<400x128xf32>
    %max3A_389 = arith.maximumf %max3A_374, %dot_general3A_388 : vector<400x128xf32>
    %get3A_390 = arith.constant 26 : index
    %get3A_391 = arith.constant 0 : index
    %get3A_392 = arith.constant 0 : index
    %get3A_393 = vector.load %arg1[%get3A_390, %get3A_391, %get3A_392] : memref<32x400x128xf32, #tpu.memory_space<vmem>>, vector<1x400x128xf32>
    %get3A_394 = vector.shape_cast %get3A_393 : vector<1x400x128xf32> to vector<400x128xf32>
    %sub3A_395 = arith.subf %get3A_394, %get3A_1 : vector<400x128xf32>
    %max3A_396 = arith.constant 0.000000e+00 : f32
    %max3A_397 = vector.broadcast %max3A_396 : f32 to vector<400x128xf32>
    %max3A_398 = arith.maximumf %sub3A_395, %max3A_397 : vector<400x128xf32>
    %get3A_399 = arith.constant 0 : index
    %get3A_400 = arith.constant 0 : index
    %get3A_401 = vector.load %arg3[%get3A_399, %get3A_400] : memref<128x128xf32, #tpu.memory_space<vmem>>, vector<128x128xf32>
    %dot_general3A_402 = arith.constant dense<0.000000e+00> : vector<400x128xf32>
    %dot_general3A_403 = tpu.matmul %max3A_398, %get3A_401, %dot_general3A_402 {dimension_numbers = #tpu.dot_dimension_numbers<[1], [0], [0], [1], [0, 0, 1, 1], [], []>, transpose_lhs_hint = false} : vector<400x128xf32>, vector<128x128xf32>, vector<400x128xf32> -> vector<400x128xf32>
    %max3A_404 = arith.maximumf %max3A_389, %dot_general3A_403 : vector<400x128xf32>
    %get3A_405 = arith.constant 27 : index
    %get3A_406 = arith.constant 0 : index
    %get3A_407 = arith.constant 0 : index
    %get3A_408 = vector.load %arg1[%get3A_405, %get3A_406, %get3A_407] : memref<32x400x128xf32, #tpu.memory_space<vmem>>, vector<1x400x128xf32>
    %get3A_409 = vector.shape_cast %get3A_408 : vector<1x400x128xf32> to vector<400x128xf32>
    %sub3A_410 = arith.subf %get3A_409, %get3A_1 : vector<400x128xf32>
    %max3A_411 = arith.constant 0.000000e+00 : f32
    %max3A_412 = vector.broadcast %max3A_411 : f32 to vector<400x128xf32>
    %max3A_413 = arith.maximumf %sub3A_410, %max3A_412 : vector<400x128xf32>
    %get3A_414 = arith.constant 0 : index
    %get3A_415 = arith.constant 0 : index
    %get3A_416 = vector.load %arg3[%get3A_414, %get3A_415] : memref<128x128xf32, #tpu.memory_space<vmem>>, vector<128x128xf32>
    %dot_general3A_417 = arith.constant dense<0.000000e+00> : vector<400x128xf32>
    %dot_general3A_418 = tpu.matmul %max3A_413, %get3A_416, %dot_general3A_417 {dimension_numbers = #tpu.dot_dimension_numbers<[1], [0], [0], [1], [0, 0, 1, 1], [], []>, transpose_lhs_hint = false} : vector<400x128xf32>, vector<128x128xf32>, vector<400x128xf32> -> vector<400x128xf32>
    %max3A_419 = arith.maximumf %max3A_404, %dot_general3A_418 : vector<400x128xf32>
    %get3A_420 = arith.constant 28 : index
    %get3A_421 = arith.constant 0 : index
    %get3A_422 = arith.constant 0 : index
    %get3A_423 = vector.load %arg1[%get3A_420, %get3A_421, %get3A_422] : memref<32x400x128xf32, #tpu.memory_space<vmem>>, vector<1x400x128xf32>
    %get3A_424 = vector.shape_cast %get3A_423 : vector<1x400x128xf32> to vector<400x128xf32>
    %sub3A_425 = arith.subf %get3A_424, %get3A_1 : vector<400x128xf32>
    %max3A_426 = arith.constant 0.000000e+00 : f32
    %max3A_427 = vector.broadcast %max3A_426 : f32 to vector<400x128xf32>
    %max3A_428 = arith.maximumf %sub3A_425, %max3A_427 : vector<400x128xf32>
    %get3A_429 = arith.constant 0 : index
    %get3A_430 = arith.constant 0 : index
    %get3A_431 = vector.load %arg3[%get3A_429, %get3A_430] : memref<128x128xf32, #tpu.memory_space<vmem>>, vector<128x128xf32>
    %dot_general3A_432 = arith.constant dense<0.000000e+00> : vector<400x128xf32>
    %dot_general3A_433 = tpu.matmul %max3A_428, %get3A_431, %dot_general3A_432 {dimension_numbers = #tpu.dot_dimension_numbers<[1], [0], [0], [1], [0, 0, 1, 1], [], []>, transpose_lhs_hint = false} : vector<400x128xf32>, vector<128x128xf32>, vector<400x128xf32> -> vector<400x128xf32>
    %max3A_434 = arith.maximumf %max3A_419, %dot_general3A_433 : vector<400x128xf32>
    %get3A_435 = arith.constant 29 : index
    %get3A_436 = arith.constant 0 : index
    %get3A_437 = arith.constant 0 : index
    %get3A_438 = vector.load %arg1[%get3A_435, %get3A_436, %get3A_437] : memref<32x400x128xf32, #tpu.memory_space<vmem>>, vector<1x400x128xf32>
    %get3A_439 = vector.shape_cast %get3A_438 : vector<1x400x128xf32> to vector<400x128xf32>
    %sub3A_440 = arith.subf %get3A_439, %get3A_1 : vector<400x128xf32>
    %max3A_441 = arith.constant 0.000000e+00 : f32
    %max3A_442 = vector.broadcast %max3A_441 : f32 to vector<400x128xf32>
    %max3A_443 = arith.maximumf %sub3A_440, %max3A_442 : vector<400x128xf32>
    %get3A_444 = arith.constant 0 : index
    %get3A_445 = arith.constant 0 : index
    %get3A_446 = vector.load %arg3[%get3A_444, %get3A_445] : memref<128x128xf32, #tpu.memory_space<vmem>>, vector<128x128xf32>
    %dot_general3A_447 = arith.constant dense<0.000000e+00> : vector<400x128xf32>
    %dot_general3A_448 = tpu.matmul %max3A_443, %get3A_446, %dot_general3A_447 {dimension_numbers = #tpu.dot_dimension_numbers<[1], [0], [0], [1], [0, 0, 1, 1], [], []>, transpose_lhs_hint = false} : vector<400x128xf32>, vector<128x128xf32>, vector<400x128xf32> -> vector<400x128xf32>
    %max3A_449 = arith.maximumf %max3A_434, %dot_general3A_448 : vector<400x128xf32>
    %get3A_450 = arith.constant 30 : index
    %get3A_451 = arith.constant 0 : index
    %get3A_452 = arith.constant 0 : index
    %get3A_453 = vector.load %arg1[%get3A_450, %get3A_451, %get3A_452] : memref<32x400x128xf32, #tpu.memory_space<vmem>>, vector<1x400x128xf32>
    %get3A_454 = vector.shape_cast %get3A_453 : vector<1x400x128xf32> to vector<400x128xf32>
    %sub3A_455 = arith.subf %get3A_454, %get3A_1 : vector<400x128xf32>
    %max3A_456 = arith.constant 0.000000e+00 : f32
    %max3A_457 = vector.broadcast %max3A_456 : f32 to vector<400x128xf32>
    %max3A_458 = arith.maximumf %sub3A_455, %max3A_457 : vector<400x128xf32>
    %get3A_459 = arith.constant 0 : index
    %get3A_460 = arith.constant 0 : index
    %get3A_461 = vector.load %arg3[%get3A_459, %get3A_460] : memref<128x128xf32, #tpu.memory_space<vmem>>, vector<128x128xf32>
    %dot_general3A_462 = arith.constant dense<0.000000e+00> : vector<400x128xf32>
    %dot_general3A_463 = tpu.matmul %max3A_458, %get3A_461, %dot_general3A_462 {dimension_numbers = #tpu.dot_dimension_numbers<[1], [0], [0], [1], [0, 0, 1, 1], [], []>, transpose_lhs_hint = false} : vector<400x128xf32>, vector<128x128xf32>, vector<400x128xf32> -> vector<400x128xf32>
    %max3A_464 = arith.maximumf %max3A_449, %dot_general3A_463 : vector<400x128xf32>
    %get3A_465 = arith.constant 31 : index
    %get3A_466 = arith.constant 0 : index
    %get3A_467 = arith.constant 0 : index
    %get3A_468 = vector.load %arg1[%get3A_465, %get3A_466, %get3A_467] : memref<32x400x128xf32, #tpu.memory_space<vmem>>, vector<1x400x128xf32>
    %get3A_469 = vector.shape_cast %get3A_468 : vector<1x400x128xf32> to vector<400x128xf32>
    %sub3A_470 = arith.subf %get3A_469, %get3A_1 : vector<400x128xf32>
    %max3A_471 = arith.constant 0.000000e+00 : f32
    %max3A_472 = vector.broadcast %max3A_471 : f32 to vector<400x128xf32>
    %max3A_473 = arith.maximumf %sub3A_470, %max3A_472 : vector<400x128xf32>
    %get3A_474 = arith.constant 0 : index
    %get3A_475 = arith.constant 0 : index
    %get3A_476 = vector.load %arg3[%get3A_474, %get3A_475] : memref<128x128xf32, #tpu.memory_space<vmem>>, vector<128x128xf32>
    %dot_general3A_477 = arith.constant dense<0.000000e+00> : vector<400x128xf32>
    %dot_general3A_478 = tpu.matmul %max3A_473, %get3A_476, %dot_general3A_477 {dimension_numbers = #tpu.dot_dimension_numbers<[1], [0], [0], [1], [0, 0, 1, 1], [], []>, transpose_lhs_hint = false} : vector<400x128xf32>, vector<128x128xf32>, vector<400x128xf32> -> vector<400x128xf32>
    %max3A_479 = arith.maximumf %max3A_464, %dot_general3A_478 : vector<400x128xf32>
    %get3A_480 = arith.constant 0 : index
    %get3A_481 = arith.constant 0 : index
    %get3A_482 = vector.load %arg4[%get3A_480, %get3A_481] : memref<1x128xf32, #tpu.memory_space<vmem>>, vector<1x128xf32>
    %add3A = vector.broadcast %get3A_482 : vector<1x128xf32> to vector<400x128xf32>
    %add3A_483 = arith.addf %max3A_479, %add3A : vector<400x128xf32>
    %swap3A = arith.constant 0 : index
    %swap3A_484 = arith.constant 0 : index
    %swap3A_485 = vector.load %arg5[%swap3A, %swap3A_484] : memref<400x128xf32, #tpu.memory_space<vmem>>, vector<400x128xf32>
    tpu.vector_store %arg5[%swap3A, %swap3A_484], %add3A_483 {strides = array<i32>} : memref<400x128xf32, #tpu.memory_space<vmem>>, vector<400x128xf32>,
    return
  }
  func.func @transform_0(%arg0: i32) -> (i32, i32, i32) {
    %c0_i32 = arith.constant 0 : i32
    %c0_i32_0 = arith.constant 0 : i32
    %c0_i32_1 = arith.constant 0 : i32
    return %c0_i32, %arg0, %c0_i32_0 : i32, i32, i32
  }
  func.func @transform_1(%arg0: i32) -> (i32, i32) {
    %c0_i32 = arith.constant 0 : i32
    %c0_i32_0 = arith.constant 0 : i32
    return %arg0, %c0_i32 : i32, i32
  }
  func.func @transform_2(%arg0: i32) -> (i32, i32) {
    %c0_i32 = arith.constant 0 : i32
    %c0_i32_0 = arith.constant 0 : i32
    %c0_i32_1 = arith.constant 0 : i32
    return %c0_i32, %c0_i32_0 : i32, i32
  }
  func.func @transform_3(%arg0: i32) -> (i32, i32) {
    %c0_i32 = arith.constant 0 : i32
    %c0_i32_0 = arith.constant 0 : i32
    %c0_i32_1 = arith.constant 0 : i32
    return %c0_i32, %c0_i32_0 : i32, i32
  }
  func.func @transform_4(%arg0: i32) -> (i32, i32) {
    %c0_i32 = arith.constant 0 : i32
    %c0_i32_0 = arith.constant 0 : i32
    return %arg0, %c0_i32 : i32, i32
  }
}

module attributes {stable_mosaic.version = 14 : i64} {
  func.func @_reduce_body(%arg0: i32, %arg1: memref<32x400x128xf32, #tpu.memory_space<vmem>>, %arg2: memref<400x128xf32, #tpu.memory_space<vmem>>, %arg3: memref<128x128xf32, #tpu.memory_space<vmem>>, %arg4: memref<1x128xf32, #tpu.memory_space<vmem>>, %arg5: memref<400x128xf32, #tpu.memory_space<vmem>>) attributes {dimension_semantics = [#tpu.dimension_semantics<arbitrary>], iteration_bounds = array<i64: 13>, scalar_prefetch = 0 : i64, scratch_operands = 0 : i64, tpu.core_type = #tpu.core_type<tc>, window_params = [{transform_indices = @transform_0, window_bounds = array<i64: 32, 400, 128>}, {transform_indices = @transform_1, window_bounds = array<i64: 400, 128>}, {pipeline_mode = #tpu.pipeline_mode<synchronous>, transform_indices = @transform_2, window_bounds = array<i64: 128, 128>}, {pipeline_mode = #tpu.pipeline_mode<synchronous>, transform_indices = @transform_3, window_bounds = array<i64: 1, 128>}, {transform_indices = @transform_4, window_bounds = array<i64: 400, 128>}]} {
    %get3A = arith.constant 0 : index
    %get3A_0 = arith.constant 0 : index
    %get3A_1 = vector.load %arg2[%get3A, %get3A_0] : memref<400x128xf32, #tpu.memory_space<vmem>>, vector<400x128xf32>
    %broadcast_in_dim3A = arith.constant -1.000000e+30 : f32
    %broadcast_in_dim3A_2 = vector.broadcast %broadcast_in_dim3A : f32 to vector<400x128xf32>
    %get3A_3 = arith.constant 0 : index
    %get3A_4 = arith.constant 0 : index
    %get3A_5 = arith.constant 0 : index
    %get3A_6 = vector.load %arg1[%get3A_3, %get3A_4, %get3A_5] : memref<32x400x128xf32, #tpu.memory_space<vmem>>, vector<1x400x128xf32>
    %get3A_7 = vector.shape_cast %get3A_6 : vector<1x400x128xf32> to vector<400x128xf32>
    %sub3A = arith.subf %get3A_7, %get3A_1 : vector<400x128xf32>
    %max3A = arith.constant 0.000000e+00 : f32
    %max3A_8 = vector.broadcast %max3A : f32 to vector<400x128xf32>
    %max3A_9 = arith.maximumf %sub3A, %max3A_8 : vector<400x128xf32>
    %get3A_10 = arith.constant 0 : index
    %get3A_11 = arith.constant 0 : index
    %get3A_12 = vector.load %arg3[%get3A_10, %get3A_11] : memref<128x128xf32, #tpu.memory_space<vmem>>, vector<128x128xf32>
    %dot_general3A = arith.constant dense<0.000000e+00> : vector<400x128xf32>
    %dot_general3A_13 = tpu.matmul %max3A_9, %get3A_12, %dot_general3A {dimension_numbers = #tpu.dot_dimension_numbers<[1], [0], [0], [1], [0, 0, 1, 1], [], []>, transpose_lhs_hint = false} : vector<400x128xf32>, vector<128x128xf32>, vector<400x128xf32> -> vector<400x128xf32>
    %max3A_14 = arith.maximumf %broadcast_in_dim3A_2, %dot_general3A_13 : vector<400x128xf32>
    %get3A_15 = arith.constant 1 : index
    %get3A_16 = arith.constant 0 : index
    %get3A_17 = arith.constant 0 : index
    %get3A_18 = vector.load %arg1[%get3A_15, %get3A_16, %get3A_17] : memref<32x400x128xf32, #tpu.memory_space<vmem>>, vector<1x400x128xf32>
    %get3A_19 = vector.shape_cast %get3A_18 : vector<1x400x128xf32> to vector<400x128xf32>
    %sub3A_20 = arith.subf %get3A_19, %get3A_1 : vector<400x128xf32>
    %max3A_21 = arith.constant 0.000000e+00 : f32
    %max3A_22 = vector.broadcast %max3A_21 : f32 to vector<400x128xf32>
    %max3A_23 = arith.maximumf %sub3A_20, %max3A_22 : vector<400x128xf32>
    %get3A_24 = arith.constant 0 : index
    %get3A_25 = arith.constant 0 : index
    %get3A_26 = vector.load %arg3[%get3A_24, %get3A_25] : memref<128x128xf32, #tpu.memory_space<vmem>>, vector<128x128xf32>
    %dot_general3A_27 = arith.constant dense<0.000000e+00> : vector<400x128xf32>
    %dot_general3A_28 = tpu.matmul %max3A_23, %get3A_26, %dot_general3A_27 {dimension_numbers = #tpu.dot_dimension_numbers<[1], [0], [0], [1], [0, 0, 1, 1], [], []>, transpose_lhs_hint = false} : vector<400x128xf32>, vector<128x128xf32>, vector<400x128xf32> -> vector<400x128xf32>
    %max3A_29 = arith.maximumf %max3A_14, %dot_general3A_28 : vector<400x128xf32>
    %get3A_30 = arith.constant 2 : index
    %get3A_31 = arith.constant 0 : index
    %get3A_32 = arith.constant 0 : index
    %get3A_33 = vector.load %arg1[%get3A_30, %get3A_31, %get3A_32] : memref<32x400x128xf32, #tpu.memory_space<vmem>>, vector<1x400x128xf32>
    %get3A_34 = vector.shape_cast %get3A_33 : vector<1x400x128xf32> to vector<400x128xf32>
    %sub3A_35 = arith.subf %get3A_34, %get3A_1 : vector<400x128xf32>
    %max3A_36 = arith.constant 0.000000e+00 : f32
    %max3A_37 = vector.broadcast %max3A_36 : f32 to vector<400x128xf32>
    %max3A_38 = arith.maximumf %sub3A_35, %max3A_37 : vector<400x128xf32>
    %get3A_39 = arith.constant 0 : index
    %get3A_40 = arith.constant 0 : index
    %get3A_41 = vector.load %arg3[%get3A_39, %get3A_40] : memref<128x128xf32, #tpu.memory_space<vmem>>, vector<128x128xf32>
    %dot_general3A_42 = arith.constant dense<0.000000e+00> : vector<400x128xf32>
    %dot_general3A_43 = tpu.matmul %max3A_38, %get3A_41, %dot_general3A_42 {dimension_numbers = #tpu.dot_dimension_numbers<[1], [0], [0], [1], [0, 0, 1, 1], [], []>, transpose_lhs_hint = false} : vector<400x128xf32>, vector<128x128xf32>, vector<400x128xf32> -> vector<400x128xf32>
    %max3A_44 = arith.maximumf %max3A_29, %dot_general3A_43 : vector<400x128xf32>
    %get3A_45 = arith.constant 3 : index
    %get3A_46 = arith.constant 0 : index
    %get3A_47 = arith.constant 0 : index
    %get3A_48 = vector.load %arg1[%get3A_45, %get3A_46, %get3A_47] : memref<32x400x128xf32, #tpu.memory_space<vmem>>, vector<1x400x128xf32>
    %get3A_49 = vector.shape_cast %get3A_48 : vector<1x400x128xf32> to vector<400x128xf32>
    %sub3A_50 = arith.subf %get3A_49, %get3A_1 : vector<400x128xf32>
    %max3A_51 = arith.constant 0.000000e+00 : f32
    %max3A_52 = vector.broadcast %max3A_51 : f32 to vector<400x128xf32>
    %max3A_53 = arith.maximumf %sub3A_50, %max3A_52 : vector<400x128xf32>
    %get3A_54 = arith.constant 0 : index
    %get3A_55 = arith.constant 0 : index
    %get3A_56 = vector.load %arg3[%get3A_54, %get3A_55] : memref<128x128xf32, #tpu.memory_space<vmem>>, vector<128x128xf32>
    %dot_general3A_57 = arith.constant dense<0.000000e+00> : vector<400x128xf32>
    %dot_general3A_58 = tpu.matmul %max3A_53, %get3A_56, %dot_general3A_57 {dimension_numbers = #tpu.dot_dimension_numbers<[1], [0], [0], [1], [0, 0, 1, 1], [], []>, transpose_lhs_hint = false} : vector<400x128xf32>, vector<128x128xf32>, vector<400x128xf32> -> vector<400x128xf32>
    %max3A_59 = arith.maximumf %max3A_44, %dot_general3A_58 : vector<400x128xf32>
    %get3A_60 = arith.constant 4 : index
    %get3A_61 = arith.constant 0 : index
    %get3A_62 = arith.constant 0 : index
    %get3A_63 = vector.load %arg1[%get3A_60, %get3A_61, %get3A_62] : memref<32x400x128xf32, #tpu.memory_space<vmem>>, vector<1x400x128xf32>
    %get3A_64 = vector.shape_cast %get3A_63 : vector<1x400x128xf32> to vector<400x128xf32>
    %sub3A_65 = arith.subf %get3A_64, %get3A_1 : vector<400x128xf32>
    %max3A_66 = arith.constant 0.000000e+00 : f32
    %max3A_67 = vector.broadcast %max3A_66 : f32 to vector<400x128xf32>
    %max3A_68 = arith.maximumf %sub3A_65, %max3A_67 : vector<400x128xf32>
    %get3A_69 = arith.constant 0 : index
    %get3A_70 = arith.constant 0 : index
    %get3A_71 = vector.load %arg3[%get3A_69, %get3A_70] : memref<128x128xf32, #tpu.memory_space<vmem>>, vector<128x128xf32>
    %dot_general3A_72 = arith.constant dense<0.000000e+00> : vector<400x128xf32>
    %dot_general3A_73 = tpu.matmul %max3A_68, %get3A_71, %dot_general3A_72 {dimension_numbers = #tpu.dot_dimension_numbers<[1], [0], [0], [1], [0, 0, 1, 1], [], []>, transpose_lhs_hint = false} : vector<400x128xf32>, vector<128x128xf32>, vector<400x128xf32> -> vector<400x128xf32>
    %max3A_74 = arith.maximumf %max3A_59, %dot_general3A_73 : vector<400x128xf32>
    %get3A_75 = arith.constant 5 : index
    %get3A_76 = arith.constant 0 : index
    %get3A_77 = arith.constant 0 : index
    %get3A_78 = vector.load %arg1[%get3A_75, %get3A_76, %get3A_77] : memref<32x400x128xf32, #tpu.memory_space<vmem>>, vector<1x400x128xf32>
    %get3A_79 = vector.shape_cast %get3A_78 : vector<1x400x128xf32> to vector<400x128xf32>
    %sub3A_80 = arith.subf %get3A_79, %get3A_1 : vector<400x128xf32>
    %max3A_81 = arith.constant 0.000000e+00 : f32
    %max3A_82 = vector.broadcast %max3A_81 : f32 to vector<400x128xf32>
    %max3A_83 = arith.maximumf %sub3A_80, %max3A_82 : vector<400x128xf32>
    %get3A_84 = arith.constant 0 : index
    %get3A_85 = arith.constant 0 : index
    %get3A_86 = vector.load %arg3[%get3A_84, %get3A_85] : memref<128x128xf32, #tpu.memory_space<vmem>>, vector<128x128xf32>
    %dot_general3A_87 = arith.constant dense<0.000000e+00> : vector<400x128xf32>
    %dot_general3A_88 = tpu.matmul %max3A_83, %get3A_86, %dot_general3A_87 {dimension_numbers = #tpu.dot_dimension_numbers<[1], [0], [0], [1], [0, 0, 1, 1], [], []>, transpose_lhs_hint = false} : vector<400x128xf32>, vector<128x128xf32>, vector<400x128xf32> -> vector<400x128xf32>
    %max3A_89 = arith.maximumf %max3A_74, %dot_general3A_88 : vector<400x128xf32>
    %get3A_90 = arith.constant 6 : index
    %get3A_91 = arith.constant 0 : index
    %get3A_92 = arith.constant 0 : index
    %get3A_93 = vector.load %arg1[%get3A_90, %get3A_91, %get3A_92] : memref<32x400x128xf32, #tpu.memory_space<vmem>>, vector<1x400x128xf32>
    %get3A_94 = vector.shape_cast %get3A_93 : vector<1x400x128xf32> to vector<400x128xf32>
    %sub3A_95 = arith.subf %get3A_94, %get3A_1 : vector<400x128xf32>
    %max3A_96 = arith.constant 0.000000e+00 : f32
    %max3A_97 = vector.broadcast %max3A_96 : f32 to vector<400x128xf32>
    %max3A_98 = arith.maximumf %sub3A_95, %max3A_97 : vector<400x128xf32>
    %get3A_99 = arith.constant 0 : index
    %get3A_100 = arith.constant 0 : index
    %get3A_101 = vector.load %arg3[%get3A_99, %get3A_100] : memref<128x128xf32, #tpu.memory_space<vmem>>, vector<128x128xf32>
    %dot_general3A_102 = arith.constant dense<0.000000e+00> : vector<400x128xf32>
    %dot_general3A_103 = tpu.matmul %max3A_98, %get3A_101, %dot_general3A_102 {dimension_numbers = #tpu.dot_dimension_numbers<[1], [0], [0], [1], [0, 0, 1, 1], [], []>, transpose_lhs_hint = false} : vector<400x128xf32>, vector<128x128xf32>, vector<400x128xf32> -> vector<400x128xf32>
    %max3A_104 = arith.maximumf %max3A_89, %dot_general3A_103 : vector<400x128xf32>
    %get3A_105 = arith.constant 7 : index
    %get3A_106 = arith.constant 0 : index
    %get3A_107 = arith.constant 0 : index
    %get3A_108 = vector.load %arg1[%get3A_105, %get3A_106, %get3A_107] : memref<32x400x128xf32, #tpu.memory_space<vmem>>, vector<1x400x128xf32>
    %get3A_109 = vector.shape_cast %get3A_108 : vector<1x400x128xf32> to vector<400x128xf32>
    %sub3A_110 = arith.subf %get3A_109, %get3A_1 : vector<400x128xf32>
    %max3A_111 = arith.constant 0.000000e+00 : f32
    %max3A_112 = vector.broadcast %max3A_111 : f32 to vector<400x128xf32>
    %max3A_113 = arith.maximumf %sub3A_110, %max3A_112 : vector<400x128xf32>
    %get3A_114 = arith.constant 0 : index
    %get3A_115 = arith.constant 0 : index
    %get3A_116 = vector.load %arg3[%get3A_114, %get3A_115] : memref<128x128xf32, #tpu.memory_space<vmem>>, vector<128x128xf32>
    %dot_general3A_117 = arith.constant dense<0.000000e+00> : vector<400x128xf32>
    %dot_general3A_118 = tpu.matmul %max3A_113, %get3A_116, %dot_general3A_117 {dimension_numbers = #tpu.dot_dimension_numbers<[1], [0], [0], [1], [0, 0, 1, 1], [], []>, transpose_lhs_hint = false} : vector<400x128xf32>, vector<128x128xf32>, vector<400x128xf32> -> vector<400x128xf32>
    %max3A_119 = arith.maximumf %max3A_104, %dot_general3A_118 : vector<400x128xf32>
    %get3A_120 = arith.constant 8 : index
    %get3A_121 = arith.constant 0 : index
    %get3A_122 = arith.constant 0 : index
    %get3A_123 = vector.load %arg1[%get3A_120, %get3A_121, %get3A_122] : memref<32x400x128xf32, #tpu.memory_space<vmem>>, vector<1x400x128xf32>
    %get3A_124 = vector.shape_cast %get3A_123 : vector<1x400x128xf32> to vector<400x128xf32>
    %sub3A_125 = arith.subf %get3A_124, %get3A_1 : vector<400x128xf32>
    %max3A_126 = arith.constant 0.000000e+00 : f32
    %max3A_127 = vector.broadcast %max3A_126 : f32 to vector<400x128xf32>
    %max3A_128 = arith.maximumf %sub3A_125, %max3A_127 : vector<400x128xf32>
    %get3A_129 = arith.constant 0 : index
    %get3A_130 = arith.constant 0 : index
    %get3A_131 = vector.load %arg3[%get3A_129, %get3A_130] : memref<128x128xf32, #tpu.memory_space<vmem>>, vector<128x128xf32>
    %dot_general3A_132 = arith.constant dense<0.000000e+00> : vector<400x128xf32>
    %dot_general3A_133 = tpu.matmul %max3A_128, %get3A_131, %dot_general3A_132 {dimension_numbers = #tpu.dot_dimension_numbers<[1], [0], [0], [1], [0, 0, 1, 1], [], []>, transpose_lhs_hint = false} : vector<400x128xf32>, vector<128x128xf32>, vector<400x128xf32> -> vector<400x128xf32>
    %max3A_134 = arith.maximumf %max3A_119, %dot_general3A_133 : vector<400x128xf32>
    %get3A_135 = arith.constant 9 : index
    %get3A_136 = arith.constant 0 : index
    %get3A_137 = arith.constant 0 : index
    %get3A_138 = vector.load %arg1[%get3A_135, %get3A_136, %get3A_137] : memref<32x400x128xf32, #tpu.memory_space<vmem>>, vector<1x400x128xf32>
    %get3A_139 = vector.shape_cast %get3A_138 : vector<1x400x128xf32> to vector<400x128xf32>
    %sub3A_140 = arith.subf %get3A_139, %get3A_1 : vector<400x128xf32>
    %max3A_141 = arith.constant 0.000000e+00 : f32
    %max3A_142 = vector.broadcast %max3A_141 : f32 to vector<400x128xf32>
    %max3A_143 = arith.maximumf %sub3A_140, %max3A_142 : vector<400x128xf32>
    %get3A_144 = arith.constant 0 : index
    %get3A_145 = arith.constant 0 : index
    %get3A_146 = vector.load %arg3[%get3A_144, %get3A_145] : memref<128x128xf32, #tpu.memory_space<vmem>>, vector<128x128xf32>
    %dot_general3A_147 = arith.constant dense<0.000000e+00> : vector<400x128xf32>
    %dot_general3A_148 = tpu.matmul %max3A_143, %get3A_146, %dot_general3A_147 {dimension_numbers = #tpu.dot_dimension_numbers<[1], [0], [0], [1], [0, 0, 1, 1], [], []>, transpose_lhs_hint = false} : vector<400x128xf32>, vector<128x128xf32>, vector<400x128xf32> -> vector<400x128xf32>
    %max3A_149 = arith.maximumf %max3A_134, %dot_general3A_148 : vector<400x128xf32>
    %get3A_150 = arith.constant 10 : index
    %get3A_151 = arith.constant 0 : index
    %get3A_152 = arith.constant 0 : index
    %get3A_153 = vector.load %arg1[%get3A_150, %get3A_151, %get3A_152] : memref<32x400x128xf32, #tpu.memory_space<vmem>>, vector<1x400x128xf32>
    %get3A_154 = vector.shape_cast %get3A_153 : vector<1x400x128xf32> to vector<400x128xf32>
    %sub3A_155 = arith.subf %get3A_154, %get3A_1 : vector<400x128xf32>
    %max3A_156 = arith.constant 0.000000e+00 : f32
    %max3A_157 = vector.broadcast %max3A_156 : f32 to vector<400x128xf32>
    %max3A_158 = arith.maximumf %sub3A_155, %max3A_157 : vector<400x128xf32>
    %get3A_159 = arith.constant 0 : index
    %get3A_160 = arith.constant 0 : index
    %get3A_161 = vector.load %arg3[%get3A_159, %get3A_160] : memref<128x128xf32, #tpu.memory_space<vmem>>, vector<128x128xf32>
    %dot_general3A_162 = arith.constant dense<0.000000e+00> : vector<400x128xf32>
    %dot_general3A_163 = tpu.matmul %max3A_158, %get3A_161, %dot_general3A_162 {dimension_numbers = #tpu.dot_dimension_numbers<[1], [0], [0], [1], [0, 0, 1, 1], [], []>, transpose_lhs_hint = false} : vector<400x128xf32>, vector<128x128xf32>, vector<400x128xf32> -> vector<400x128xf32>
    %max3A_164 = arith.maximumf %max3A_149, %dot_general3A_163 : vector<400x128xf32>
    %get3A_165 = arith.constant 11 : index
    %get3A_166 = arith.constant 0 : index
    %get3A_167 = arith.constant 0 : index
    %get3A_168 = vector.load %arg1[%get3A_165, %get3A_166, %get3A_167] : memref<32x400x128xf32, #tpu.memory_space<vmem>>, vector<1x400x128xf32>
    %get3A_169 = vector.shape_cast %get3A_168 : vector<1x400x128xf32> to vector<400x128xf32>
    %sub3A_170 = arith.subf %get3A_169, %get3A_1 : vector<400x128xf32>
    %max3A_171 = arith.constant 0.000000e+00 : f32
    %max3A_172 = vector.broadcast %max3A_171 : f32 to vector<400x128xf32>
    %max3A_173 = arith.maximumf %sub3A_170, %max3A_172 : vector<400x128xf32>
    %get3A_174 = arith.constant 0 : index
    %get3A_175 = arith.constant 0 : index
    %get3A_176 = vector.load %arg3[%get3A_174, %get3A_175] : memref<128x128xf32, #tpu.memory_space<vmem>>, vector<128x128xf32>
    %dot_general3A_177 = arith.constant dense<0.000000e+00> : vector<400x128xf32>
    %dot_general3A_178 = tpu.matmul %max3A_173, %get3A_176, %dot_general3A_177 {dimension_numbers = #tpu.dot_dimension_numbers<[1], [0], [0], [1], [0, 0, 1, 1], [], []>, transpose_lhs_hint = false} : vector<400x128xf32>, vector<128x128xf32>, vector<400x128xf32> -> vector<400x128xf32>
    %max3A_179 = arith.maximumf %max3A_164, %dot_general3A_178 : vector<400x128xf32>
    %get3A_180 = arith.constant 12 : index
    %get3A_181 = arith.constant 0 : index
    %get3A_182 = arith.constant 0 : index
    %get3A_183 = vector.load %arg1[%get3A_180, %get3A_181, %get3A_182] : memref<32x400x128xf32, #tpu.memory_space<vmem>>, vector<1x400x128xf32>
    %get3A_184 = vector.shape_cast %get3A_183 : vector<1x400x128xf32> to vector<400x128xf32>
    %sub3A_185 = arith.subf %get3A_184, %get3A_1 : vector<400x128xf32>
    %max3A_186 = arith.constant 0.000000e+00 : f32
    %max3A_187 = vector.broadcast %max3A_186 : f32 to vector<400x128xf32>
    %max3A_188 = arith.maximumf %sub3A_185, %max3A_187 : vector<400x128xf32>
    %get3A_189 = arith.constant 0 : index
    %get3A_190 = arith.constant 0 : index
    %get3A_191 = vector.load %arg3[%get3A_189, %get3A_190] : memref<128x128xf32, #tpu.memory_space<vmem>>, vector<128x128xf32>
    %dot_general3A_192 = arith.constant dense<0.000000e+00> : vector<400x128xf32>
    %dot_general3A_193 = tpu.matmul %max3A_188, %get3A_191, %dot_general3A_192 {dimension_numbers = #tpu.dot_dimension_numbers<[1], [0], [0], [1], [0, 0, 1, 1], [], []>, transpose_lhs_hint = false} : vector<400x128xf32>, vector<128x128xf32>, vector<400x128xf32> -> vector<400x128xf32>
    %max3A_194 = arith.maximumf %max3A_179, %dot_general3A_193 : vector<400x128xf32>
    %get3A_195 = arith.constant 13 : index
    %get3A_196 = arith.constant 0 : index
    %get3A_197 = arith.constant 0 : index
    %get3A_198 = vector.load %arg1[%get3A_195, %get3A_196, %get3A_197] : memref<32x400x128xf32, #tpu.memory_space<vmem>>, vector<1x400x128xf32>
    %get3A_199 = vector.shape_cast %get3A_198 : vector<1x400x128xf32> to vector<400x128xf32>
    %sub3A_200 = arith.subf %get3A_199, %get3A_1 : vector<400x128xf32>
    %max3A_201 = arith.constant 0.000000e+00 : f32
    %max3A_202 = vector.broadcast %max3A_201 : f32 to vector<400x128xf32>
    %max3A_203 = arith.maximumf %sub3A_200, %max3A_202 : vector<400x128xf32>
    %get3A_204 = arith.constant 0 : index
    %get3A_205 = arith.constant 0 : index
    %get3A_206 = vector.load %arg3[%get3A_204, %get3A_205] : memref<128x128xf32, #tpu.memory_space<vmem>>, vector<128x128xf32>
    %dot_general3A_207 = arith.constant dense<0.000000e+00> : vector<400x128xf32>
    %dot_general3A_208 = tpu.matmul %max3A_203, %get3A_206, %dot_general3A_207 {dimension_numbers = #tpu.dot_dimension_numbers<[1], [0], [0], [1], [0, 0, 1, 1], [], []>, transpose_lhs_hint = false} : vector<400x128xf32>, vector<128x128xf32>, vector<400x128xf32> -> vector<400x128xf32>
    %max3A_209 = arith.maximumf %max3A_194, %dot_general3A_208 : vector<400x128xf32>
    %get3A_210 = arith.constant 14 : index
    %get3A_211 = arith.constant 0 : index
    %get3A_212 = arith.constant 0 : index
    %get3A_213 = vector.load %arg1[%get3A_210, %get3A_211, %get3A_212] : memref<32x400x128xf32, #tpu.memory_space<vmem>>, vector<1x400x128xf32>
    %get3A_214 = vector.shape_cast %get3A_213 : vector<1x400x128xf32> to vector<400x128xf32>
    %sub3A_215 = arith.subf %get3A_214, %get3A_1 : vector<400x128xf32>
    %max3A_216 = arith.constant 0.000000e+00 : f32
    %max3A_217 = vector.broadcast %max3A_216 : f32 to vector<400x128xf32>
    %max3A_218 = arith.maximumf %sub3A_215, %max3A_217 : vector<400x128xf32>
    %get3A_219 = arith.constant 0 : index
    %get3A_220 = arith.constant 0 : index
    %get3A_221 = vector.load %arg3[%get3A_219, %get3A_220] : memref<128x128xf32, #tpu.memory_space<vmem>>, vector<128x128xf32>
    %dot_general3A_222 = arith.constant dense<0.000000e+00> : vector<400x128xf32>
    %dot_general3A_223 = tpu.matmul %max3A_218, %get3A_221, %dot_general3A_222 {dimension_numbers = #tpu.dot_dimension_numbers<[1], [0], [0], [1], [0, 0, 1, 1], [], []>, transpose_lhs_hint = false} : vector<400x128xf32>, vector<128x128xf32>, vector<400x128xf32> -> vector<400x128xf32>
    %max3A_224 = arith.maximumf %max3A_209, %dot_general3A_223 : vector<400x128xf32>
    %get3A_225 = arith.constant 15 : index
    %get3A_226 = arith.constant 0 : index
    %get3A_227 = arith.constant 0 : index
    %get3A_228 = vector.load %arg1[%get3A_225, %get3A_226, %get3A_227] : memref<32x400x128xf32, #tpu.memory_space<vmem>>, vector<1x400x128xf32>
    %get3A_229 = vector.shape_cast %get3A_228 : vector<1x400x128xf32> to vector<400x128xf32>
    %sub3A_230 = arith.subf %get3A_229, %get3A_1 : vector<400x128xf32>
    %max3A_231 = arith.constant 0.000000e+00 : f32
    %max3A_232 = vector.broadcast %max3A_231 : f32 to vector<400x128xf32>
    %max3A_233 = arith.maximumf %sub3A_230, %max3A_232 : vector<400x128xf32>
    %get3A_234 = arith.constant 0 : index
    %get3A_235 = arith.constant 0 : index
    %get3A_236 = vector.load %arg3[%get3A_234, %get3A_235] : memref<128x128xf32, #tpu.memory_space<vmem>>, vector<128x128xf32>
    %dot_general3A_237 = arith.constant dense<0.000000e+00> : vector<400x128xf32>
    %dot_general3A_238 = tpu.matmul %max3A_233, %get3A_236, %dot_general3A_237 {dimension_numbers = #tpu.dot_dimension_numbers<[1], [0], [0], [1], [0, 0, 1, 1], [], []>, transpose_lhs_hint = false} : vector<400x128xf32>, vector<128x128xf32>, vector<400x128xf32> -> vector<400x128xf32>
    %max3A_239 = arith.maximumf %max3A_224, %dot_general3A_238 : vector<400x128xf32>
    %get3A_240 = arith.constant 16 : index
    %get3A_241 = arith.constant 0 : index
    %get3A_242 = arith.constant 0 : index
    %get3A_243 = vector.load %arg1[%get3A_240, %get3A_241, %get3A_242] : memref<32x400x128xf32, #tpu.memory_space<vmem>>, vector<1x400x128xf32>
    %get3A_244 = vector.shape_cast %get3A_243 : vector<1x400x128xf32> to vector<400x128xf32>
    %sub3A_245 = arith.subf %get3A_244, %get3A_1 : vector<400x128xf32>
    %max3A_246 = arith.constant 0.000000e+00 : f32
    %max3A_247 = vector.broadcast %max3A_246 : f32 to vector<400x128xf32>
    %max3A_248 = arith.maximumf %sub3A_245, %max3A_247 : vector<400x128xf32>
    %get3A_249 = arith.constant 0 : index
    %get3A_250 = arith.constant 0 : index
    %get3A_251 = vector.load %arg3[%get3A_249, %get3A_250] : memref<128x128xf32, #tpu.memory_space<vmem>>, vector<128x128xf32>
    %dot_general3A_252 = arith.constant dense<0.000000e+00> : vector<400x128xf32>
    %dot_general3A_253 = tpu.matmul %max3A_248, %get3A_251, %dot_general3A_252 {dimension_numbers = #tpu.dot_dimension_numbers<[1], [0], [0], [1], [0, 0, 1, 1], [], []>, transpose_lhs_hint = false} : vector<400x128xf32>, vector<128x128xf32>, vector<400x128xf32> -> vector<400x128xf32>
    %max3A_254 = arith.maximumf %max3A_239, %dot_general3A_253 : vector<400x128xf32>
    %get3A_255 = arith.constant 17 : index
    %get3A_256 = arith.constant 0 : index
    %get3A_257 = arith.constant 0 : index
    %get3A_258 = vector.load %arg1[%get3A_255, %get3A_256, %get3A_257] : memref<32x400x128xf32, #tpu.memory_space<vmem>>, vector<1x400x128xf32>
    %get3A_259 = vector.shape_cast %get3A_258 : vector<1x400x128xf32> to vector<400x128xf32>
    %sub3A_260 = arith.subf %get3A_259, %get3A_1 : vector<400x128xf32>
    %max3A_261 = arith.constant 0.000000e+00 : f32
    %max3A_262 = vector.broadcast %max3A_261 : f32 to vector<400x128xf32>
    %max3A_263 = arith.maximumf %sub3A_260, %max3A_262 : vector<400x128xf32>
    %get3A_264 = arith.constant 0 : index
    %get3A_265 = arith.constant 0 : index
    %get3A_266 = vector.load %arg3[%get3A_264, %get3A_265] : memref<128x128xf32, #tpu.memory_space<vmem>>, vector<128x128xf32>
    %dot_general3A_267 = arith.constant dense<0.000000e+00> : vector<400x128xf32>
    %dot_general3A_268 = tpu.matmul %max3A_263, %get3A_266, %dot_general3A_267 {dimension_numbers = #tpu.dot_dimension_numbers<[1], [0], [0], [1], [0, 0, 1, 1], [], []>, transpose_lhs_hint = false} : vector<400x128xf32>, vector<128x128xf32>, vector<400x128xf32> -> vector<400x128xf32>
    %max3A_269 = arith.maximumf %max3A_254, %dot_general3A_268 : vector<400x128xf32>
    %get3A_270 = arith.constant 18 : index
    %get3A_271 = arith.constant 0 : index
    %get3A_272 = arith.constant 0 : index
    %get3A_273 = vector.load %arg1[%get3A_270, %get3A_271, %get3A_272] : memref<32x400x128xf32, #tpu.memory_space<vmem>>, vector<1x400x128xf32>
    %get3A_274 = vector.shape_cast %get3A_273 : vector<1x400x128xf32> to vector<400x128xf32>
    %sub3A_275 = arith.subf %get3A_274, %get3A_1 : vector<400x128xf32>
    %max3A_276 = arith.constant 0.000000e+00 : f32
    %max3A_277 = vector.broadcast %max3A_276 : f32 to vector<400x128xf32>
    %max3A_278 = arith.maximumf %sub3A_275, %max3A_277 : vector<400x128xf32>
    %get3A_279 = arith.constant 0 : index
    %get3A_280 = arith.constant 0 : index
    %get3A_281 = vector.load %arg3[%get3A_279, %get3A_280] : memref<128x128xf32, #tpu.memory_space<vmem>>, vector<128x128xf32>
    %dot_general3A_282 = arith.constant dense<0.000000e+00> : vector<400x128xf32>
    %dot_general3A_283 = tpu.matmul %max3A_278, %get3A_281, %dot_general3A_282 {dimension_numbers = #tpu.dot_dimension_numbers<[1], [0], [0], [1], [0, 0, 1, 1], [], []>, transpose_lhs_hint = false} : vector<400x128xf32>, vector<128x128xf32>, vector<400x128xf32> -> vector<400x128xf32>
    %max3A_284 = arith.maximumf %max3A_269, %dot_general3A_283 : vector<400x128xf32>
    %get3A_285 = arith.constant 19 : index
    %get3A_286 = arith.constant 0 : index
    %get3A_287 = arith.constant 0 : index
    %get3A_288 = vector.load %arg1[%get3A_285, %get3A_286, %get3A_287] : memref<32x400x128xf32, #tpu.memory_space<vmem>>, vector<1x400x128xf32>
    %get3A_289 = vector.shape_cast %get3A_288 : vector<1x400x128xf32> to vector<400x128xf32>
    %sub3A_290 = arith.subf %get3A_289, %get3A_1 : vector<400x128xf32>
    %max3A_291 = arith.constant 0.000000e+00 : f32
    %max3A_292 = vector.broadcast %max3A_291 : f32 to vector<400x128xf32>
    %max3A_293 = arith.maximumf %sub3A_290, %max3A_292 : vector<400x128xf32>
    %get3A_294 = arith.constant 0 : index
    %get3A_295 = arith.constant 0 : index
    %get3A_296 = vector.load %arg3[%get3A_294, %get3A_295] : memref<128x128xf32, #tpu.memory_space<vmem>>, vector<128x128xf32>
    %dot_general3A_297 = arith.constant dense<0.000000e+00> : vector<400x128xf32>
    %dot_general3A_298 = tpu.matmul %max3A_293, %get3A_296, %dot_general3A_297 {dimension_numbers = #tpu.dot_dimension_numbers<[1], [0], [0], [1], [0, 0, 1, 1], [], []>, transpose_lhs_hint = false} : vector<400x128xf32>, vector<128x128xf32>, vector<400x128xf32> -> vector<400x128xf32>
    %max3A_299 = arith.maximumf %max3A_284, %dot_general3A_298 : vector<400x128xf32>
    %get3A_300 = arith.constant 20 : index
    %get3A_301 = arith.constant 0 : index
    %get3A_302 = arith.constant 0 : index
    %get3A_303 = vector.load %arg1[%get3A_300, %get3A_301, %get3A_302] : memref<32x400x128xf32, #tpu.memory_space<vmem>>, vector<1x400x128xf32>
    %get3A_304 = vector.shape_cast %get3A_303 : vector<1x400x128xf32> to vector<400x128xf32>
    %sub3A_305 = arith.subf %get3A_304, %get3A_1 : vector<400x128xf32>
    %max3A_306 = arith.constant 0.000000e+00 : f32
    %max3A_307 = vector.broadcast %max3A_306 : f32 to vector<400x128xf32>
    %max3A_308 = arith.maximumf %sub3A_305, %max3A_307 : vector<400x128xf32>
    %get3A_309 = arith.constant 0 : index
    %get3A_310 = arith.constant 0 : index
    %get3A_311 = vector.load %arg3[%get3A_309, %get3A_310] : memref<128x128xf32, #tpu.memory_space<vmem>>, vector<128x128xf32>
    %dot_general3A_312 = arith.constant dense<0.000000e+00> : vector<400x128xf32>
    %dot_general3A_313 = tpu.matmul %max3A_308, %get3A_311, %dot_general3A_312 {dimension_numbers = #tpu.dot_dimension_numbers<[1], [0], [0], [1], [0, 0, 1, 1], [], []>, transpose_lhs_hint = false} : vector<400x128xf32>, vector<128x128xf32>, vector<400x128xf32> -> vector<400x128xf32>
    %max3A_314 = arith.maximumf %max3A_299, %dot_general3A_313 : vector<400x128xf32>
    %get3A_315 = arith.constant 21 : index
    %get3A_316 = arith.constant 0 : index
    %get3A_317 = arith.constant 0 : index
    %get3A_318 = vector.load %arg1[%get3A_315, %get3A_316, %get3A_317] : memref<32x400x128xf32, #tpu.memory_space<vmem>>, vector<1x400x128xf32>
    %get3A_319 = vector.shape_cast %get3A_318 : vector<1x400x128xf32> to vector<400x128xf32>
    %sub3A_320 = arith.subf %get3A_319, %get3A_1 : vector<400x128xf32>
    %max3A_321 = arith.constant 0.000000e+00 : f32
    %max3A_322 = vector.broadcast %max3A_321 : f32 to vector<400x128xf32>
    %max3A_323 = arith.maximumf %sub3A_320, %max3A_322 : vector<400x128xf32>
    %get3A_324 = arith.constant 0 : index
    %get3A_325 = arith.constant 0 : index
    %get3A_326 = vector.load %arg3[%get3A_324, %get3A_325] : memref<128x128xf32, #tpu.memory_space<vmem>>, vector<128x128xf32>
    %dot_general3A_327 = arith.constant dense<0.000000e+00> : vector<400x128xf32>
    %dot_general3A_328 = tpu.matmul %max3A_323, %get3A_326, %dot_general3A_327 {dimension_numbers = #tpu.dot_dimension_numbers<[1], [0], [0], [1], [0, 0, 1, 1], [], []>, transpose_lhs_hint = false} : vector<400x128xf32>, vector<128x128xf32>, vector<400x128xf32> -> vector<400x128xf32>
    %max3A_329 = arith.maximumf %max3A_314, %dot_general3A_328 : vector<400x128xf32>
    %get3A_330 = arith.constant 22 : index
    %get3A_331 = arith.constant 0 : index
    %get3A_332 = arith.constant 0 : index
    %get3A_333 = vector.load %arg1[%get3A_330, %get3A_331, %get3A_332] : memref<32x400x128xf32, #tpu.memory_space<vmem>>, vector<1x400x128xf32>
    %get3A_334 = vector.shape_cast %get3A_333 : vector<1x400x128xf32> to vector<400x128xf32>
    %sub3A_335 = arith.subf %get3A_334, %get3A_1 : vector<400x128xf32>
    %max3A_336 = arith.constant 0.000000e+00 : f32
    %max3A_337 = vector.broadcast %max3A_336 : f32 to vector<400x128xf32>
    %max3A_338 = arith.maximumf %sub3A_335, %max3A_337 : vector<400x128xf32>
    %get3A_339 = arith.constant 0 : index
    %get3A_340 = arith.constant 0 : index
    %get3A_341 = vector.load %arg3[%get3A_339, %get3A_340] : memref<128x128xf32, #tpu.memory_space<vmem>>, vector<128x128xf32>
    %dot_general3A_342 = arith.constant dense<0.000000e+00> : vector<400x128xf32>
    %dot_general3A_343 = tpu.matmul %max3A_338, %get3A_341, %dot_general3A_342 {dimension_numbers = #tpu.dot_dimension_numbers<[1], [0], [0], [1], [0, 0, 1, 1], [], []>, transpose_lhs_hint = false} : vector<400x128xf32>, vector<128x128xf32>, vector<400x128xf32> -> vector<400x128xf32>
    %max3A_344 = arith.maximumf %max3A_329, %dot_general3A_343 : vector<400x128xf32>
    %get3A_345 = arith.constant 23 : index
    %get3A_346 = arith.constant 0 : index
    %get3A_347 = arith.constant 0 : index
    %get3A_348 = vector.load %arg1[%get3A_345, %get3A_346, %get3A_347] : memref<32x400x128xf32, #tpu.memory_space<vmem>>, vector<1x400x128xf32>
    %get3A_349 = vector.shape_cast %get3A_348 : vector<1x400x128xf32> to vector<400x128xf32>
    %sub3A_350 = arith.subf %get3A_349, %get3A_1 : vector<400x128xf32>
    %max3A_351 = arith.constant 0.000000e+00 : f32
    %max3A_352 = vector.broadcast %max3A_351 : f32 to vector<400x128xf32>
    %max3A_353 = arith.maximumf %sub3A_350, %max3A_352 : vector<400x128xf32>
    %get3A_354 = arith.constant 0 : index
    %get3A_355 = arith.constant 0 : index
    %get3A_356 = vector.load %arg3[%get3A_354, %get3A_355] : memref<128x128xf32, #tpu.memory_space<vmem>>, vector<128x128xf32>
    %dot_general3A_357 = arith.constant dense<0.000000e+00> : vector<400x128xf32>
    %dot_general3A_358 = tpu.matmul %max3A_353, %get3A_356, %dot_general3A_357 {dimension_numbers = #tpu.dot_dimension_numbers<[1], [0], [0], [1], [0, 0, 1, 1], [], []>, transpose_lhs_hint = false} : vector<400x128xf32>, vector<128x128xf32>, vector<400x128xf32> -> vector<400x128xf32>
    %max3A_359 = arith.maximumf %max3A_344, %dot_general3A_358 : vector<400x128xf32>
    %get3A_360 = arith.constant 24 : index
    %get3A_361 = arith.constant 0 : index
    %get3A_362 = arith.constant 0 : index
    %get3A_363 = vector.load %arg1[%get3A_360, %get3A_361, %get3A_362] : memref<32x400x128xf32, #tpu.memory_space<vmem>>, vector<1x400x128xf32>
    %get3A_364 = vector.shape_cast %get3A_363 : vector<1x400x128xf32> to vector<400x128xf32>
    %sub3A_365 = arith.subf %get3A_364, %get3A_1 : vector<400x128xf32>
    %max3A_366 = arith.constant 0.000000e+00 : f32
    %max3A_367 = vector.broadcast %max3A_366 : f32 to vector<400x128xf32>
    %max3A_368 = arith.maximumf %sub3A_365, %max3A_367 : vector<400x128xf32>
    %get3A_369 = arith.constant 0 : index
    %get3A_370 = arith.constant 0 : index
    %get3A_371 = vector.load %arg3[%get3A_369, %get3A_370] : memref<128x128xf32, #tpu.memory_space<vmem>>, vector<128x128xf32>
    %dot_general3A_372 = arith.constant dense<0.000000e+00> : vector<400x128xf32>
    %dot_general3A_373 = tpu.matmul %max3A_368, %get3A_371, %dot_general3A_372 {dimension_numbers = #tpu.dot_dimension_numbers<[1], [0], [0], [1], [0, 0, 1, 1], [], []>, transpose_lhs_hint = false} : vector<400x128xf32>, vector<128x128xf32>, vector<400x128xf32> -> vector<400x128xf32>
    %max3A_374 = arith.maximumf %max3A_359, %dot_general3A_373 : vector<400x128xf32>
    %get3A_375 = arith.constant 25 : index
    %get3A_376 = arith.constant 0 : index
    %get3A_377 = arith.constant 0 : index
    %get3A_378 = vector.load %arg1[%get3A_375, %get3A_376, %get3A_377] : memref<32x400x128xf32, #tpu.memory_space<vmem>>, vector<1x400x128xf32>
    %get3A_379 = vector.shape_cast %get3A_378 : vector<1x400x128xf32> to vector<400x128xf32>
    %sub3A_380 = arith.subf %get3A_379, %get3A_1 : vector<400x128xf32>
    %max3A_381 = arith.constant 0.000000e+00 : f32
    %max3A_382 = vector.broadcast %max3A_381 : f32 to vector<400x128xf32>
    %max3A_383 = arith.maximumf %sub3A_380, %max3A_382 : vector<400x128xf32>
    %get3A_384 = arith.constant 0 : index
    %get3A_385 = arith.constant 0 : index
    %get3A_386 = vector.load %arg3[%get3A_384, %get3A_385] : memref<128x128xf32, #tpu.memory_space<vmem>>, vector<128x128xf32>
    %dot_general3A_387 = arith.constant dense<0.000000e+00> : vector<400x128xf32>
    %dot_general3A_388 = tpu.matmul %max3A_383, %get3A_386, %dot_general3A_387 {dimension_numbers = #tpu.dot_dimension_numbers<[1], [0], [0], [1], [0, 0, 1, 1], [], []>, transpose_lhs_hint = false} : vector<400x128xf32>, vector<128x128xf32>, vector<400x128xf32> -> vector<400x128xf32>
    %max3A_389 = arith.maximumf %max3A_374, %dot_general3A_388 : vector<400x128xf32>
    %get3A_390 = arith.constant 26 : index
    %get3A_391 = arith.constant 0 : index
    %get3A_392 = arith.constant 0 : index
    %get3A_393 = vector.load %arg1[%get3A_390, %get3A_391, %get3A_392] : memref<32x400x128xf32, #tpu.memory_space<vmem>>, vector<1x400x128xf32>
    %get3A_394 = vector.shape_cast %get3A_393 : vector<1x400x128xf32> to vector<400x128xf32>
    %sub3A_395 = arith.subf %get3A_394, %get3A_1 : vector<400x128xf32>
    %max3A_396 = arith.constant 0.000000e+00 : f32
    %max3A_397 = vector.broadcast %max3A_396 : f32 to vector<400x128xf32>
    %max3A_398 = arith.maximumf %sub3A_395, %max3A_397 : vector<400x128xf32>
    %get3A_399 = arith.constant 0 : index
    %get3A_400 = arith.constant 0 : index
    %get3A_401 = vector.load %arg3[%get3A_399, %get3A_400] : memref<128x128xf32, #tpu.memory_space<vmem>>, vector<128x128xf32>
    %dot_general3A_402 = arith.constant dense<0.000000e+00> : vector<400x128xf32>
    %dot_general3A_403 = tpu.matmul %max3A_398, %get3A_401, %dot_general3A_402 {dimension_numbers = #tpu.dot_dimension_numbers<[1], [0], [0], [1], [0, 0, 1, 1], [], []>, transpose_lhs_hint = false} : vector<400x128xf32>, vector<128x128xf32>, vector<400x128xf32> -> vector<400x128xf32>
    %max3A_404 = arith.maximumf %max3A_389, %dot_general3A_403 : vector<400x128xf32>
    %get3A_405 = arith.constant 27 : index
    %get3A_406 = arith.constant 0 : index
    %get3A_407 = arith.constant 0 : index
    %get3A_408 = vector.load %arg1[%get3A_405, %get3A_406, %get3A_407] : memref<32x400x128xf32, #tpu.memory_space<vmem>>, vector<1x400x128xf32>
    %get3A_409 = vector.shape_cast %get3A_408 : vector<1x400x128xf32> to vector<400x128xf32>
    %sub3A_410 = arith.subf %get3A_409, %get3A_1 : vector<400x128xf32>
    %max3A_411 = arith.constant 0.000000e+00 : f32
    %max3A_412 = vector.broadcast %max3A_411 : f32 to vector<400x128xf32>
    %max3A_413 = arith.maximumf %sub3A_410, %max3A_412 : vector<400x128xf32>
    %get3A_414 = arith.constant 0 : index
    %get3A_415 = arith.constant 0 : index
    %get3A_416 = vector.load %arg3[%get3A_414, %get3A_415] : memref<128x128xf32, #tpu.memory_space<vmem>>, vector<128x128xf32>
    %dot_general3A_417 = arith.constant dense<0.000000e+00> : vector<400x128xf32>
    %dot_general3A_418 = tpu.matmul %max3A_413, %get3A_416, %dot_general3A_417 {dimension_numbers = #tpu.dot_dimension_numbers<[1], [0], [0], [1], [0, 0, 1, 1], [], []>, transpose_lhs_hint = false} : vector<400x128xf32>, vector<128x128xf32>, vector<400x128xf32> -> vector<400x128xf32>
    %max3A_419 = arith.maximumf %max3A_404, %dot_general3A_418 : vector<400x128xf32>
    %get3A_420 = arith.constant 28 : index
    %get3A_421 = arith.constant 0 : index
    %get3A_422 = arith.constant 0 : index
    %get3A_423 = vector.load %arg1[%get3A_420, %get3A_421, %get3A_422] : memref<32x400x128xf32, #tpu.memory_space<vmem>>, vector<1x400x128xf32>
    %get3A_424 = vector.shape_cast %get3A_423 : vector<1x400x128xf32> to vector<400x128xf32>
    %sub3A_425 = arith.subf %get3A_424, %get3A_1 : vector<400x128xf32>
    %max3A_426 = arith.constant 0.000000e+00 : f32
    %max3A_427 = vector.broadcast %max3A_426 : f32 to vector<400x128xf32>
    %max3A_428 = arith.maximumf %sub3A_425, %max3A_427 : vector<400x128xf32>
    %get3A_429 = arith.constant 0 : index
    %get3A_430 = arith.constant 0 : index
    %get3A_431 = vector.load %arg3[%get3A_429, %get3A_430] : memref<128x128xf32, #tpu.memory_space<vmem>>, vector<128x128xf32>
    %dot_general3A_432 = arith.constant dense<0.000000e+00> : vector<400x128xf32>
    %dot_general3A_433 = tpu.matmul %max3A_428, %get3A_431, %dot_general3A_432 {dimension_numbers = #tpu.dot_dimension_numbers<[1], [0], [0], [1], [0, 0, 1, 1], [], []>, transpose_lhs_hint = false} : vector<400x128xf32>, vector<128x128xf32>, vector<400x128xf32> -> vector<400x128xf32>
    %max3A_434 = arith.maximumf %max3A_419, %dot_general3A_433 : vector<400x128xf32>
    %get3A_435 = arith.constant 29 : index
    %get3A_436 = arith.constant 0 : index
    %get3A_437 = arith.constant 0 : index
    %get3A_438 = vector.load %arg1[%get3A_435, %get3A_436, %get3A_437] : memref<32x400x128xf32, #tpu.memory_space<vmem>>, vector<1x400x128xf32>
    %get3A_439 = vector.shape_cast %get3A_438 : vector<1x400x128xf32> to vector<400x128xf32>
    %sub3A_440 = arith.subf %get3A_439, %get3A_1 : vector<400x128xf32>
    %max3A_441 = arith.constant 0.000000e+00 : f32
    %max3A_442 = vector.broadcast %max3A_441 : f32 to vector<400x128xf32>
    %max3A_443 = arith.maximumf %sub3A_440, %max3A_442 : vector<400x128xf32>
    %get3A_444 = arith.constant 0 : index
    %get3A_445 = arith.constant 0 : index
    %get3A_446 = vector.load %arg3[%get3A_444, %get3A_445] : memref<128x128xf32, #tpu.memory_space<vmem>>, vector<128x128xf32>
    %dot_general3A_447 = arith.constant dense<0.000000e+00> : vector<400x128xf32>
    %dot_general3A_448 = tpu.matmul %max3A_443, %get3A_446, %dot_general3A_447 {dimension_numbers = #tpu.dot_dimension_numbers<[1], [0], [0], [1], [0, 0, 1, 1], [], []>, transpose_lhs_hint = false} : vector<400x128xf32>, vector<128x128xf32>, vector<400x128xf32> -> vector<400x128xf32>
    %max3A_449 = arith.maximumf %max3A_434, %dot_general3A_448 : vector<400x128xf32>
    %get3A_450 = arith.constant 30 : index
    %get3A_451 = arith.constant 0 : index
    %get3A_452 = arith.constant 0 : index
    %get3A_453 = vector.load %arg1[%get3A_450, %get3A_451, %get3A_452] : memref<32x400x128xf32, #tpu.memory_space<vmem>>, vector<1x400x128xf32>
    %get3A_454 = vector.shape_cast %get3A_453 : vector<1x400x128xf32> to vector<400x128xf32>
    %sub3A_455 = arith.subf %get3A_454, %get3A_1 : vector<400x128xf32>
    %max3A_456 = arith.constant 0.000000e+00 : f32
    %max3A_457 = vector.broadcast %max3A_456 : f32 to vector<400x128xf32>
    %max3A_458 = arith.maximumf %sub3A_455, %max3A_457 : vector<400x128xf32>
    %get3A_459 = arith.constant 0 : index
    %get3A_460 = arith.constant 0 : index
    %get3A_461 = vector.load %arg3[%get3A_459, %get3A_460] : memref<128x128xf32, #tpu.memory_space<vmem>>, vector<128x128xf32>
    %dot_general3A_462 = arith.constant dense<0.000000e+00> : vector<400x128xf32>
    %dot_general3A_463 = tpu.matmul %max3A_458, %get3A_461, %dot_general3A_462 {dimension_numbers = #tpu.dot_dimension_numbers<[1], [0], [0], [1], [0, 0, 1, 1], [], []>, transpose_lhs_hint = false} : vector<400x128xf32>, vector<128x128xf32>, vector<400x128xf32> -> vector<400x128xf32>
    %max3A_464 = arith.maximumf %max3A_449, %dot_general3A_463 : vector<400x128xf32>
    %get3A_465 = arith.constant 31 : index
    %get3A_466 = arith.constant 0 : index
    %get3A_467 = arith.constant 0 : index
    %get3A_468 = vector.load %arg1[%get3A_465, %get3A_466, %get3A_467] : memref<32x400x128xf32, #tpu.memory_space<vmem>>, vector<1x400x128xf32>
    %get3A_469 = vector.shape_cast %get3A_468 : vector<1x400x128xf32> to vector<400x128xf32>
    %sub3A_470 = arith.subf %get3A_469, %get3A_1 : vector<400x128xf32>
    %max3A_471 = arith.constant 0.000000e+00 : f32
    %max3A_472 = vector.broadcast %max3A_471 : f32 to vector<400x128xf32>
    %max3A_473 = arith.maximumf %sub3A_470, %max3A_472 : vector<400x128xf32>
    %get3A_474 = arith.constant 0 : index
    %get3A_475 = arith.constant 0 : index
    %get3A_476 = vector.load %arg3[%get3A_474, %get3A_475] : memref<128x128xf32, #tpu.memory_space<vmem>>, vector<128x128xf32>
    %dot_general3A_477 = arith.constant dense<0.000000e+00> : vector<400x128xf32>
    %dot_general3A_478 = tpu.matmul %max3A_473, %get3A_476, %dot_general3A_477 {dimension_numbers = #tpu.dot_dimension_numbers<[1], [0], [0], [1], [0, 0, 1, 1], [], []>, transpose_lhs_hint = false} : vector<400x128xf32>, vector<128x128xf32>, vector<400x128xf32> -> vector<400x128xf32>
    %max3A_479 = arith.maximumf %max3A_464, %dot_general3A_478 : vector<400x128xf32>
    %get3A_480 = arith.constant 0 : index
    %get3A_481 = arith.constant 0 : index
    %get3A_482 = vector.load %arg4[%get3A_480, %get3A_481] : memref<1x128xf32, #tpu.memory_space<vmem>>, vector<1x128xf32>
    %add3A = vector.broadcast %get3A_482 : vector<1x128xf32> to vector<400x128xf32>
    %add3A_483 = arith.addf %max3A_479, %add3A : vector<400x128xf32>
    %swap3A = arith.constant 0 : index
    %swap3A_484 = arith.constant 0 : index
    %swap3A_485 = vector.load %arg5[%swap3A, %swap3A_484] : memref<400x128xf32, #tpu.memory_space<vmem>>, vector<400x128xf32>
    tpu.vector_store %arg5[%swap3A, %swap3A_484], %add3A_483 {strides = array<i32>} : memref<400x128xf32, #tpu.memory_space<vmem>>, vector<400x128xf32>,
    return
  }
  func.func @transform_0(%arg0: i32) -> (i32, i32, i32) {
    %c0_i32 = arith.constant 0 : i32
    %c0_i32_0 = arith.constant 0 : i32
    %c0_i32_1 = arith.constant 0 : i32
    return %c0_i32, %arg0, %c0_i32_0 : i32, i32, i32
  }
  func.func @transform_1(%arg0: i32) -> (i32, i32) {
    %c0_i32 = arith.constant 0 : i32
    %c0_i32_0 = arith.constant 0 : i32
    return %arg0, %c0_i32 : i32, i32
  }
  func.func @transform_2(%arg0: i32) -> (i32, i32) {
    %c0_i32 = arith.constant 0 : i32
    %c0_i32_0 = arith.constant 0 : i32
    %c0_i32_1 = arith.constant 0 : i32
    return %c0_i32, %c0_i32_0 : i32, i32
  }
  func.func @transform_3(%arg0: i32) -> (i32, i32) {
    %c0_i32 = arith.constant 0 : i32
    %c0_i32_0 = arith.constant 0 : i32
    %c0_i32_1 = arith.constant 0 : i32
    return %c0_i32, %c0_i32_0 : i32, i32
  }
  func.func @transform_4(%arg0: i32) -> (i32, i32) {
    %c0_i32 = arith.constant 0 : i32
    %c0_i32_0 = arith.constant 0 : i32
    return %arg0, %c0_i32 : i32, i32
  }
}

</mosaic_0001>

<sc_bundles>
// kernel: kernel.12.cloned.1.call-start
scs
__scs_entry_jumppad:
0x0: {  	(pc) =	sbr.rel $0x88, $3  }
0x1: {  	(tag) =	ssettag $0x0;
	lr =	simm.s32 $0x1  }
0x2: {  	[smem:$0x3F9A] =	sst lr;
	_ =	strace $0xD0000000  }
0x3: {  	_ = 	snop  }
0x4: {  	_ = 	snop  }
0x5: {  	_ = 	snop  }
0x6: {  	_ = 	snop  }
0x7: {  	_ = 	snop  }
__scs_overlays_trampoline_lowered:
0x8: {  	[smem:$0x3FA9] =	sst s0  }
0x9: {  	[smem:$0x3FAA] =	sst s1  }
0xa: {  	[smem:$0x3FAB] =	sst s2  }
0xb: {  	[smem:$0x3FAC] =	sst s3  }
0xc: {  	[smem:$0x3FAD] =	sst s4  }
0xd: {  	[smem:$0x3FAE] =	sst s5  }
0xe: {  	[smem:$0x3FAF] =	sst s6  }
0xf: {  	[smem:$0x3FB0] =	sst s7  }
0x10: {  	[smem:$0x3FB1] =	sst s8  }
0x11: {  	[smem:$0x3FB2] =	sst s9;
	s0 =	simm.s32 @!p0 $0x0  }
0x12: {  	s1 =	sld [smem:$0x3F98];
	s0 =	simm.s32 @p0 $0x1  }
0x13: {  	[smem:$0x3FB3] =	sst s0;
	s0 =	simm.s32 @!p1 $0x0  }
0x14: {  	s2 =	sld [smem:$0x3F97];
	s0 =	simm.s32 @p1 $0x1  }
0x15: {  	[smem:$0x3FB4] =	sst s0;
	s0 =	simm.s32 @!p2 $0x0  }
0x16: {  	s3 =	sld [smem:$0x3FDB];
	s0 =	simm.s32 @p2 $0x1  }
0x17: {  	s4 =	simm.s32 $0x1BF5;
	[smem:$0x3FB6] =	sst s0  }
0x18: {  	s0 =	sld [smem:$0x3F99];
	_ =	swait.ge [sflag:s4], $0x0  }
0x19: {  	s7 =	sld [smem:$0x3F9A]  }
0x1a: {  	s8 =	sadd.s32 $0xFFFFE003, lr  }
0x1b: {  	s9 =	sadd.s32 $0xFFFFFEF7, lr;
	s5 =	simm.s32 $0xFFFFFFFF;
	p2 =	slt.u32 s8, $0xFFFFF086  }
0x1c: {  	p1 =	slt.u32 s9, $0xF7A;
	s5 =	simm.s32 @!p2 $0x0  }
0x1d: {  	s5 =	simm.s32 @p1 $0x1;
	p0 =	seq.s32 s7, s2  }
0x1e: {  	s7 =	smul.u32 @!p0 $0xF7A, s2;
	p2 =	seq.s32 @!p0 s5, $0x0  }
0x1f: {  	s9 =	smul.u32 $0xF7A, s1;
	s8 =	simm.s32 @!p0 $0x1BF5;
	p2 =	por !p2, p0  }
0x20: {  	[sflag:s8] =	ssyncset.s32 @!p0 $0xFFFFF086;
	s6 =	sadd.s32 @!p0 s3, s7;
	s7 =	simm.s32 @!p0 $0x108  }
0x21: {  	s3 =	sadd.s32 s3, s9;
	s6 =	sadd.s32 @!p0 $0x88, s6;
	s7 =	simm.s32 @p2 $0x1082  }
0x22: {  	[simem:s7], [sflag:s8] =	dma.local @!p0 [hbm:s6], $0xF7A  }
0x23: {  	s9 =	sor.u32 $0xD0000000, s2;
	s6 =	simm.s32 $0x108;
	_ =	swait.ge @!p0 [sflag:s8], $0x0  }
0x24: {  	s3 =	sadd.s32 $0x88, s3;
	s6 =	simm.s32 @!p1 $0x1082;
	[sflag:s4] =	ssyncset.s32 $0xFFFFF086  }
0x25: {  	[simem:s6], [sflag:s4] =	dma.local [hbm:s3], $0xF7A  }
0x26: {  	[smem:$0x3F9A] =	sst s1;
	(tag) =	ssettag s2;
	_ =	strace s9  }
0x27: {  	s1 =	sld [smem:$0x3FAA]  }
0x28: {  	s2 =	sld [smem:$0x3FAB]  }
0x29: {  	s4 =	sld [smem:$0x3FAD]  }
0x2a: {  	p0 =	seq.s32 s5, $0x0;
	s5 =	sld [smem:$0x3FAE]  }
0x2b: {  	s6 =	sld [smem:$0x3FAF]  }
0x2c: {  	s7 =	sld [smem:$0x3FB0]  }
0x2d: {  	s3 =	simm.s32 $0x108;
	s8 =	sld [smem:$0x3FB1]  }
0x2e: {  	s3 =	simm.s32 @!p0 $0x1082;
	s9 =	sld [smem:$0x3FB2]  }
0x2f: {  	lr =	sadd.s32 s0, s3;
	s0 =	sld [smem:$0x3FA9]  }
0x30: {  	s3 =	sld [smem:$0x3FAC]  }
0x31: {  	[smem:$0x3FB5] =	sst s10  }
0x32: {  	s10 =	sld [smem:$0x3FB3];
	_ =	sdelay $0x3  }
0x33: {  	p0 =	seq.s32 s10, $0x1;
	s10 =	sld [smem:$0x3FB5];
	_ =	sdelay $0x3  }
0x34: {  	[smem:$0x3FB5] =	sst s10  }
0x35: {  	s10 =	sld [smem:$0x3FB4];
	_ =	sdelay $0x3  }
0x36: {  	p1 =	seq.s32 s10, $0x1;
	s10 =	sld [smem:$0x3FB5];
	_ =	sdelay $0x3  }
0x37: {  	[smem:$0x3FB5] =	sst s10  }
0x38: {  	s10 =	sld [smem:$0x3FB6]  }
0x39: {  	_ = 	snop;
	(pc) =	sbr.ind lr, $3  }
0x3a: {  	_ = 	snop  }
0x3b: {  	_ = 	snop  }
0x3c: {  	p2 =	seq.s32 s10, $0x1;
	s10 =	sld [smem:$0x3FB5]  }
0x3d: {  	_ =	shalt  }
0x3e: {  	_ =	shalt  }
0x3f: {  	_ =	shalt  }
0x40: {  	_ =	shalt  }
0x41: {  	_ =	shalt  }
0x42: {  	_ =	shalt  }
0x43: {  	_ =	shalt  }
0x44: {  	_ =	shalt  }
0x45: {  	_ =	shalt  }
0x46: {  	_ =	shalt  }
0x47: {  	_ =	shalt  }
0x48: {  	_ =	shalt  }
0x49: {  	_ =	shalt  }
0x4a: {  	_ =	shalt  }
0x4b: {  	_ =	shalt  }
0x4c: {  	_ =	shalt  }
0x4d: {  	_ =	shalt  }
0x4e: {  	_ =	shalt  }
0x4f: {  	_ =	shalt  }
0x50: {  	_ =	shalt  }
0x51: {  	_ =	shalt  }
0x52: {  	_ =	shalt  }
0x53: {  	_ =	shalt  }
0x54: {  	_ =	shalt  }
0x55: {  	_ =	shalt  }
0x56: {  	_ =	shalt  }
0x57: {  	_ =	shalt  }
0x58: {  	_ =	shalt  }
0x59: {  	_ =	shalt  }
0x5a: {  	_ =	shalt  }
0x5b: {  	_ =	shalt  }
0x5c: {  	_ =	shalt  }
0x5d: {  	_ =	shalt  }
0x5e: {  	_ =	shalt  }
0x5f: {  	_ =	shalt  }
0x60: {  	_ =	shalt  }
0x61: {  	_ =	shalt  }
0x62: {  	_ =	shalt  }
0x63: {  	_ =	shalt  }
0x64: {  	_ =	shalt  }
0x65: {  	_ =	shalt  }
0x66: {  	_ =	shalt  }
0x67: {  	_ =	shalt  }
0x68: {  	_ =	shalt  }
0x69: {  	_ =	shalt  }
0x6a: {  	_ =	shalt  }
0x6b: {  	_ =	shalt  }
0x6c: {  	_ =	shalt  }
0x6d: {  	_ =	shalt  }
0x6e: {  	_ =	shalt  }
0x6f: {  	_ =	shalt  }
0x70: {  	_ =	shalt  }
0x71: {  	_ =	shalt  }
0x72: {  	_ =	shalt  }
0x73: {  	_ =	shalt  }
0x74: {  	_ =	shalt  }
0x75: {  	_ =	shalt  }
0x76: {  	_ =	shalt  }
0x77: {  	_ =	shalt  }
0x78: {  	_ =	shalt  }
0x79: {  	_ =	shalt  }
0x7a: {  	_ =	shalt  }
0x7b: {  	_ =	shalt  }
0x7c: {  	_ =	shalt  }
0x7d: {  	_ =	shalt  }
0x7e: {  	_ =	shalt  }
0x7f: {  	_ =	shalt  }
0x80: {  	_ =	shalt  }
0x81: {  	_ =	shalt  }
0x82: {  	_ =	shalt  }
0x83: {  	_ =	shalt  }
0x84: {  	_ =	shalt  }
0x85: {  	_ =	shalt  }
0x86: {  	_ =	shalt  }
0x87: {  	_ =	shalt  }
.Lfunc_end0:
.L_simem_size_0:
called_computation.1_lowered:
.L_overlay_start_0:
0x88: {  	s2 =	sld [smem:$0x3FD9]  }
0x89: {  	s3 =	sld [smem:$0x3FFE];
	_ =	sdelay $0x1  }
0x8a: {  	s1 =	srdreg.scid  }
0x8b: {  	s0 =	sand.u32 $0x1, s1  }
0x8c: {  	s15 =	sshll.u32 s0, $0xA;
	s2 =	sadd.s32 s3, s2  }
0x8d: {  	s2 =	sadd.s32 s2, s15  }
0x8e: {  	[smem:$0x3FC1] =	sst s2  }
0x8f: {  	_ = 	snop  }
0x90: {  	s2 =	sld [smem:$0x3FD0];
	_ =	sdelay $0x2  }
0x91: {  	s16 =	simm.s32 $0xB;
	s4 =	simm.s32 $0x10  }
0x92: {  	[smem:s4], [sflag:s16] =	dma.local [hbm:s2], $0x1  }
0x93: {  	_ =	swait.eq [sflag:s16], $0x1  }
0x94: {  	[sflag:s16] =	ssyncset.done $0x0  }
0x95: {  	[sflag:s16] =	ssyncadd.s32 $0xFFFFFFFF  }
0x96: {  	s17 =	sld [smem:$0x10];
	(tm) =	ssettm $0x1  }
0x97: {  	s18 =	sld [smem:$0x3FFB];
	_ =	sdelay $0x3  }
0x98: {  	_ =	strace s18  }
0x99: {  	s2 =	sld [smem:$0x3FFC];
	_ =	sdelay $0x3  }
0x9a: {  	_ =	strace s2  }
0x9b: {  	s2 =	sld [smem:$0x3FFD];
	_ =	sdelay $0x3  }
0x9c: {  	_ =	strace s2  }
0x9d: {  	_ =	strace $0x8FFFFFFF  }
0x9e: {  	s19 =	sld [smem:$0x3FDB];
	_ =	sdelay $0x1  }
0x9f: {  	s20 =	simm.s32 $_scs_section_size  }
0xa0: {  	s5 =	simm.s32 $_size__tile_overlayer_lowered;
	s6 =	simm.s32 $_tile_overlayer_lowered  }
0xa1: {  	s7 =	simm.s32 $0x1BFF;
	s21 =	sshll.u32 s6, $0x1;
	s4 =	sadd.s32 s20, s19  }
0xa2: {  	s22 =	simm.s32 $0x0;
	s5 =	sshll.u32 s5, $0x1;
	s6 =	sadd.s32 s21, s4  }
0xa3: {  	[timem:s22], [sflag:s7] =	dma.local [hbm:s6], s5  }
0xa4: {  	_ =	swait.ge [sflag:s7], s5  }
0xa5: {  	s5 =	ssub.s32 $0x0, s5;
	[sflag:s7] =	ssyncset.done $0x0  }
0xa6: {  	[sflag:s7] =	ssyncadd.s32 s5;
	_ =	sdelay $0x1  }
0xa7: {  	s23 =	simm.s32 $0x1B8B  }
0xa8: {  	_ =	swait.ge [sflag:s23], $0x1  }
0xa9: {  	[sflag:s23] =	ssyncset.done $0x0  }
0xaa: {  	[sflag:s23] =	ssyncadd.s32 $0xFFFFFFFF  }
0xab: {  	s5 =	sld [smem:$0x0]  }
0xac: {  	s6 =	sand.u32 $0xFFFFFFFE, s1  }
0xad: {  	p0 =	sne.s32 s1, s6  }
0xae: {  	s6 =	sshll.u32 @p0 s6, $0xE  }
0xaf: {  	s6 =	sadd.s32 @p0 $0x11B8D, s6;
	s7 =	sshll.u32 @p0 s5, $0x11  }
0xb0: {  	s6 =	sor.u32 @p0 s7, s6  }
0xb1: {  	[sflag:s6] =	ssyncadd.remote.s32 @p0 $0x1;
	_ =	sdelay $0x1  }
0xb2: {  	s6 =	simm.s32 @p0 $0x1B8D  }
0xb3: {  	_ =	swait.eq @p0 [sflag:s6], $0x1  }
0xb4: {  	[sflag:s6] =	ssyncadd.s32 @p0 $0xFFFFFFFF  }
0xb5: {  	s7 =	sshll.u32 @!p0 s1, $0xE  }
0xb6: {  	s7 =	sor.u32 @!p0 $0x4000, s7;
	s6 =	simm.s32 @!p0 $0x1B8D  }
0xb7: {  	s5 =	sshll.u32 @!p0 s5, $0x11;
	s7 =	sadd.s32 @!p0 $0x11B8D, s7;
	_ =	swait.eq @!p0 [sflag:s6], $0x1  }
0xb8: {  	s5 =	sor.u32 @!p0 s5, s7;
	[sflag:s6] =	ssyncadd.s32 @!p0 $0xFFFFFFFF  }
0xb9: {  	s25 =	simm.s32 $0x1B8E;
	s24 =	sld [smem:$0x3FFE];
	[sflag:s5] =	ssyncadd.remote.s32 @!p0 $0x1  }
0xba: {  	s26 =	simm.s32 $execute0_lowered;
	[smem:$0x3FD2] =	sst s25  }
0xbb: {  	s6 =	sshll.u32 s26, $0x1;
	_ =	strace $0x80000049;
	[dreg:$0x1] =	wrdreg $0xFFFFFFFF  }
0xbc: {  	s28 =	simm.s32 $_size_execute0_lowered;
	s4 =	sadd.s32 s4, s6;
	[dreg:$0x0] =	wrdreg $0x0  }
0xbd: {  	s6 =	sshll.u32 s28, $0x1;
	[dreg:$0x2] =	wrdreg s4  }
0xbe: {  	[dreg:$0x3] =	wrdreg s6  }
0xbf: {  	[dreg:$0x4] =	wrdreg $0xC0  }
0xc0: {  	_ =	task [dreg:s22], $0x5FFFF  }
0xc1: {  	[dreg:$0x1] =	wrdreg $0xFFFFFFFF  }
0xc2: {  	[dreg:$0x0] =	wrdreg $0x60  }
0xc3: {  	[dreg:$0x2] =	wrdreg s17  }
0xc4: {  	[dreg:$0x3] =	wrdreg s24  }
0xc5: {  	[dreg:$0x4] =	wrdreg $0xA  }
0xc6: {  	_ =	task.clear_ibuf [dreg:s22], $0x5FFFF;
	_ =	strace $0x90000049  }
0xc7: {  	s29 =	simm.s32 $0xA;
	_ =	strace $0x8000004B  }
0xc8: {  	_ =	swait.ge [sflag:s29], $0x1  }
0xc9: {  	[sflag:s29] =	ssyncadd.s32 $0xFFFFFFFF  }
0xca: {  	_ =	strace $0x9000004B  }
0xcb: {  	_ =	sfence  }
0xcc: {  	s30 =	sld [smem:$0x0];
	_ =	sdelay $0x2  }
0xcd: {  	s31 =	sshll.u32 s1, $0xD;
	s1 =	sshrl.u32 s1, $0x2  }
0xce: {  	s4 =	sand.u32 $0x4000, s31;
	s1 =	sadd.s32 s1, s30  }
0xcf: {  	s0 =	sor.u32 s4, s0;
	s1 =	sshll.u32 s1, $0x11  }
0xd0: {  	s0 =	sor.u32 s1, s0  }
0xd1: {  	s0 =	sadd.s32 $0x8F2B, s0  }
0xd2: {  	[sflag:s0] =	ssyncadd.remote.s32 $0x1  }
0xd3: {  	_ =	sfence.sel $0xFFFF  }
0xd4: {  	[dreg:$0x0] =	wrdreg $0xFFFFFFFF;
	(pc) =	sbr.abs _section_cstart, $3  }
0xd5: {  	[dreg:$0x1] =	wrdreg $0xFFFFFFFF  }
0xd6: {  	_ =	task.clear_ibuf [dreg:s22], $0x2FFFF;
	_ =	strace $0x9FFFFFFF  }
0xd7: {  	(tm) =	ssettm $0x7FFFFFFF  }
tec
execute0_lowered:
.L_overlay_start_1:
0x0: {  	(tag) =	ssettag $0x1  }
0x1: {  	s2 =	rddreg [dreg:$0x0];
	s1 =	srdreg.scid  }
0x2: {  	s0 =	stileid.u32;
	s4 =	rddreg [dreg:$0x1];
	s3 =	simm.s32 $0x0  }
0x3: {  	s10 =	simm.s32 $0x1;
	s11 =	simm.s32 $0x0;
	s6 =	smul.u32 $0x28A0, s0  }
0x4: {  	s5 =	sand.u32 $0x1, s1;
	s1 =	rddreg [dreg:$0x2];
	s8 =	smul.u32 $0x28A00, s0  }
0x5: {  	[smem:$0x7FF] =	sst s3;
	s7 =	smul.u32 $0x1450, s5;
	s9 =	ssub.s32 $0x2, s5  }
0x6: {  	_ =	strace $0x8000004A;
	s5 =	smul.u32 $0x14500, s5;
	s31 =	sshrl.u32 s9, $0x1  }
0x7: {  	s30 =	sadd.s32 s8, s4;
	s6 =	sadd.s32 s7, s6;
	s8 =	ssub.s32 s9, s31  }
0x8: {  	s5 =	sadd.s32 s5, s30;
	s7 =	simm.s32 $0x2;
	s6 =	sshrl.u32 s6, $0x3  }
0x9: {  	s9 =	simm.s32 $0x80;
	s5 =	sadd.s32 $0x28BC00, s5;
	s6 =	sadd.s32 s6, s4  }
0xa: {  	s4 =	smax.u32 s8, $0x1;
	s8 =	simm.s32 $0x50;
	s6 =	sadd.s32 $0x286A00, s6  }
.LBB2_1:
0xb: {  	s12 =	sadd.s32 $0x0, s6  }
0xc: {  	[tilespmem:s3], [sflag:$0x2] =	stream.linear.gather [hbm4b:s12+s3], $0x50, $0x38;
	[tilespmem:$0x2880] =	vst v63  }
0xd: {  	_ =	swait.ge [sflag:s7], $0x50  }
0xe: {  	[sflag:s7] =	ssyncset.done $0x0  }
0xf: {  	[sflag:s7] =	ssyncadd.s32 $0xFFFFFFB0  }
0x10: {  	[tilespmem:s9], [sflag:$0x1] =	stream.indirect.gather [hbm4b:s2+s8], $0x80, s3, s8, $0xb8;
	[tilespmem:$0x2880] =	vst v63  }
0x11: {  	_ =	swait.ge [sflag:s10], $0x2800  }
0x12: {  	[sflag:s10] =	ssyncset.done $0x0  }
0x13: {  	[sflag:s10] =	ssyncadd.s32 $0xFFFFD800  }
0x14: {  	[hbm4b:s5+s3] =	stream.linear.scatter [tilespmem:s9], [sflag:$0x2], $0x2800, $0x38;
	[tilespmem:$0x2880] =	vst v63  }
0x15: {  	s13 =	simm.s32 $0xA;
	_ =	swait.ge [sflag:s7], $0x2800  }
0x16: {  	s14 =	simm.s32 $0x14;
	s12 =	sadd.s32 $0x500, s5;
	[sflag:s7] =	ssyncset.done $0x0  }
.LBB2_2:
0x17: {  	s15 =	sadd.s32 s13, s6  }
0x18: {  	[sflag:s7] =	ssyncadd.s32 $0xFFFFD800;
	s13 =	smov.u32 s14;
	s16 =	sadd.s32 $0xA, s14  }
0x19: {  	[tilespmem:s3], [sflag:$0x2] =	stream.linear.gather [hbm4b:s15+s3], $0x50, $0x38;
	[tilespmem:$0x2880] =	vst v63  }
0x1a: {  	p0 =	sne.s32 s14, $0x280;
	_ =	swait.ge [sflag:s7], $0x50  }
0x1b: {  	[sflag:s7] =	ssyncset.done $0x0  }
0x1c: {  	[sflag:s7] =	ssyncadd.s32 $0xFFFFFFB0  }
0x1d: {  	[tilespmem:s9], [sflag:$0x1] =	stream.indirect.gather [hbm4b:s2+s8], $0x80, s3, s8, $0xb8;
	[tilespmem:$0x2880] =	vst v63  }
0x1e: {  	_ =	swait.ge [sflag:s10], $0x2800  }
.Ltmp0:
0x1f: {  	[sflag:s10] =	ssyncset.done $0x0;
	(pc) =	sbr.rel @p0 .LBB2_2-.Ltmp0, $4  }
0x20: {  	[sflag:s10] =	ssyncadd.s32 $0xFFFFD800  }
0x21: {  	[hbm4b:s12+s3] =	stream.linear.scatter [tilespmem:s9], [sflag:$0x2], $0x2800, $0x38;
	[tilespmem:$0x2880] =	vst v63  }
0x22: {  	_ =	swait.ge [sflag:s7], $0x2800  }
0x23: {  	s14 =	smov.u32 s16;
	s12 =	sadd.s32 $0x500, s12;
	[sflag:s7] =	ssyncset.done $0x0  }
0x24: {  	s13 =	sadd.s32 s13, s6;
	[sflag:s7] =	ssyncadd.s32 $0xFFFFD800  }
0x25: {  	[tilespmem:s3], [sflag:$0x2] =	stream.linear.gather [hbm4b:s13+s3], $0x50, $0x38;
	[tilespmem:$0x2880] =	vst v63  }
0x26: {  	_ =	swait.ge [sflag:s7], $0x50  }
0x27: {  	[sflag:s7] =	ssyncset.done $0x0  }
0x28: {  	[sflag:s7] =	ssyncadd.s32 $0xFFFFFFB0  }
0x29: {  	[tilespmem:s9], [sflag:$0x1] =	stream.indirect.gather [hbm4b:s2+s8], $0x80, s3, s8, $0xb8;
	[tilespmem:$0x2880] =	vst v63  }
0x2a: {  	s11 =	sadd.s32 $0x1, s11;
	_ =	swait.ge [sflag:s10], $0x2800  }
0x2b: {  	p0 =	sne.s32 s11, s4;
	[sflag:s10] =	ssyncset.done $0x0  }
.Ltmp1:
0x2c: {  	[sflag:s10] =	ssyncadd.s32 $0xFFFFD800;
	(pc) =	sbr.rel @p0 .LBB2_1-.Ltmp1, $4  }
0x2d: {  	[hbm4b:s12+s3] =	stream.linear.scatter [tilespmem:s9], [sflag:$0x2], $0x2800, $0x38;
	[tilespmem:$0x2880] =	vst v63  }
0x2e: {  	_ =	swait.ge [sflag:s7], $0x2800  }
0x2f: {  	[sflag:s7] =	ssyncset.done $0x0  }
0x30: {  	[sflag:s7] =	ssyncadd.s32 $0xFFFFD800  }
0x31: {  	_ =	sfence.sel $0x180000  }
0x32: {  	[bflag:$0x0] =	sbarrier.arrive $0xFFFF  }
0x33: {  	p0 =	sne.s32 s0, $0x0;
	_ =	strace $0x9000004A  }
0x34: {  	s0 =	sadd.s32 @!p0 $0x100000, s1;
	[bflag:$0x2] =	sbarrier.arrive $0xFFFF  }
0x35: {  	[sflag:s0] =	ssyncadd.tile.s32 @!p0 $0x1;
	_ =	shalt  }
.Lfunc_end2:
_tile_overlayer_lowered:
.L_overlay_start_2:
0x36: {  	(tag) =	ssettag $0x2  }
0x37: {  	s0 =	rddreg [dreg:$0x0];
	s2 =	stileid.u32  }
0x38: {  	s1 =	rddreg [dreg:$0x1];
	p0 =	sne.s32 s2, $0x0  }
0x39: {  	s3 =	rddreg [dreg:$0x2];
	[bflag:$0x3] =	sbarrier.arrive $0xFFFF;
	s2 =	simm.s32 @!p0 $0x1C02  }
0x3a: {  	[timem:s3], [sflag:s2] =	dma.local @!p0 [hbm:s0], s1  }
0x3b: {  	s0 =	simm.s32 @!p0 $0x2  }
0x3c: {  	_ =	swait.ge @!p0 [sflag:s0], s1  }
0x3d: {  	s1 =	ssub.s32 @!p0 $0x0, s1;
	[sflag:s0] =	ssyncset.done @!p0 $0x0  }
0x3e: {  	[sflag:s0] =	ssyncadd.s32 @!p0 s1  }
0x3f: {  	[bflag:$0x3] =	sbarrier.arrive $0xFFFF  }
0x40: {  	_ =	shalt  }

// kernel: kernel.9.cloned.1.call-start
scs
__scs_entry_jumppad:
0x0: {  	(pc) =	sbr.rel $0x88, $3  }
0x1: {  	(tag) =	ssettag $0x0;
	lr =	simm.s32 $0x1  }
0x2: {  	[smem:$0x3F9A] =	sst lr;
	_ =	strace $0xD0000000  }
0x3: {  	_ = 	snop  }
0x4: {  	_ = 	snop  }
0x5: {  	_ = 	snop  }
0x6: {  	_ = 	snop  }
0x7: {  	_ = 	snop  }
__scs_overlays_trampoline_lowered:
0x8: {  	[smem:$0x3FA9] =	sst s0  }
0x9: {  	[smem:$0x3FAA] =	sst s1  }
0xa: {  	[smem:$0x3FAB] =	sst s2  }
0xb: {  	[smem:$0x3FAC] =	sst s3  }
0xc: {  	[smem:$0x3FAD] =	sst s4  }
0xd: {  	[smem:$0x3FAE] =	sst s5  }
0xe: {  	[smem:$0x3FAF] =	sst s6  }
0xf: {  	[smem:$0x3FB0] =	sst s7  }
0x10: {  	[smem:$0x3FB1] =	sst s8  }
0x11: {  	[smem:$0x3FB2] =	sst s9;
	s0 =	simm.s32 @!p0 $0x0  }
0x12: {  	s1 =	sld [smem:$0x3F98];
	s0 =	simm.s32 @p0 $0x1  }
0x13: {  	[smem:$0x3FB3] =	sst s0;
	s0 =	simm.s32 @!p1 $0x0  }
0x14: {  	s2 =	sld [smem:$0x3F97];
	s0 =	simm.s32 @p1 $0x1  }
0x15: {  	[smem:$0x3FB4] =	sst s0;
	s0 =	simm.s32 @!p2 $0x0  }
0x16: {  	s3 =	sld [smem:$0x3FDB];
	s0 =	simm.s32 @p2 $0x1  }
0x17: {  	s4 =	simm.s32 $0x1BF5;
	[smem:$0x3FB6] =	sst s0  }
0x18: {  	s0 =	sld [smem:$0x3F99];
	_ =	swait.ge [sflag:s4], $0x0  }
0x19: {  	s7 =	sld [smem:$0x3F9A]  }
0x1a: {  	s8 =	sadd.s32 $0xFFFFE003, lr  }
0x1b: {  	s9 =	sadd.s32 $0xFFFFFEF7, lr;
	s5 =	simm.s32 $0xFFFFFFFF;
	p2 =	slt.u32 s8, $0xFFFFF086  }
0x1c: {  	p1 =	slt.u32 s9, $0xF7A;
	s5 =	simm.s32 @!p2 $0x0  }
0x1d: {  	s5 =	simm.s32 @p1 $0x1;
	p0 =	seq.s32 s7, s2  }
0x1e: {  	s7 =	smul.u32 @!p0 $0xF7A, s2;
	p2 =	seq.s32 @!p0 s5, $0x0  }
0x1f: {  	s9 =	smul.u32 $0xF7A, s1;
	s8 =	simm.s32 @!p0 $0x1BF5;
	p2 =	por !p2, p0  }
0x20: {  	[sflag:s8] =	ssyncset.s32 @!p0 $0xFFFFF086;
	s6 =	sadd.s32 @!p0 s3, s7;
	s7 =	simm.s32 @!p0 $0x108  }
0x21: {  	s3 =	sadd.s32 s3, s9;
	s6 =	sadd.s32 @!p0 $0x88, s6;
	s7 =	simm.s32 @p2 $0x1082  }
0x22: {  	[simem:s7], [sflag:s8] =	dma.local @!p0 [hbm:s6], $0xF7A  }
0x23: {  	s9 =	sor.u32 $0xD0000000, s2;
	s6 =	simm.s32 $0x108;
	_ =	swait.ge @!p0 [sflag:s8], $0x0  }
0x24: {  	s3 =	sadd.s32 $0x88, s3;
	s6 =	simm.s32 @!p1 $0x1082;
	[sflag:s4] =	ssyncset.s32 $0xFFFFF086  }
0x25: {  	[simem:s6], [sflag:s4] =	dma.local [hbm:s3], $0xF7A  }
0x26: {  	[smem:$0x3F9A] =	sst s1;
	(tag) =	ssettag s2;
	_ =	strace s9  }
0x27: {  	s1 =	sld [smem:$0x3FAA]  }
0x28: {  	s2 =	sld [smem:$0x3FAB]  }
0x29: {  	s4 =	sld [smem:$0x3FAD]  }
0x2a: {  	p0 =	seq.s32 s5, $0x0;
	s5 =	sld [smem:$0x3FAE]  }
0x2b: {  	s6 =	sld [smem:$0x3FAF]  }
0x2c: {  	s7 =	sld [smem:$0x3FB0]  }
0x2d: {  	s3 =	simm.s32 $0x108;
	s8 =	sld [smem:$0x3FB1]  }
0x2e: {  	s3 =	simm.s32 @!p0 $0x1082;
	s9 =	sld [smem:$0x3FB2]  }
0x2f: {  	lr =	sadd.s32 s0, s3;
	s0 =	sld [smem:$0x3FA9]  }
0x30: {  	s3 =	sld [smem:$0x3FAC]  }
0x31: {  	[smem:$0x3FB5] =	sst s10  }
0x32: {  	s10 =	sld [smem:$0x3FB3];
	_ =	sdelay $0x3  }
0x33: {  	p0 =	seq.s32 s10, $0x1;
	s10 =	sld [smem:$0x3FB5];
	_ =	sdelay $0x3  }
0x34: {  	[smem:$0x3FB5] =	sst s10  }
0x35: {  	s10 =	sld [smem:$0x3FB4];
	_ =	sdelay $0x3  }
0x36: {  	p1 =	seq.s32 s10, $0x1;
	s10 =	sld [smem:$0x3FB5];
	_ =	sdelay $0x3  }
0x37: {  	[smem:$0x3FB5] =	sst s10  }
0x38: {  	s10 =	sld [smem:$0x3FB6]  }
0x39: {  	_ = 	snop;
	(pc) =	sbr.ind lr, $3  }
0x3a: {  	_ = 	snop  }
0x3b: {  	_ = 	snop  }
0x3c: {  	p2 =	seq.s32 s10, $0x1;
	s10 =	sld [smem:$0x3FB5]  }
0x3d: {  	_ =	shalt  }
0x3e: {  	_ =	shalt  }
0x3f: {  	_ =	shalt  }
0x40: {  	_ =	shalt  }
0x41: {  	_ =	shalt  }
0x42: {  	_ =	shalt  }
0x43: {  	_ =	shalt  }
0x44: {  	_ =	shalt  }
0x45: {  	_ =	shalt  }
0x46: {  	_ =	shalt  }
0x47: {  	_ =	shalt  }
0x48: {  	_ =	shalt  }
0x49: {  	_ =	shalt  }
0x4a: {  	_ =	shalt  }
0x4b: {  	_ =	shalt  }
0x4c: {  	_ =	shalt  }
0x4d: {  	_ =	shalt  }
0x4e: {  	_ =	shalt  }
0x4f: {  	_ =	shalt  }
0x50: {  	_ =	shalt  }
0x51: {  	_ =	shalt  }
0x52: {  	_ =	shalt  }
0x53: {  	_ =	shalt  }
0x54: {  	_ =	shalt  }
0x55: {  	_ =	shalt  }
0x56: {  	_ =	shalt  }
0x57: {  	_ =	shalt  }
0x58: {  	_ =	shalt  }
0x59: {  	_ =	shalt  }
0x5a: {  	_ =	shalt  }
0x5b: {  	_ =	shalt  }
0x5c: {  	_ =	shalt  }
0x5d: {  	_ =	shalt  }
0x5e: {  	_ =	shalt  }
0x5f: {  	_ =	shalt  }
0x60: {  	_ =	shalt  }
0x61: {  	_ =	shalt  }
0x62: {  	_ =	shalt  }
0x63: {  	_ =	shalt  }
0x64: {  	_ =	shalt  }
0x65: {  	_ =	shalt  }
0x66: {  	_ =	shalt  }
0x67: {  	_ =	shalt  }
0x68: {  	_ =	shalt  }
0x69: {  	_ =	shalt  }
0x6a: {  	_ =	shalt  }
0x6b: {  	_ =	shalt  }
0x6c: {  	_ =	shalt  }
0x6d: {  	_ =	shalt  }
0x6e: {  	_ =	shalt  }
0x6f: {  	_ =	shalt  }
0x70: {  	_ =	shalt  }
0x71: {  	_ =	shalt  }
0x72: {  	_ =	shalt  }
0x73: {  	_ =	shalt  }
0x74: {  	_ =	shalt  }
0x75: {  	_ =	shalt  }
0x76: {  	_ =	shalt  }
0x77: {  	_ =	shalt  }
0x78: {  	_ =	shalt  }
0x79: {  	_ =	shalt  }
0x7a: {  	_ =	shalt  }
0x7b: {  	_ =	shalt  }
0x7c: {  	_ =	shalt  }
0x7d: {  	_ =	shalt  }
0x7e: {  	_ =	shalt  }
0x7f: {  	_ =	shalt  }
0x80: {  	_ =	shalt  }
0x81: {  	_ =	shalt  }
0x82: {  	_ =	shalt  }
0x83: {  	_ =	shalt  }
0x84: {  	_ =	shalt  }
0x85: {  	_ =	shalt  }
0x86: {  	_ =	shalt  }
0x87: {  	_ =	shalt  }
.Lfunc_end0:
.L_simem_size_0:
called_computation_lowered:
.L_overlay_start_0:
0x88: {  	s2 =	sld [smem:$0x3FD9]  }
0x89: {  	s3 =	sld [smem:$0x3FFE];
	_ =	sdelay $0x1  }
0x8a: {  	s1 =	srdreg.scid  }
0x8b: {  	s0 =	sand.u32 $0x1, s1  }
0x8c: {  	s14 =	sshll.u32 s0, $0xA;
	s2 =	sadd.s32 s3, s2  }
0x8d: {  	s2 =	sadd.s32 s2, s14  }
0x8e: {  	[smem:$0x3FC1] =	sst s2  }
0x8f: {  	_ = 	snop  }
0x90: {  	s2 =	sld [smem:$0x3FD0];
	_ =	sdelay $0x2  }
0x91: {  	s15 =	simm.s32 $0xB;
	s4 =	simm.s32 $0x10  }
0x92: {  	[smem:s4], [sflag:s15] =	dma.local [hbm:s2], $0x1  }
0x93: {  	_ =	swait.eq [sflag:s15], $0x1  }
0x94: {  	[sflag:s15] =	ssyncset.done $0x0  }
0x95: {  	[sflag:s15] =	ssyncadd.s32 $0xFFFFFFFF  }
0x96: {  	s16 =	sld [smem:$0x10];
	(tm) =	ssettm $0x1  }
0x97: {  	s17 =	sld [smem:$0x3FFB];
	_ =	sdelay $0x3  }
0x98: {  	_ =	strace s17  }
0x99: {  	s3 =	sld [smem:$0x3FFC];
	_ =	sdelay $0x3  }
0x9a: {  	_ =	strace s3  }
0x9b: {  	s3 =	sld [smem:$0x3FFD];
	_ =	sdelay $0x3  }
0x9c: {  	_ =	strace s3  }
0x9d: {  	_ =	strace $0x8FFFFFFF  }
0x9e: {  	s18 =	sld [smem:$0x3FDB];
	_ =	sdelay $0x1  }
0x9f: {  	s19 =	simm.s32 $_scs_section_size  }
0xa0: {  	s5 =	simm.s32 $_size__tile_overlayer_lowered;
	s6 =	simm.s32 $_tile_overlayer_lowered  }
0xa1: {  	s22 =	simm.s32 $0x1BFF;
	s21 =	sshll.u32 s6, $0x1;
	s3 =	sadd.s32 s19, s18  }
0xa2: {  	s7 =	simm.s32 $0x0;
	s20 =	sshll.u32 s5, $0x1;
	s5 =	sadd.s32 s21, s3  }
0xa3: {  	[timem:s7], [sflag:s22] =	dma.local [hbm:s5], s20  }
0xa4: {  	_ =	swait.ge [sflag:s22], s20  }
0xa5: {  	s4 =	ssub.s32 $0x0, s20;
	[sflag:s22] =	ssyncset.done $0x0  }
0xa6: {  	[sflag:s22] =	ssyncadd.s32 s4;
	_ =	sdelay $0x1  }
0xa7: {  	s23 =	simm.s32 $0x1B8B  }
0xa8: {  	_ =	swait.ge [sflag:s23], $0x1  }
0xa9: {  	[sflag:s23] =	ssyncset.done $0x0  }
0xaa: {  	s25 =	simm.s32 $0x1B8E;
	s24 =	sld [smem:$0x3FFE];
	[sflag:s23] =	ssyncadd.s32 $0xFFFFFFFF  }
0xab: {  	s26 =	simm.s32 $execute0_lowered;
	[smem:$0x3FD2] =	sst s25  }
0xac: {  	s5 =	sshll.u32 s26, $0x1;
	_ =	strace $0x80000046;
	[dreg:$0x1] =	wrdreg $0xFFFFFFFF  }
0xad: {  	s28 =	simm.s32 $_size_execute0_lowered;
	s3 =	sadd.s32 s3, s5;
	[dreg:$0x0] =	wrdreg $0x0  }
0xae: {  	s5 =	sshll.u32 s28, $0x1;
	[dreg:$0x2] =	wrdreg s3  }
0xaf: {  	[dreg:$0x3] =	wrdreg s5  }
0xb0: {  	[dreg:$0x4] =	wrdreg $0xC0  }
0xb1: {  	_ =	task [dreg:s7], $0x5FFFF  }
0xb2: {  	[dreg:$0x1] =	wrdreg $0xFFFFFFFF  }
0xb3: {  	[dreg:$0x0] =	wrdreg $0x60  }
0xb4: {  	[dreg:$0x2] =	wrdreg s16  }
0xb5: {  	[dreg:$0x3] =	wrdreg s24  }
0xb6: {  	[dreg:$0x4] =	wrdreg $0x9  }
0xb7: {  	_ =	task.clear_ibuf [dreg:s7], $0x5FFFF;
	_ =	strace $0x90000046  }
0xb8: {  	s29 =	simm.s32 $0x9;
	_ =	strace $0x80000048  }
0xb9: {  	_ =	swait.ge [sflag:s29], $0x1  }
0xba: {  	[sflag:s29] =	ssyncadd.s32 $0xFFFFFFFF  }
0xbb: {  	_ =	strace $0x90000048  }
0xbc: {  	_ =	sfence  }
0xbd: {  	s30 =	sld [smem:$0x0];
	_ =	sdelay $0x2  }
0xbe: {  	s31 =	sshll.u32 s1, $0xD;
	s1 =	sshrl.u32 s1, $0x2  }
0xbf: {  	s3 =	sand.u32 $0x4000, s31;
	s1 =	sadd.s32 s1, s30  }
0xc0: {  	s0 =	sor.u32 s3, s0;
	s1 =	sshll.u32 s1, $0x11  }
0xc1: {  	s0 =	sor.u32 s1, s0  }
0xc2: {  	s0 =	sadd.s32 $0x8F2B, s0  }
0xc3: {  	[sflag:s0] =	ssyncadd.remote.s32 $0x1  }
0xc4: {  	_ =	sfence.sel $0xFFFF  }
0xc5: {  	[dreg:$0x0] =	wrdreg $0xFFFFFFFF;
	(pc) =	sbr.abs _section_cstart, $3  }
0xc6: {  	[dreg:$0x1] =	wrdreg $0xFFFFFFFF  }
0xc7: {  	_ =	task.clear_ibuf [dreg:s7], $0x2FFFF;
	_ =	strace $0x9FFFFFFF  }
0xc8: {  	(tm) =	ssettm $0x7FFFFFFF  }
0xc9: {  	_ =	shalt  }
tec
execute0_lowered:
.L_overlay_start_1:
0x0: {  	(tag) =	ssettag $0x1  }
0x1: {  	s2 =	rddreg [dreg:$0x0];
	s1 =	srdreg.scid  }
0x2: {  	s0 =	stileid.u32;
	s4 =	rddreg [dreg:$0x1];
	s3 =	simm.s32 $0x0  }
0x3: {  	s10 =	simm.s32 $0x1;
	s11 =	simm.s32 $0x0;
	s6 =	smul.u32 $0x2580, s0  }
0x4: {  	s5 =	sand.u32 $0x1, s1;
	s1 =	rddreg [dreg:$0x2];
	s8 =	smul.u32 $0x25800, s0  }
0x5: {  	[smem:$0x7FF] =	sst s3;
	s7 =	smul.u32 $0x12C0, s5;
	s9 =	ssub.s32 $0x2, s5  }
0x6: {  	_ =	strace $0x80000047;
	s5 =	smul.u32 $0x12C00, s5;
	s31 =	sshrl.u32 s9, $0x1  }
0x7: {  	s30 =	sadd.s32 s8, s4;
	s6 =	sadd.s32 s7, s6;
	s8 =	ssub.s32 s9, s31  }
0x8: {  	s5 =	sadd.s32 s5, s30;
	s7 =	simm.s32 $0x2;
	s6 =	sshrl.u32 s6, $0x3  }
0x9: {  	s9 =	simm.s32 $0x80;
	s5 =	sadd.s32 $0x2EA00, s5;
	s6 =	sadd.s32 s6, s4  }
0xa: {  	s4 =	smax.u32 s8, $0x1;
	s8 =	simm.s32 $0x50;
	s6 =	sadd.s32 $0x2C00, s6  }
.LBB2_1:
0xb: {  	s12 =	sadd.s32 $0x0, s6  }
0xc: {  	[tilespmem:s3], [sflag:$0x2] =	stream.linear.gather [hbm4b:s12+s3], $0x50, $0x38;
	[tilespmem:$0x2880] =	vst v63  }
0xd: {  	_ =	swait.ge [sflag:s7], $0x50  }
0xe: {  	[sflag:s7] =	ssyncset.done $0x0  }
0xf: {  	[sflag:s7] =	ssyncadd.s32 $0xFFFFFFB0  }
0x10: {  	[tilespmem:s9], [sflag:$0x1] =	stream.indirect.gather [hbm4b:s2+s8], $0x80, s3, s8, $0xb8;
	[tilespmem:$0x2880] =	vst v63  }
0x11: {  	_ =	swait.ge [sflag:s10], $0x2800  }
0x12: {  	[sflag:s10] =	ssyncset.done $0x0  }
0x13: {  	[sflag:s10] =	ssyncadd.s32 $0xFFFFD800  }
0x14: {  	[hbm4b:s5+s3] =	stream.linear.scatter [tilespmem:s9], [sflag:$0x2], $0x2800, $0x38;
	[tilespmem:$0x2880] =	vst v63  }
0x15: {  	s13 =	simm.s32 $0xA;
	_ =	swait.ge [sflag:s7], $0x2800  }
0x16: {  	s14 =	simm.s32 $0x14;
	s12 =	sadd.s32 $0x500, s5;
	[sflag:s7] =	ssyncset.done $0x0  }
.LBB2_2:
0x17: {  	s15 =	sadd.s32 s13, s6  }
0x18: {  	[sflag:s7] =	ssyncadd.s32 $0xFFFFD800;
	s13 =	smov.u32 s14;
	s16 =	sadd.s32 $0xA, s14  }
0x19: {  	[tilespmem:s3], [sflag:$0x2] =	stream.linear.gather [hbm4b:s15+s3], $0x50, $0x38;
	[tilespmem:$0x2880] =	vst v63  }
0x1a: {  	p0 =	sne.s32 s14, $0x24E;
	_ =	swait.ge [sflag:s7], $0x50  }
0x1b: {  	[sflag:s7] =	ssyncset.done $0x0  }
0x1c: {  	[sflag:s7] =	ssyncadd.s32 $0xFFFFFFB0  }
0x1d: {  	[tilespmem:s9], [sflag:$0x1] =	stream.indirect.gather [hbm4b:s2+s8], $0x80, s3, s8, $0xb8;
	[tilespmem:$0x2880] =	vst v63  }
0x1e: {  	_ =	swait.ge [sflag:s10], $0x2800  }
.Ltmp0:
0x1f: {  	[sflag:s10] =	ssyncset.done $0x0;
	(pc) =	sbr.rel @p0 .LBB2_2-.Ltmp0, $4  }
0x20: {  	[sflag:s10] =	ssyncadd.s32 $0xFFFFD800  }
0x21: {  	[hbm4b:s12+s3] =	stream.linear.scatter [tilespmem:s9], [sflag:$0x2], $0x2800, $0x38;
	[tilespmem:$0x2880] =	vst v63  }
0x22: {  	_ =	swait.ge [sflag:s7], $0x2800  }
0x23: {  	s14 =	smov.u32 s16;
	s12 =	sadd.s32 $0x500, s12;
	[sflag:s7] =	ssyncset.done $0x0  }
0x24: {  	s13 =	sadd.s32 s13, s6;
	[sflag:s7] =	ssyncadd.s32 $0xFFFFD800  }
0x25: {  	[tilespmem:s3], [sflag:$0x2] =	stream.linear.gather [hbm4b:s13+s3], $0x50, $0x38;
	[tilespmem:$0x2880] =	vst v63  }
0x26: {  	_ =	swait.ge [sflag:s7], $0x50  }
0x27: {  	[sflag:s7] =	ssyncset.done $0x0  }
0x28: {  	[sflag:s7] =	ssyncadd.s32 $0xFFFFFFB0  }
0x29: {  	[tilespmem:s9], [sflag:$0x1] =	stream.indirect.gather [hbm4b:s2+s8], $0x80, s3, s8, $0xb8;
	[tilespmem:$0x2880] =	vst v63  }
0x2a: {  	s11 =	sadd.s32 $0x1, s11;
	_ =	swait.ge [sflag:s10], $0x2800  }
0x2b: {  	p0 =	sne.s32 s11, s4;
	[sflag:s10] =	ssyncset.done $0x0  }
.Ltmp1:
0x2c: {  	[sflag:s10] =	ssyncadd.s32 $0xFFFFD800;
	(pc) =	sbr.rel @p0 .LBB2_1-.Ltmp1, $4  }
0x2d: {  	[hbm4b:s12+s3] =	stream.linear.scatter [tilespmem:s9], [sflag:$0x2], $0x2800, $0x38;
	[tilespmem:$0x2880] =	vst v63  }
0x2e: {  	_ =	swait.ge [sflag:s7], $0x2800  }
0x2f: {  	[sflag:s7] =	ssyncset.done $0x0  }
0x30: {  	[sflag:s7] =	ssyncadd.s32 $0xFFFFD800  }
0x31: {  	_ =	sfence.sel $0x180000  }
0x32: {  	[bflag:$0x0] =	sbarrier.arrive $0xFFFF  }
0x33: {  	p0 =	sne.s32 s0, $0x0;
	_ =	strace $0x90000047  }
0x34: {  	s0 =	sadd.s32 @!p0 $0x100000, s1;
	[bflag:$0x2] =	sbarrier.arrive $0xFFFF  }
0x35: {  	[sflag:s0] =	ssyncadd.tile.s32 @!p0 $0x1;
	_ =	shalt  }
.Lfunc_end2:
_tile_overlayer_lowered:
.L_overlay_start_2:
0x36: {  	(tag) =	ssettag $0x2  }
0x37: {  	s0 =	rddreg [dreg:$0x0];
	s2 =	stileid.u32  }
0x38: {  	s1 =	rddreg [dreg:$0x1];
	p0 =	sne.s32 s2, $0x0  }
0x39: {  	s3 =	rddreg [dreg:$0x2];
	[bflag:$0x3] =	sbarrier.arrive $0xFFFF;
	s2 =	simm.s32 @!p0 $0x1C02  }
0x3a: {  	[timem:s3], [sflag:s2] =	dma.local @!p0 [hbm:s0], s1  }
0x3b: {  	s0 =	simm.s32 @!p0 $0x2  }
0x3c: {  	_ =	swait.ge @!p0 [sflag:s0], s1  }
0x3d: {  	s1 =	ssub.s32 @!p0 $0x0, s1;
	[sflag:s0] =	ssyncset.done @!p0 $0x0  }
0x3e: {  	[sflag:s0] =	ssyncadd.s32 @!p0 s1  }
0x3f: {  	[bflag:$0x3] =	sbarrier.arrive $0xFFFF  }
0x40: {  	_ =	shalt  }

</sc_bundles>
